<compile_context>
chip_gen: v7x
topology: tpu7x:2x2x1
jax: 0.10.2.dev20260603
libtpu: 0.0.44.dev20260713+nightly
codegen_flags: <defaults>
</compile_context>

<pallas_src>
import functools

import jax
import jax.numpy as jnp
from jax import lax
from jax.experimental import pallas as pl
from jax.experimental.pallas import tpu as pltpu
from jax.experimental.pallas import tpu_sc as plsc

N = 10000
E = 320000
D = 128
DH = D // 2

NC = 2
NS = 16
CH = 128
NCH = 160
NBUF = 4
NSTEP = NCH // NBUF
EPAD = NS * NCH * CH
NPAD = 10240
RPT = NPAD // NS


def _seg_sum_body(with_deg, *refs):
    if with_deg:
        (featL, featR, src2, dst2, zeros2d, zeros1, ones_h,
         accout, degout, src_buf, dst_buf, ones_v,
         rows0, rows1, rows2, rows3,
         gs0, gs1, gs2, gs3, ss0, ss1, ss2, ss3, ds0, ds1, ds2, ds3,
         acc, deg) = refs
        dsem = [ds0, ds1, ds2, ds3]
    else:
        (featL, featR, src2, dst2, zeros2d,
         accout, src_buf, dst_buf,
         rows0, rows1, rows2, rows3,
         gs0, gs1, gs2, gs3, ss0, ss1, ss2, ss3,
         acc) = refs
    rows = [rows0, rows1, rows2, rows3]
    gsem = [gs0, gs1, gs2, gs3]
    ssem = [ss0, ss1, ss2, ss3]

    c = lax.axis_index("c")
    s = lax.axis_index("s")

    def start_gather(j, b):
        @pl.when(c == 0)
        def _():
            pltpu.async_copy(featL.at[src_buf.at[j]], rows[b], gsem[b])

        @pl.when(c == 1)
        def _():
            pltpu.async_copy(featR.at[src_buf.at[j]], rows[b], gsem[b])

    def wait_gather(b):
        pltpu.make_async_copy(featL.at[src_buf.at[0]], rows[b],
                              gsem[b]).wait()

    def start_scatter(j, b):
        pltpu.make_async_copy(rows[b], acc.at[dst_buf.at[j]],
                              ssem[b]).start(add=True)

    def wait_scatter(b):
        pltpu.make_async_copy(rows[b], acc.at[dst_buf.at[0]],
                              ssem[b]).wait()

    def start_deg(j, b):
        pltpu.make_async_copy(ones_v, deg.at[dst_buf.at[j]],
                              dsem[b]).start(add=True)

    def wait_deg(b):
        pltpu.make_async_copy(ones_v, deg.at[dst_buf.at[0]],
                              dsem[b]).wait()

    pltpu.sync_copy(zeros2d, acc.at[pl.ds(s * RPT, RPT)])
    if with_deg:
        pltpu.sync_copy(zeros1, deg.at[pl.ds(s * RPT, RPT)])
        pltpu.sync_copy(ones_h, ones_v)
    pltpu.sync_copy(src2.at[pl.ds(s * NCH, NCH)], src_buf)
    pltpu.sync_copy(dst2.at[pl.ds(s * NCH, NCH)], dst_buf)
    plsc.subcore_barrier()

    for b in range(NBUF):
        start_gather(b, b)
    for b in range(NBUF):
        wait_gather(b)
        start_scatter(b, b)
        if with_deg:
            start_deg(b, b)
    for b in range(NBUF):
        wait_scatter(b)
        start_gather(NBUF + b, b)

    def step(g, carry):
        for b in range(NBUF):
            j = g * NBUF + b
            wait_gather(b)
            start_scatter(j, b)
            if with_deg:
                wait_deg(b)
                start_deg(j, b)
        for b in range(NBUF):
            wait_scatter(b)
            start_gather((g + 1) * NBUF + b, b)
        return carry

    lax.fori_loop(1, NSTEP - 1, step, 0)
    for b in range(NBUF):
        j = (NSTEP - 1) * NBUF + b
        wait_gather(b)
        start_scatter(j, b)
        if with_deg:
            wait_deg(b)
            start_deg(j, b)
    for b in range(NBUF):
        wait_scatter(b)
        if with_deg:
            wait_deg(b)
    plsc.subcore_barrier()

    base = c * NPAD + s * RPT
    pltpu.sync_copy(acc.at[pl.ds(s * RPT, RPT)],
                    accout.at[pl.ds(base, RPT)])
    if with_deg:
        pltpu.sync_copy(deg.at[pl.ds(s * RPT, RPT)],
                        degout.at[pl.ds(base, RPT)])


def _seg_sum(featL, featR, src2, dst2, with_deg):
    mesh = plsc.VectorSubcoreMesh(core_axis_name="c", subcore_axis_name="s")
    rows_bufs = [pltpu.VMEM((CH, DH), jnp.float32) for _ in range(NBUF)]
    if with_deg:
        out_type = (jax.ShapeDtypeStruct((2 * NPAD, DH), jnp.float32),
                    jax.ShapeDtypeStruct((2 * NPAD, 8), jnp.float32))
        scratch = ([pltpu.VMEM((NCH, CH), jnp.int32),
                    pltpu.VMEM((NCH, CH), jnp.int32),
                    pltpu.VMEM((CH, 8), jnp.float32)]
                   + rows_bufs
                   + [pltpu.SemaphoreType.DMA] * (3 * NBUF)
                   + [pltpu.VMEM_SHARED((NPAD, DH), jnp.float32),
                      pltpu.VMEM_SHARED((NPAD, 8), jnp.float32)])
        extra = (jnp.zeros((RPT, 8), jnp.float32),
                 jnp.ones((CH, 8), jnp.float32))
    else:
        out_type = jax.ShapeDtypeStruct((2 * NPAD, DH), jnp.float32)
        scratch = ([pltpu.VMEM((NCH, CH), jnp.int32),
                    pltpu.VMEM((NCH, CH), jnp.int32)]
                   + rows_bufs
                   + [pltpu.SemaphoreType.DMA] * (2 * NBUF)
                   + [pltpu.VMEM_SHARED((NPAD, DH), jnp.float32)])
        extra = ()
    fn = pl.kernel(
        functools.partial(_seg_sum_body, with_deg),
        out_type=out_type,
        mesh=mesh,
        scratch_types=scratch,
        compiler_params=pltpu.CompilerParams(use_tc_tiling_on_sc=False),
    )
    return fn(featL, featR, src2, dst2, jnp.zeros((RPT, DH), jnp.float32),
              *extra)


NBLK = 80
GRID = N // NBLK
OFFB = NPAD // NBLK


def _layer1_body(x, accA, accB, degA, degB, ws, wn, b, h1L, h1R, r):
    dd = jnp.maximum(0.5 * (degA[...][:, 0:1] + degB[...][:, 0:1]), 1.0)
    rr = 1.0 / dd
    hn = jnp.concatenate([accA[...], accB[...]], axis=1) * rr
    h = (jnp.dot(x[...], ws[...], preferred_element_type=jnp.float32)
         + jnp.dot(hn, wn[...], preferred_element_type=jnp.float32)
         + b[...])
    h = jnp.maximum(h, 0.0)
    h1L[...] = h[:, :DH]
    h1R[...] = h[:, DH:]
    r[...] = rr


def _layer2_body(h1L, h1R, accA, accB, r, ws, wn, b, out):
    hs = jnp.concatenate([h1L[...], h1R[...]], axis=1)
    hn = jnp.concatenate([accA[...], accB[...]], axis=1) * r[...]
    out[...] = (jnp.dot(hs, ws[...], preferred_element_type=jnp.float32)
                + jnp.dot(hn, wn[...], preferred_element_type=jnp.float32)
                + b[...])


def _feat_spec():
    return pl.BlockSpec((NBLK, D), lambda i: (i, 0))


def _acc_specs():
    return [pl.BlockSpec((NBLK, DH), lambda i: (i, 0)),
            pl.BlockSpec((NBLK, DH), lambda i: (i + OFFB, 0))]


def _w_spec(d_out):
    return pl.BlockSpec((D, d_out), lambda i: (0, 0))


def _b_spec(d_out):
    return pl.BlockSpec((1, d_out), lambda i: (0, 0))


def kernel(x, edge_index, W_self1, W_neigh1, b1, W_self2, W_neigh2, b2):
    ei = edge_index.astype(jnp.int32)
    pad = EPAD - E
    src2 = jnp.concatenate(
        [ei[0], jnp.zeros((pad,), jnp.int32)]).reshape(EPAD // CH, CH)
    dst2 = jnp.concatenate(
        [ei[1], jnp.full((pad,), NPAD - 1, jnp.int32)]).reshape(EPAD // CH, CH)

    acc1, deg = _seg_sum(x[:, :DH], x[:, DH:], src2, dst2, with_deg=True)

    h1L, h1R, r = pl.pallas_call(
        _layer1_body,
        grid=(GRID,),
        in_specs=[_feat_spec(), *_acc_specs(),
                  pl.BlockSpec((NBLK, 8), lambda i: (i, 0)),
                  pl.BlockSpec((NBLK, 8), lambda i: (i + OFFB, 0)),
                  _w_spec(D), _w_spec(D), _b_spec(D)],
        out_specs=[pl.BlockSpec((NBLK, DH), lambda i: (i, 0)),
                   pl.BlockSpec((NBLK, DH), lambda i: (i, 0)),
                   pl.BlockSpec((NBLK, 1), lambda i: (i, 0))],
        out_shape=[jax.ShapeDtypeStruct((N, DH), jnp.float32),
                   jax.ShapeDtypeStruct((N, DH), jnp.float32),
                   jax.ShapeDtypeStruct((N, 1), jnp.float32)],
    )(x, acc1, acc1, deg, deg, W_self1, W_neigh1, b1.reshape(1, D))

    acc2 = _seg_sum(h1L, h1R, src2, dst2, with_deg=False)

    C = W_self2.shape[1]
    out = pl.pallas_call(
        _layer2_body,
        grid=(GRID,),
        in_specs=[pl.BlockSpec((NBLK, DH), lambda i: (i, 0)),
                  pl.BlockSpec((NBLK, DH), lambda i: (i, 0)),
                  *_acc_specs(),
                  pl.BlockSpec((NBLK, 1), lambda i: (i, 0)),
                  _w_spec(C), _w_spec(C), _b_spec(C)],
        out_specs=pl.BlockSpec((NBLK, C), lambda i: (i, 0)),
        out_shape=jax.ShapeDtypeStruct((N, C), jnp.float32),
    )(h1L, h1R, acc2, acc2, r, W_self2, W_neigh2, b2.reshape(1, C))
    return out

# --- scband reference (transcript-rebuilt; emitter-appended) ---
"""Pipeline reference for scband-sage-39427799777330 (READ-ONLY COPY).

The authoritative reference and input builder live on the scoring server;
editing this copy changes nothing except your own understanding.
"""

import jax, jax.numpy as jnp
import numpy as np

N = 10000
E = 320000
D = 128
H = 128
C = 47


def setup_inputs(seed: int = 0) -> dict:
    key = jax.random.key(seed)
    ks = jax.random.split(key, 9)
    x = jax.random.normal(ks[0], (N, D), dtype=jnp.float32)
    edge_index = jax.random.randint(ks[1], (2, E), 0, N, dtype=jnp.int32).astype(jnp.int64)
    # Layer 0: SAGEConv(in=D, out=H, 'mean') -> fc_self + fc_neigh + bias
    W_self1 = jax.random.normal(ks[2], (D, H), dtype=jnp.float32) * (1.0 / np.sqrt(D))
    W_neigh1 = jax.random.normal(ks[3], (D, H), dtype=jnp.float32) * (1.0 / np.sqrt(D))
    b1 = jnp.zeros((H,), dtype=jnp.float32)
    # Layer 1: SAGEConv(in=H, out=C, 'mean')
    W_self2 = jax.random.normal(ks[4], (H, C), dtype=jnp.float32) * (1.0 / np.sqrt(H))
    W_neigh2 = jax.random.normal(ks[5], (H, C), dtype=jnp.float32) * (1.0 / np.sqrt(H))
    b2 = jnp.zeros((C,), dtype=jnp.float32)
    return {
        "x": x,
        "edge_index": edge_index,
        "W_self1": W_self1,
        "W_neigh1": W_neigh1,
        "b1": b1,
        "W_self2": W_self2,
        "W_neigh2": W_neigh2,
        "b2": b2,
    }


def _sage_conv(h, src, dst, W_self, W_neigh, b):
    # DGL SAGEConv with 'mean' aggregation on a full (self-loop-free) graph block:
    # h_dst' = fc_self(h_dst) + fc_neigh(mean_{src->dst} h_src) + bias
    msg = h[src]                                            # gather: [E, d]
    agg = jax.ops.segment_sum(msg, dst, num_segments=N)      # scatter-add: [N, d]
    deg = jax.ops.segment_sum(jnp.ones((E,), jnp.float32), dst, num_segments=N)
    h_neigh = agg / jnp.maximum(deg, 1.0)[:, None]
    return h @ W_self + h_neigh @ W_neigh + b


def reference(x, edge_index, W_self1, W_neigh1, b1, W_self2, W_neigh2, b2):
    src = edge_index[0]
    dst = edge_index[1]
    h = _sage_conv(x, src, dst, W_self1, W_neigh1, b1)
    h = jax.nn.relu(h)  # activation between layers; dropout is identity in eval
    h = _sage_conv(h, src, dst, W_self2, W_neigh2, b2)
    return h

if __name__ == "__main__":
    import jax
    _d = setup_inputs()
    print(jax.jit(kernel)(*tuple(_d.values())))

</pallas_src>

<mosaic_0001>
#map = affine_map<(d0, d1) -> (0, 0)>
module attributes {stable_mosaic.version = 14 : i64} {
  func.func @_seg_sum_body(%arg0: i32, %arg1: i32, %arg2: memref<10000x64xf32, #tpu.memory_space<hbm>>, %arg3: memref<10000x64xf32, #tpu.memory_space<hbm>>, %arg4: memref<2560x128xi32, #tpu.memory_space<hbm>>, %arg5: memref<2560x128xi32, #tpu.memory_space<hbm>>, %arg6: memref<640x64xf32, #tpu.memory_space<hbm>>, %arg7: memref<640x8xf32, #tpu.memory_space<hbm>>, %arg8: memref<128x8xf32, #tpu.memory_space<hbm>>, %arg9: memref<20480x64xf32, #tpu.memory_space<hbm>>, %arg10: memref<20480x8xf32, #tpu.memory_space<hbm>>, %arg11: memref<160x128xi32, #tpu.memory_space<vmem>>, %arg12: memref<160x128xi32, #tpu.memory_space<vmem>>, %arg13: memref<128x8xf32, #tpu.memory_space<vmem>>, %arg14: memref<128x64xf32, #tpu.memory_space<vmem>>, %arg15: memref<128x64xf32, #tpu.memory_space<vmem>>, %arg16: memref<128x64xf32, #tpu.memory_space<vmem>>, %arg17: memref<128x64xf32, #tpu.memory_space<vmem>>, %arg18: memref<!tpu.dma_semaphore, #tpu.memory_space<semaphore_mem>>, %arg19: memref<!tpu.dma_semaphore, #tpu.memory_space<semaphore_mem>>, %arg20: memref<!tpu.dma_semaphore, #tpu.memory_space<semaphore_mem>>, %arg21: memref<!tpu.dma_semaphore, #tpu.memory_space<semaphore_mem>>, %arg22: memref<!tpu.dma_semaphore, #tpu.memory_space<semaphore_mem>>, %arg23: memref<!tpu.dma_semaphore, #tpu.memory_space<semaphore_mem>>, %arg24: memref<!tpu.dma_semaphore, #tpu.memory_space<semaphore_mem>>, %arg25: memref<!tpu.dma_semaphore, #tpu.memory_space<semaphore_mem>>, %arg26: memref<!tpu.dma_semaphore, #tpu.memory_space<semaphore_mem>>, %arg27: memref<!tpu.dma_semaphore, #tpu.memory_space<semaphore_mem>>, %arg28: memref<!tpu.dma_semaphore, #tpu.memory_space<semaphore_mem>>, %arg29: memref<!tpu.dma_semaphore, #tpu.memory_space<semaphore_mem>>, %arg30: memref<10240x64xf32, #tpu.memory_space<vmem_shared>>, %arg31: memref<10240x8xf32, #tpu.memory_space<vmem_shared>>) attributes {dimension_semantics = [#tpu.dimension_semantics<core_parallel>, #tpu.dimension_semantics<subcore_parallel>], iteration_bounds = array<i64: 2, 16>, scalar_prefetch = 0 : i64, scratch_operands = 21 : i64, tpu.core_type = #tpu.core_type<sc_vector_subcore>, window_params = [{transform_indices = #map}, {transform_indices = #map}, {transform_indices = #map}, {transform_indices = #map}, {transform_indices = #map}, {transform_indices = #map}, {transform_indices = #map}, {transform_indices = #map}, {transform_indices = #map}]} {
    %mul3A = arith.constant 640 : i32
    %mul3A_0 = arith.muli %arg1, %mul3A : i32
    "tpu.region"() ({
      %run_scoped3A = tpu.sem_alloc : memref<!tpu.dma_semaphore, #tpu.memory_space<semaphore_mem>>
      %dma_start3A_376 = arith.constant 0 : i32
      %dma_start3A_377 = tpu.memref_slice %arg30[%mul3A_0, %dma_start3A_376] : memref<10240x64xf32, #tpu.memory_space<vmem_shared>> -> memref<640x64xf32, #tpu.memory_space<vmem_shared>>
      tpu.enqueue_dma source(%arg6 : memref<640x64xf32, #tpu.memory_space<hbm>>) target(%dma_start3A_377 : memref<640x64xf32, #tpu.memory_space<vmem_shared>>) target_semaphore(%run_scoped3A : memref<!tpu.dma_semaphore, #tpu.memory_space<semaphore_mem>>)
      %dma_wait3A_378 = arith.constant 0 : i32
      %dma_wait3A_379 = tpu.memref_slice %arg30[%mul3A_0, %dma_wait3A_378] : memref<10240x64xf32, #tpu.memory_space<vmem_shared>> -> memref<640x64xf32, #tpu.memory_space<vmem_shared>>
      tpu.wait_dma2 semaphore(%run_scoped3A : memref<!tpu.dma_semaphore, #tpu.memory_space<semaphore_mem>>) src(%arg6 : memref<640x64xf32, #tpu.memory_space<hbm>>) dst(%dma_wait3A_379 : memref<640x64xf32, #tpu.memory_space<vmem_shared>>)
      tpu.yield
    }) : () -> ()
    %mul3A_1 = arith.constant 640 : i32
    %mul3A_2 = arith.muli %arg1, %mul3A_1 : i32
    "tpu.region"() ({
      %run_scoped3A = tpu.sem_alloc : memref<!tpu.dma_semaphore, #tpu.memory_space<semaphore_mem>>
      %dma_start3A_376 = arith.constant 0 : i32
      %dma_start3A_377 = tpu.memref_slice %arg31[%mul3A_2, %dma_start3A_376] : memref<10240x8xf32, #tpu.memory_space<vmem_shared>> -> memref<640x8xf32, #tpu.memory_space<vmem_shared>>
      tpu.enqueue_dma source(%arg7 : memref<640x8xf32, #tpu.memory_space<hbm>>) target(%dma_start3A_377 : memref<640x8xf32, #tpu.memory_space<vmem_shared>>) target_semaphore(%run_scoped3A : memref<!tpu.dma_semaphore, #tpu.memory_space<semaphore_mem>>)
      %dma_wait3A_378 = arith.constant 0 : i32
      %dma_wait3A_379 = tpu.memref_slice %arg31[%mul3A_2, %dma_wait3A_378] : memref<10240x8xf32, #tpu.memory_space<vmem_shared>> -> memref<640x8xf32, #tpu.memory_space<vmem_shared>>
      tpu.wait_dma2 semaphore(%run_scoped3A : memref<!tpu.dma_semaphore, #tpu.memory_space<semaphore_mem>>) src(%arg7 : memref<640x8xf32, #tpu.memory_space<hbm>>) dst(%dma_wait3A_379 : memref<640x8xf32, #tpu.memory_space<vmem_shared>>)
      tpu.yield
    }) : () -> ()
    "tpu.region"() ({
      %run_scoped3A = tpu.sem_alloc : memref<!tpu.dma_semaphore, #tpu.memory_space<semaphore_mem>>
      tpu.enqueue_dma source(%arg8 : memref<128x8xf32, #tpu.memory_space<hbm>>) target(%arg13 : memref<128x8xf32, #tpu.memory_space<vmem>>) target_semaphore(%run_scoped3A : memref<!tpu.dma_semaphore, #tpu.memory_space<semaphore_mem>>)
      tpu.wait_dma2 semaphore(%run_scoped3A : memref<!tpu.dma_semaphore, #tpu.memory_space<semaphore_mem>>) src(%arg8 : memref<128x8xf32, #tpu.memory_space<hbm>>) dst(%arg13 : memref<128x8xf32, #tpu.memory_space<vmem>>)
      tpu.yield
    }) : () -> ()
    %mul3A_3 = arith.constant 160 : i32
    %mul3A_4 = arith.muli %arg1, %mul3A_3 : i32
    "tpu.region"() ({
      %run_scoped3A = tpu.sem_alloc : memref<!tpu.dma_semaphore, #tpu.memory_space<semaphore_mem>>
      %dma_start3A_376 = arith.constant 0 : i32
      %dma_start3A_377 = tpu.memref_slice %arg4[%mul3A_4, %dma_start3A_376] : memref<2560x128xi32, #tpu.memory_space<hbm>> -> memref<160x128xi32, #tpu.memory_space<hbm>>
      %dma_start3A_378 = arith.constant 0 : i32
      %dma_start3A_379 = tpu.memref_slice %arg4[%mul3A_4, %dma_start3A_378] : memref<2560x128xi32, #tpu.memory_space<hbm>> -> memref<160x128xi32, #tpu.memory_space<hbm>>
      tpu.enqueue_dma source(%dma_start3A_379 : memref<160x128xi32, #tpu.memory_space<hbm>>) target(%arg11 : memref<160x128xi32, #tpu.memory_space<vmem>>) target_semaphore(%run_scoped3A : memref<!tpu.dma_semaphore, #tpu.memory_space<semaphore_mem>>)
      %dma_wait3A_380 = arith.constant 0 : i32
      %dma_wait3A_381 = tpu.memref_slice %arg4[%mul3A_4, %dma_wait3A_380] : memref<2560x128xi32, #tpu.memory_space<hbm>> -> memref<160x128xi32, #tpu.memory_space<hbm>>
      %dma_wait3A_382 = arith.constant 0 : i32
      %dma_wait3A_383 = tpu.memref_slice %arg4[%mul3A_4, %dma_wait3A_382] : memref<2560x128xi32, #tpu.memory_space<hbm>> -> memref<160x128xi32, #tpu.memory_space<hbm>>
      tpu.wait_dma2 semaphore(%run_scoped3A : memref<!tpu.dma_semaphore, #tpu.memory_space<semaphore_mem>>) src(%dma_wait3A_383 : memref<160x128xi32, #tpu.memory_space<hbm>>) dst(%arg11 : memref<160x128xi32, #tpu.memory_space<vmem>>)
      tpu.yield
    }) : () -> ()
    %mul3A_5 = arith.constant 160 : i32
    %mul3A_6 = arith.muli %arg1, %mul3A_5 : i32
    "tpu.region"() ({
      %run_scoped3A = tpu.sem_alloc : memref<!tpu.dma_semaphore, #tpu.memory_space<semaphore_mem>>
      %dma_start3A_376 = arith.constant 0 : i32
      %dma_start3A_377 = tpu.memref_slice %arg5[%mul3A_6, %dma_start3A_376] : memref<2560x128xi32, #tpu.memory_space<hbm>> -> memref<160x128xi32, #tpu.memory_space<hbm>>
      %dma_start3A_378 = arith.constant 0 : i32
      %dma_start3A_379 = tpu.memref_slice %arg5[%mul3A_6, %dma_start3A_378] : memref<2560x128xi32, #tpu.memory_space<hbm>> -> memref<160x128xi32, #tpu.memory_space<hbm>>
      tpu.enqueue_dma source(%dma_start3A_379 : memref<160x128xi32, #tpu.memory_space<hbm>>) target(%arg12 : memref<160x128xi32, #tpu.memory_space<vmem>>) target_semaphore(%run_scoped3A : memref<!tpu.dma_semaphore, #tpu.memory_space<semaphore_mem>>)
      %dma_wait3A_380 = arith.constant 0 : i32
      %dma_wait3A_381 = tpu.memref_slice %arg5[%mul3A_6, %dma_wait3A_380] : memref<2560x128xi32, #tpu.memory_space<hbm>> -> memref<160x128xi32, #tpu.memory_space<hbm>>
      %dma_wait3A_382 = arith.constant 0 : i32
      %dma_wait3A_383 = tpu.memref_slice %arg5[%mul3A_6, %dma_wait3A_382] : memref<2560x128xi32, #tpu.memory_space<hbm>> -> memref<160x128xi32, #tpu.memory_space<hbm>>
      tpu.wait_dma2 semaphore(%run_scoped3A : memref<!tpu.dma_semaphore, #tpu.memory_space<semaphore_mem>>) src(%dma_wait3A_383 : memref<160x128xi32, #tpu.memory_space<hbm>>) dst(%arg12 : memref<160x128xi32, #tpu.memory_space<vmem>>)
      tpu.yield
    }) : () -> ()
    %barrier3A = arith.constant 0 : index
    tpu.barrier barrier_id(%barrier3A)
    %eq3A = arith.constant 0 : i32
    %eq3A_7 = arith.cmpi eq, %arg0, %eq3A : i32
    %convert_element_type3A = arith.extui %eq3A_7 : i1 to i32
    %cond3A = arith.constant 0 : i32
    %cond3A_8 = arith.cmpi ne, %convert_element_type3A, %cond3A : i32
    scf.if %cond3A_8 {
      %dma_start3A_376 = arith.constant 0 : i32
      %dma_start3A_377 = arith.constant 0 : i32
      %dma_start3A_378 = tpu.memref_slice %arg11[%dma_start3A_376, %dma_start3A_377] : memref<160x128xi32, #tpu.memory_space<vmem>> -> memref<1x128xi32, #tpu.memory_space<vmem>>
      %dma_start3A_379 = tpu.memref_squeeze %dma_start3A_378 : memref<1x128xi32, #tpu.memory_space<vmem>> -> memref<128xi32, #tpu.memory_space<vmem>>
      %dma_start3A_380 = arith.constant 0 : i32
      %dma_start3A_381 = arith.constant 0 : i32
      %dma_start3A_382 = tpu.memref_slice %arg2[%dma_start3A_380, %dma_start3A_381] : memref<10000x64xf32, #tpu.memory_space<hbm>> -> memref<10000x64xf32, #tpu.memory_space<hbm>>
      tpu.enqueue_indirect_dma source(%dma_start3A_382 : memref<10000x64xf32, #tpu.memory_space<hbm>>) target(%arg14 : memref<128x64xf32, #tpu.memory_space<vmem>>) offsets(%dma_start3A_379 : memref<128xi32, #tpu.memory_space<vmem>>) semaphore(%arg18 : memref<!tpu.dma_semaphore, #tpu.memory_space<semaphore_mem>>)
    } else {
    }
    %eq3A_9 = arith.constant 1 : i32
    %eq3A_10 = arith.cmpi eq, %arg0, %eq3A_9 : i32
    %convert_element_type3A_11 = arith.extui %eq3A_10 : i1 to i32
    %cond3A_12 = arith.constant 0 : i32
    %cond3A_13 = arith.cmpi ne, %convert_element_type3A_11, %cond3A_12 : i32
    scf.if %cond3A_13 {
      %dma_start3A_376 = arith.constant 0 : i32
      %dma_start3A_377 = arith.constant 0 : i32
      %dma_start3A_378 = tpu.memref_slice %arg11[%dma_start3A_376, %dma_start3A_377] : memref<160x128xi32, #tpu.memory_space<vmem>> -> memref<1x128xi32, #tpu.memory_space<vmem>>
      %dma_start3A_379 = tpu.memref_squeeze %dma_start3A_378 : memref<1x128xi32, #tpu.memory_space<vmem>> -> memref<128xi32, #tpu.memory_space<vmem>>
      %dma_start3A_380 = arith.constant 0 : i32
      %dma_start3A_381 = arith.constant 0 : i32
      %dma_start3A_382 = tpu.memref_slice %arg3[%dma_start3A_380, %dma_start3A_381] : memref<10000x64xf32, #tpu.memory_space<hbm>> -> memref<10000x64xf32, #tpu.memory_space<hbm>>
      tpu.enqueue_indirect_dma source(%dma_start3A_382 : memref<10000x64xf32, #tpu.memory_space<hbm>>) target(%arg14 : memref<128x64xf32, #tpu.memory_space<vmem>>) offsets(%dma_start3A_379 : memref<128xi32, #tpu.memory_space<vmem>>) semaphore(%arg18 : memref<!tpu.dma_semaphore, #tpu.memory_space<semaphore_mem>>)
    } else {
    }
    %eq3A_14 = arith.constant 0 : i32
    %eq3A_15 = arith.cmpi eq, %arg0, %eq3A_14 : i32
    %convert_element_type3A_16 = arith.extui %eq3A_15 : i1 to i32
    %cond3A_17 = arith.constant 0 : i32
    %cond3A_18 = arith.cmpi ne, %convert_element_type3A_16, %cond3A_17 : i32
    scf.if %cond3A_18 {
      %dma_start3A_376 = arith.constant 1 : i32
      %dma_start3A_377 = arith.constant 0 : i32
      %dma_start3A_378 = tpu.memref_slice %arg11[%dma_start3A_376, %dma_start3A_377] : memref<160x128xi32, #tpu.memory_space<vmem>> -> memref<1x128xi32, #tpu.memory_space<vmem>>
      %dma_start3A_379 = tpu.memref_squeeze %dma_start3A_378 : memref<1x128xi32, #tpu.memory_space<vmem>> -> memref<128xi32, #tpu.memory_space<vmem>>
      %dma_start3A_380 = arith.constant 0 : i32
      %dma_start3A_381 = arith.constant 0 : i32
      %dma_start3A_382 = tpu.memref_slice %arg2[%dma_start3A_380, %dma_start3A_381] : memref<10000x64xf32, #tpu.memory_space<hbm>> -> memref<10000x64xf32, #tpu.memory_space<hbm>>
      tpu.enqueue_indirect_dma source(%dma_start3A_382 : memref<10000x64xf32, #tpu.memory_space<hbm>>) target(%arg15 : memref<128x64xf32, #tpu.memory_space<vmem>>) offsets(%dma_start3A_379 : memref<128xi32, #tpu.memory_space<vmem>>) semaphore(%arg19 : memref<!tpu.dma_semaphore, #tpu.memory_space<semaphore_mem>>)
    } else {
    }
    %eq3A_19 = arith.constant 1 : i32
    %eq3A_20 = arith.cmpi eq, %arg0, %eq3A_19 : i32
    %convert_element_type3A_21 = arith.extui %eq3A_20 : i1 to i32
    %cond3A_22 = arith.constant 0 : i32
    %cond3A_23 = arith.cmpi ne, %convert_element_type3A_21, %cond3A_22 : i32
    scf.if %cond3A_23 {
      %dma_start3A_376 = arith.constant 1 : i32
      %dma_start3A_377 = arith.constant 0 : i32
      %dma_start3A_378 = tpu.memref_slice %arg11[%dma_start3A_376, %dma_start3A_377] : memref<160x128xi32, #tpu.memory_space<vmem>> -> memref<1x128xi32, #tpu.memory_space<vmem>>
      %dma_start3A_379 = tpu.memref_squeeze %dma_start3A_378 : memref<1x128xi32, #tpu.memory_space<vmem>> -> memref<128xi32, #tpu.memory_space<vmem>>
      %dma_start3A_380 = arith.constant 0 : i32
      %dma_start3A_381 = arith.constant 0 : i32
      %dma_start3A_382 = tpu.memref_slice %arg3[%dma_start3A_380, %dma_start3A_381] : memref<10000x64xf32, #tpu.memory_space<hbm>> -> memref<10000x64xf32, #tpu.memory_space<hbm>>
      tpu.enqueue_indirect_dma source(%dma_start3A_382 : memref<10000x64xf32, #tpu.memory_space<hbm>>) target(%arg15 : memref<128x64xf32, #tpu.memory_space<vmem>>) offsets(%dma_start3A_379 : memref<128xi32, #tpu.memory_space<vmem>>) semaphore(%arg19 : memref<!tpu.dma_semaphore, #tpu.memory_space<semaphore_mem>>)
    } else {
    }
    %eq3A_24 = arith.constant 0 : i32
    %eq3A_25 = arith.cmpi eq, %arg0, %eq3A_24 : i32
    %convert_element_type3A_26 = arith.extui %eq3A_25 : i1 to i32
    %cond3A_27 = arith.constant 0 : i32
    %cond3A_28 = arith.cmpi ne, %convert_element_type3A_26, %cond3A_27 : i32
    scf.if %cond3A_28 {
      %dma_start3A_376 = arith.constant 2 : i32
      %dma_start3A_377 = arith.constant 0 : i32
      %dma_start3A_378 = tpu.memref_slice %arg11[%dma_start3A_376, %dma_start3A_377] : memref<160x128xi32, #tpu.memory_space<vmem>> -> memref<1x128xi32, #tpu.memory_space<vmem>>
      %dma_start3A_379 = tpu.memref_squeeze %dma_start3A_378 : memref<1x128xi32, #tpu.memory_space<vmem>> -> memref<128xi32, #tpu.memory_space<vmem>>
      %dma_start3A_380 = arith.constant 0 : i32
      %dma_start3A_381 = arith.constant 0 : i32
      %dma_start3A_382 = tpu.memref_slice %arg2[%dma_start3A_380, %dma_start3A_381] : memref<10000x64xf32, #tpu.memory_space<hbm>> -> memref<10000x64xf32, #tpu.memory_space<hbm>>
      tpu.enqueue_indirect_dma source(%dma_start3A_382 : memref<10000x64xf32, #tpu.memory_space<hbm>>) target(%arg16 : memref<128x64xf32, #tpu.memory_space<vmem>>) offsets(%dma_start3A_379 : memref<128xi32, #tpu.memory_space<vmem>>) semaphore(%arg20 : memref<!tpu.dma_semaphore, #tpu.memory_space<semaphore_mem>>)
    } else {
    }
    %eq3A_29 = arith.constant 1 : i32
    %eq3A_30 = arith.cmpi eq, %arg0, %eq3A_29 : i32
    %convert_element_type3A_31 = arith.extui %eq3A_30 : i1 to i32
    %cond3A_32 = arith.constant 0 : i32
    %cond3A_33 = arith.cmpi ne, %convert_element_type3A_31, %cond3A_32 : i32
    scf.if %cond3A_33 {
      %dma_start3A_376 = arith.constant 2 : i32
      %dma_start3A_377 = arith.constant 0 : i32
      %dma_start3A_378 = tpu.memref_slice %arg11[%dma_start3A_376, %dma_start3A_377] : memref<160x128xi32, #tpu.memory_space<vmem>> -> memref<1x128xi32, #tpu.memory_space<vmem>>
      %dma_start3A_379 = tpu.memref_squeeze %dma_start3A_378 : memref<1x128xi32, #tpu.memory_space<vmem>> -> memref<128xi32, #tpu.memory_space<vmem>>
      %dma_start3A_380 = arith.constant 0 : i32
      %dma_start3A_381 = arith.constant 0 : i32
      %dma_start3A_382 = tpu.memref_slice %arg3[%dma_start3A_380, %dma_start3A_381] : memref<10000x64xf32, #tpu.memory_space<hbm>> -> memref<10000x64xf32, #tpu.memory_space<hbm>>
      tpu.enqueue_indirect_dma source(%dma_start3A_382 : memref<10000x64xf32, #tpu.memory_space<hbm>>) target(%arg16 : memref<128x64xf32, #tpu.memory_space<vmem>>) offsets(%dma_start3A_379 : memref<128xi32, #tpu.memory_space<vmem>>) semaphore(%arg20 : memref<!tpu.dma_semaphore, #tpu.memory_space<semaphore_mem>>)
    } else {
    }
    %eq3A_34 = arith.constant 0 : i32
    %eq3A_35 = arith.cmpi eq, %arg0, %eq3A_34 : i32
    %convert_element_type3A_36 = arith.extui %eq3A_35 : i1 to i32
    %cond3A_37 = arith.constant 0 : i32
    %cond3A_38 = arith.cmpi ne, %convert_element_type3A_36, %cond3A_37 : i32
    scf.if %cond3A_38 {
      %dma_start3A_376 = arith.constant 3 : i32
      %dma_start3A_377 = arith.constant 0 : i32
      %dma_start3A_378 = tpu.memref_slice %arg11[%dma_start3A_376, %dma_start3A_377] : memref<160x128xi32, #tpu.memory_space<vmem>> -> memref<1x128xi32, #tpu.memory_space<vmem>>
      %dma_start3A_379 = tpu.memref_squeeze %dma_start3A_378 : memref<1x128xi32, #tpu.memory_space<vmem>> -> memref<128xi32, #tpu.memory_space<vmem>>
      %dma_start3A_380 = arith.constant 0 : i32
      %dma_start3A_381 = arith.constant 0 : i32
      %dma_start3A_382 = tpu.memref_slice %arg2[%dma_start3A_380, %dma_start3A_381] : memref<10000x64xf32, #tpu.memory_space<hbm>> -> memref<10000x64xf32, #tpu.memory_space<hbm>>
      tpu.enqueue_indirect_dma source(%dma_start3A_382 : memref<10000x64xf32, #tpu.memory_space<hbm>>) target(%arg17 : memref<128x64xf32, #tpu.memory_space<vmem>>) offsets(%dma_start3A_379 : memref<128xi32, #tpu.memory_space<vmem>>) semaphore(%arg21 : memref<!tpu.dma_semaphore, #tpu.memory_space<semaphore_mem>>)
    } else {
    }
    %eq3A_39 = arith.constant 1 : i32
    %eq3A_40 = arith.cmpi eq, %arg0, %eq3A_39 : i32
    %convert_element_type3A_41 = arith.extui %eq3A_40 : i1 to i32
    %cond3A_42 = arith.constant 0 : i32
    %cond3A_43 = arith.cmpi ne, %convert_element_type3A_41, %cond3A_42 : i32
    scf.if %cond3A_43 {
      %dma_start3A_376 = arith.constant 3 : i32
      %dma_start3A_377 = arith.constant 0 : i32
      %dma_start3A_378 = tpu.memref_slice %arg11[%dma_start3A_376, %dma_start3A_377] : memref<160x128xi32, #tpu.memory_space<vmem>> -> memref<1x128xi32, #tpu.memory_space<vmem>>
      %dma_start3A_379 = tpu.memref_squeeze %dma_start3A_378 : memref<1x128xi32, #tpu.memory_space<vmem>> -> memref<128xi32, #tpu.memory_space<vmem>>
      %dma_start3A_380 = arith.constant 0 : i32
      %dma_start3A_381 = arith.constant 0 : i32
      %dma_start3A_382 = tpu.memref_slice %arg3[%dma_start3A_380, %dma_start3A_381] : memref<10000x64xf32, #tpu.memory_space<hbm>> -> memref<10000x64xf32, #tpu.memory_space<hbm>>
      tpu.enqueue_indirect_dma source(%dma_start3A_382 : memref<10000x64xf32, #tpu.memory_space<hbm>>) target(%arg17 : memref<128x64xf32, #tpu.memory_space<vmem>>) offsets(%dma_start3A_379 : memref<128xi32, #tpu.memory_space<vmem>>) semaphore(%arg21 : memref<!tpu.dma_semaphore, #tpu.memory_space<semaphore_mem>>)
    } else {
    }
    %dma_wait3A = arith.constant 0 : i32
    %dma_wait3A_44 = arith.constant 0 : i32
    %dma_wait3A_45 = tpu.memref_slice %arg11[%dma_wait3A, %dma_wait3A_44] : memref<160x128xi32, #tpu.memory_space<vmem>> -> memref<1x128xi32, #tpu.memory_space<vmem>>
    %dma_wait3A_46 = tpu.memref_squeeze %dma_wait3A_45 : memref<1x128xi32, #tpu.memory_space<vmem>> -> memref<128xi32, #tpu.memory_space<vmem>>
    %dma_wait3A_47 = arith.constant 0 : i32
    %dma_wait3A_48 = arith.constant 0 : i32
    %dma_wait3A_49 = tpu.memref_slice %arg2[%dma_wait3A_47, %dma_wait3A_48] : memref<10000x64xf32, #tpu.memory_space<hbm>> -> memref<10000x64xf32, #tpu.memory_space<hbm>>
    tpu.wait_indirect_dma semaphore(%arg18 : memref<!tpu.dma_semaphore, #tpu.memory_space<semaphore_mem>>) src(%dma_wait3A_49 : memref<10000x64xf32, #tpu.memory_space<hbm>>) dst(%arg14 : memref<128x64xf32, #tpu.memory_space<vmem>>)
    %dma_start3A = arith.constant 0 : i32
    %dma_start3A_50 = arith.constant 0 : i32
    %dma_start3A_51 = tpu.memref_slice %arg12[%dma_start3A, %dma_start3A_50] : memref<160x128xi32, #tpu.memory_space<vmem>> -> memref<1x128xi32, #tpu.memory_space<vmem>>
    %dma_start3A_52 = tpu.memref_squeeze %dma_start3A_51 : memref<1x128xi32, #tpu.memory_space<vmem>> -> memref<128xi32, #tpu.memory_space<vmem>>
    %dma_start3A_53 = arith.constant 0 : i32
    %dma_start3A_54 = arith.constant 0 : i32
    %dma_start3A_55 = tpu.memref_slice %arg30[%dma_start3A_53, %dma_start3A_54] : memref<10240x64xf32, #tpu.memory_space<vmem_shared>> -> memref<10240x64xf32, #tpu.memory_space<vmem_shared>>
    tpu.enqueue_indirect_dma source(%arg14 : memref<128x64xf32, #tpu.memory_space<vmem>>) target(%dma_start3A_55 : memref<10240x64xf32, #tpu.memory_space<vmem_shared>>) offsets(%dma_start3A_52 : memref<128xi32, #tpu.memory_space<vmem>>) semaphore(%arg22 : memref<!tpu.dma_semaphore, #tpu.memory_space<semaphore_mem>>) {add = true}
    %dma_start3A_56 = arith.constant 0 : i32
    %dma_start3A_57 = arith.constant 0 : i32
    %dma_start3A_58 = tpu.memref_slice %arg12[%dma_start3A_56, %dma_start3A_57] : memref<160x128xi32, #tpu.memory_space<vmem>> -> memref<1x128xi32, #tpu.memory_space<vmem>>
    %dma_start3A_59 = tpu.memref_squeeze %dma_start3A_58 : memref<1x128xi32, #tpu.memory_space<vmem>> -> memref<128xi32, #tpu.memory_space<vmem>>
    %dma_start3A_60 = arith.constant 0 : i32
    %dma_start3A_61 = arith.constant 0 : i32
    %dma_start3A_62 = tpu.memref_slice %arg31[%dma_start3A_60, %dma_start3A_61] : memref<10240x8xf32, #tpu.memory_space<vmem_shared>> -> memref<10240x8xf32, #tpu.memory_space<vmem_shared>>
    tpu.enqueue_indirect_dma source(%arg13 : memref<128x8xf32, #tpu.memory_space<vmem>>) target(%dma_start3A_62 : memref<10240x8xf32, #tpu.memory_space<vmem_shared>>) offsets(%dma_start3A_59 : memref<128xi32, #tpu.memory_space<vmem>>) semaphore(%arg26 : memref<!tpu.dma_semaphore, #tpu.memory_space<semaphore_mem>>) {add = true}
    %dma_wait3A_63 = arith.constant 0 : i32
    %dma_wait3A_64 = arith.constant 0 : i32
    %dma_wait3A_65 = tpu.memref_slice %arg11[%dma_wait3A_63, %dma_wait3A_64] : memref<160x128xi32, #tpu.memory_space<vmem>> -> memref<1x128xi32, #tpu.memory_space<vmem>>
    %dma_wait3A_66 = tpu.memref_squeeze %dma_wait3A_65 : memref<1x128xi32, #tpu.memory_space<vmem>> -> memref<128xi32, #tpu.memory_space<vmem>>
    %dma_wait3A_67 = arith.constant 0 : i32
    %dma_wait3A_68 = arith.constant 0 : i32
    %dma_wait3A_69 = tpu.memref_slice %arg2[%dma_wait3A_67, %dma_wait3A_68] : memref<10000x64xf32, #tpu.memory_space<hbm>> -> memref<10000x64xf32, #tpu.memory_space<hbm>>
    tpu.wait_indirect_dma semaphore(%arg19 : memref<!tpu.dma_semaphore, #tpu.memory_space<semaphore_mem>>) src(%dma_wait3A_69 : memref<10000x64xf32, #tpu.memory_space<hbm>>) dst(%arg15 : memref<128x64xf32, #tpu.memory_space<vmem>>)
    %dma_start3A_70 = arith.constant 1 : i32
    %dma_start3A_71 = arith.constant 0 : i32
    %dma_start3A_72 = tpu.memref_slice %arg12[%dma_start3A_70, %dma_start3A_71] : memref<160x128xi32, #tpu.memory_space<vmem>> -> memref<1x128xi32, #tpu.memory_space<vmem>>
    %dma_start3A_73 = tpu.memref_squeeze %dma_start3A_72 : memref<1x128xi32, #tpu.memory_space<vmem>> -> memref<128xi32, #tpu.memory_space<vmem>>
    %dma_start3A_74 = arith.constant 0 : i32
    %dma_start3A_75 = arith.constant 0 : i32
    %dma_start3A_76 = tpu.memref_slice %arg30[%dma_start3A_74, %dma_start3A_75] : memref<10240x64xf32, #tpu.memory_space<vmem_shared>> -> memref<10240x64xf32, #tpu.memory_space<vmem_shared>>
    tpu.enqueue_indirect_dma source(%arg15 : memref<128x64xf32, #tpu.memory_space<vmem>>) target(%dma_start3A_76 : memref<10240x64xf32, #tpu.memory_space<vmem_shared>>) offsets(%dma_start3A_73 : memref<128xi32, #tpu.memory_space<vmem>>) semaphore(%arg23 : memref<!tpu.dma_semaphore, #tpu.memory_space<semaphore_mem>>) {add = true}
    %dma_start3A_77 = arith.constant 1 : i32
    %dma_start3A_78 = arith.constant 0 : i32
    %dma_start3A_79 = tpu.memref_slice %arg12[%dma_start3A_77, %dma_start3A_78] : memref<160x128xi32, #tpu.memory_space<vmem>> -> memref<1x128xi32, #tpu.memory_space<vmem>>
    %dma_start3A_80 = tpu.memref_squeeze %dma_start3A_79 : memref<1x128xi32, #tpu.memory_space<vmem>> -> memref<128xi32, #tpu.memory_space<vmem>>
    %dma_start3A_81 = arith.constant 0 : i32
    %dma_start3A_82 = arith.constant 0 : i32
    %dma_start3A_83 = tpu.memref_slice %arg31[%dma_start3A_81, %dma_start3A_82] : memref<10240x8xf32, #tpu.memory_space<vmem_shared>> -> memref<10240x8xf32, #tpu.memory_space<vmem_shared>>
    tpu.enqueue_indirect_dma source(%arg13 : memref<128x8xf32, #tpu.memory_space<vmem>>) target(%dma_start3A_83 : memref<10240x8xf32, #tpu.memory_space<vmem_shared>>) offsets(%dma_start3A_80 : memref<128xi32, #tpu.memory_space<vmem>>) semaphore(%arg27 : memref<!tpu.dma_semaphore, #tpu.memory_space<semaphore_mem>>) {add = true}
    %dma_wait3A_84 = arith.constant 0 : i32
    %dma_wait3A_85 = arith.constant 0 : i32
    %dma_wait3A_86 = tpu.memref_slice %arg11[%dma_wait3A_84, %dma_wait3A_85] : memref<160x128xi32, #tpu.memory_space<vmem>> -> memref<1x128xi32, #tpu.memory_space<vmem>>
    %dma_wait3A_87 = tpu.memref_squeeze %dma_wait3A_86 : memref<1x128xi32, #tpu.memory_space<vmem>> -> memref<128xi32, #tpu.memory_space<vmem>>
    %dma_wait3A_88 = arith.constant 0 : i32
    %dma_wait3A_89 = arith.constant 0 : i32
    %dma_wait3A_90 = tpu.memref_slice %arg2[%dma_wait3A_88, %dma_wait3A_89] : memref<10000x64xf32, #tpu.memory_space<hbm>> -> memref<10000x64xf32, #tpu.memory_space<hbm>>
    tpu.wait_indirect_dma semaphore(%arg20 : memref<!tpu.dma_semaphore, #tpu.memory_space<semaphore_mem>>) src(%dma_wait3A_90 : memref<10000x64xf32, #tpu.memory_space<hbm>>) dst(%arg16 : memref<128x64xf32, #tpu.memory_space<vmem>>)
    %dma_start3A_91 = arith.constant 2 : i32
    %dma_start3A_92 = arith.constant 0 : i32
    %dma_start3A_93 = tpu.memref_slice %arg12[%dma_start3A_91, %dma_start3A_92] : memref<160x128xi32, #tpu.memory_space<vmem>> -> memref<1x128xi32, #tpu.memory_space<vmem>>
    %dma_start3A_94 = tpu.memref_squeeze %dma_start3A_93 : memref<1x128xi32, #tpu.memory_space<vmem>> -> memref<128xi32, #tpu.memory_space<vmem>>
    %dma_start3A_95 = arith.constant 0 : i32
    %dma_start3A_96 = arith.constant 0 : i32
    %dma_start3A_97 = tpu.memref_slice %arg30[%dma_start3A_95, %dma_start3A_96] : memref<10240x64xf32, #tpu.memory_space<vmem_shared>> -> memref<10240x64xf32, #tpu.memory_space<vmem_shared>>
    tpu.enqueue_indirect_dma source(%arg16 : memref<128x64xf32, #tpu.memory_space<vmem>>) target(%dma_start3A_97 : memref<10240x64xf32, #tpu.memory_space<vmem_shared>>) offsets(%dma_start3A_94 : memref<128xi32, #tpu.memory_space<vmem>>) semaphore(%arg24 : memref<!tpu.dma_semaphore, #tpu.memory_space<semaphore_mem>>) {add = true}
    %dma_start3A_98 = arith.constant 2 : i32
    %dma_start3A_99 = arith.constant 0 : i32
    %dma_start3A_100 = tpu.memref_slice %arg12[%dma_start3A_98, %dma_start3A_99] : memref<160x128xi32, #tpu.memory_space<vmem>> -> memref<1x128xi32, #tpu.memory_space<vmem>>
    %dma_start3A_101 = tpu.memref_squeeze %dma_start3A_100 : memref<1x128xi32, #tpu.memory_space<vmem>> -> memref<128xi32, #tpu.memory_space<vmem>>
    %dma_start3A_102 = arith.constant 0 : i32
    %dma_start3A_103 = arith.constant 0 : i32
    %dma_start3A_104 = tpu.memref_slice %arg31[%dma_start3A_102, %dma_start3A_103] : memref<10240x8xf32, #tpu.memory_space<vmem_shared>> -> memref<10240x8xf32, #tpu.memory_space<vmem_shared>>
    tpu.enqueue_indirect_dma source(%arg13 : memref<128x8xf32, #tpu.memory_space<vmem>>) target(%dma_start3A_104 : memref<10240x8xf32, #tpu.memory_space<vmem_shared>>) offsets(%dma_start3A_101 : memref<128xi32, #tpu.memory_space<vmem>>) semaphore(%arg28 : memref<!tpu.dma_semaphore, #tpu.memory_space<semaphore_mem>>) {add = true}
    %dma_wait3A_105 = arith.constant 0 : i32
    %dma_wait3A_106 = arith.constant 0 : i32
    %dma_wait3A_107 = tpu.memref_slice %arg11[%dma_wait3A_105, %dma_wait3A_106] : memref<160x128xi32, #tpu.memory_space<vmem>> -> memref<1x128xi32, #tpu.memory_space<vmem>>
    %dma_wait3A_108 = tpu.memref_squeeze %dma_wait3A_107 : memref<1x128xi32, #tpu.memory_space<vmem>> -> memref<128xi32, #tpu.memory_space<vmem>>
    %dma_wait3A_109 = arith.constant 0 : i32
    %dma_wait3A_110 = arith.constant 0 : i32
    %dma_wait3A_111 = tpu.memref_slice %arg2[%dma_wait3A_109, %dma_wait3A_110] : memref<10000x64xf32, #tpu.memory_space<hbm>> -> memref<10000x64xf32, #tpu.memory_space<hbm>>
    tpu.wait_indirect_dma semaphore(%arg21 : memref<!tpu.dma_semaphore, #tpu.memory_space<semaphore_mem>>) src(%dma_wait3A_111 : memref<10000x64xf32, #tpu.memory_space<hbm>>) dst(%arg17 : memref<128x64xf32, #tpu.memory_space<vmem>>)
    %dma_start3A_112 = arith.constant 3 : i32
    %dma_start3A_113 = arith.constant 0 : i32
    %dma_start3A_114 = tpu.memref_slice %arg12[%dma_start3A_112, %dma_start3A_113] : memref<160x128xi32, #tpu.memory_space<vmem>> -> memref<1x128xi32, #tpu.memory_space<vmem>>
    %dma_start3A_115 = tpu.memref_squeeze %dma_start3A_114 : memref<1x128xi32, #tpu.memory_space<vmem>> -> memref<128xi32, #tpu.memory_space<vmem>>
    %dma_start3A_116 = arith.constant 0 : i32
    %dma_start3A_117 = arith.constant 0 : i32
    %dma_start3A_118 = tpu.memref_slice %arg30[%dma_start3A_116, %dma_start3A_117] : memref<10240x64xf32, #tpu.memory_space<vmem_shared>> -> memref<10240x64xf32, #tpu.memory_space<vmem_shared>>
    tpu.enqueue_indirect_dma source(%arg17 : memref<128x64xf32, #tpu.memory_space<vmem>>) target(%dma_start3A_118 : memref<10240x64xf32, #tpu.memory_space<vmem_shared>>) offsets(%dma_start3A_115 : memref<128xi32, #tpu.memory_space<vmem>>) semaphore(%arg25 : memref<!tpu.dma_semaphore, #tpu.memory_space<semaphore_mem>>) {add = true}
    %dma_start3A_119 = arith.constant 3 : i32
    %dma_start3A_120 = arith.constant 0 : i32
    %dma_start3A_121 = tpu.memref_slice %arg12[%dma_start3A_119, %dma_start3A_120] : memref<160x128xi32, #tpu.memory_space<vmem>> -> memref<1x128xi32, #tpu.memory_space<vmem>>
    %dma_start3A_122 = tpu.memref_squeeze %dma_start3A_121 : memref<1x128xi32, #tpu.memory_space<vmem>> -> memref<128xi32, #tpu.memory_space<vmem>>
    %dma_start3A_123 = arith.constant 0 : i32
    %dma_start3A_124 = arith.constant 0 : i32
    %dma_start3A_125 = tpu.memref_slice %arg31[%dma_start3A_123, %dma_start3A_124] : memref<10240x8xf32, #tpu.memory_space<vmem_shared>> -> memref<10240x8xf32, #tpu.memory_space<vmem_shared>>
    tpu.enqueue_indirect_dma source(%arg13 : memref<128x8xf32, #tpu.memory_space<vmem>>) target(%dma_start3A_125 : memref<10240x8xf32, #tpu.memory_space<vmem_shared>>) offsets(%dma_start3A_122 : memref<128xi32, #tpu.memory_space<vmem>>) semaphore(%arg29 : memref<!tpu.dma_semaphore, #tpu.memory_space<semaphore_mem>>) {add = true}
    %dma_wait3A_126 = arith.constant 0 : i32
    %dma_wait3A_127 = arith.constant 0 : i32
    %dma_wait3A_128 = tpu.memref_slice %arg12[%dma_wait3A_126, %dma_wait3A_127] : memref<160x128xi32, #tpu.memory_space<vmem>> -> memref<1x128xi32, #tpu.memory_space<vmem>>
    %dma_wait3A_129 = tpu.memref_squeeze %dma_wait3A_128 : memref<1x128xi32, #tpu.memory_space<vmem>> -> memref<128xi32, #tpu.memory_space<vmem>>
    %dma_wait3A_130 = arith.constant 0 : i32
    %dma_wait3A_131 = arith.constant 0 : i32
    %dma_wait3A_132 = tpu.memref_slice %arg30[%dma_wait3A_130, %dma_wait3A_131] : memref<10240x64xf32, #tpu.memory_space<vmem_shared>> -> memref<10240x64xf32, #tpu.memory_space<vmem_shared>>
    tpu.wait_indirect_dma semaphore(%arg22 : memref<!tpu.dma_semaphore, #tpu.memory_space<semaphore_mem>>) src(%arg14 : memref<128x64xf32, #tpu.memory_space<vmem>>) dst(%dma_wait3A_132 : memref<10240x64xf32, #tpu.memory_space<vmem_shared>>)
    %eq3A_133 = arith.constant 0 : i32
    %eq3A_134 = arith.cmpi eq, %arg0, %eq3A_133 : i32
    %convert_element_type3A_135 = arith.extui %eq3A_134 : i1 to i32
    %cond3A_136 = arith.constant 0 : i32
    %cond3A_137 = arith.cmpi ne, %convert_element_type3A_135, %cond3A_136 : i32
    scf.if %cond3A_137 {
      %dma_start3A_376 = arith.constant 4 : i32
      %dma_start3A_377 = arith.constant 0 : i32
      %dma_start3A_378 = tpu.memref_slice %arg11[%dma_start3A_376, %dma_start3A_377] : memref<160x128xi32, #tpu.memory_space<vmem>> -> memref<1x128xi32, #tpu.memory_space<vmem>>
      %dma_start3A_379 = tpu.memref_squeeze %dma_start3A_378 : memref<1x128xi32, #tpu.memory_space<vmem>> -> memref<128xi32, #tpu.memory_space<vmem>>
      %dma_start3A_380 = arith.constant 0 : i32
      %dma_start3A_381 = arith.constant 0 : i32
      %dma_start3A_382 = tpu.memref_slice %arg2[%dma_start3A_380, %dma_start3A_381] : memref<10000x64xf32, #tpu.memory_space<hbm>> -> memref<10000x64xf32, #tpu.memory_space<hbm>>
      tpu.enqueue_indirect_dma source(%dma_start3A_382 : memref<10000x64xf32, #tpu.memory_space<hbm>>) target(%arg14 : memref<128x64xf32, #tpu.memory_space<vmem>>) offsets(%dma_start3A_379 : memref<128xi32, #tpu.memory_space<vmem>>) semaphore(%arg18 : memref<!tpu.dma_semaphore, #tpu.memory_space<semaphore_mem>>)
    } else {
    }
    %eq3A_138 = arith.constant 1 : i32
    %eq3A_139 = arith.cmpi eq, %arg0, %eq3A_138 : i32
    %convert_element_type3A_140 = arith.extui %eq3A_139 : i1 to i32
    %cond3A_141 = arith.constant 0 : i32
    %cond3A_142 = arith.cmpi ne, %convert_element_type3A_140, %cond3A_141 : i32
    scf.if %cond3A_142 {
      %dma_start3A_376 = arith.constant 4 : i32
      %dma_start3A_377 = arith.constant 0 : i32
      %dma_start3A_378 = tpu.memref_slice %arg11[%dma_start3A_376, %dma_start3A_377] : memref<160x128xi32, #tpu.memory_space<vmem>> -> memref<1x128xi32, #tpu.memory_space<vmem>>
      %dma_start3A_379 = tpu.memref_squeeze %dma_start3A_378 : memref<1x128xi32, #tpu.memory_space<vmem>> -> memref<128xi32, #tpu.memory_space<vmem>>
      %dma_start3A_380 = arith.constant 0 : i32
      %dma_start3A_381 = arith.constant 0 : i32
      %dma_start3A_382 = tpu.memref_slice %arg3[%dma_start3A_380, %dma_start3A_381] : memref<10000x64xf32, #tpu.memory_space<hbm>> -> memref<10000x64xf32, #tpu.memory_space<hbm>>
      tpu.enqueue_indirect_dma source(%dma_start3A_382 : memref<10000x64xf32, #tpu.memory_space<hbm>>) target(%arg14 : memref<128x64xf32, #tpu.memory_space<vmem>>) offsets(%dma_start3A_379 : memref<128xi32, #tpu.memory_space<vmem>>) semaphore(%arg18 : memref<!tpu.dma_semaphore, #tpu.memory_space<semaphore_mem>>)
    } else {
    }
    %dma_wait3A_143 = arith.constant 0 : i32
    %dma_wait3A_144 = arith.constant 0 : i32
    %dma_wait3A_145 = tpu.memref_slice %arg12[%dma_wait3A_143, %dma_wait3A_144] : memref<160x128xi32, #tpu.memory_space<vmem>> -> memref<1x128xi32, #tpu.memory_space<vmem>>
    %dma_wait3A_146 = tpu.memref_squeeze %dma_wait3A_145 : memref<1x128xi32, #tpu.memory_space<vmem>> -> memref<128xi32, #tpu.memory_space<vmem>>
    %dma_wait3A_147 = arith.constant 0 : i32
    %dma_wait3A_148 = arith.constant 0 : i32
    %dma_wait3A_149 = tpu.memref_slice %arg30[%dma_wait3A_147, %dma_wait3A_148] : memref<10240x64xf32, #tpu.memory_space<vmem_shared>> -> memref<10240x64xf32, #tpu.memory_space<vmem_shared>>
    tpu.wait_indirect_dma semaphore(%arg23 : memref<!tpu.dma_semaphore, #tpu.memory_space<semaphore_mem>>) src(%arg15 : memref<128x64xf32, #tpu.memory_space<vmem>>) dst(%dma_wait3A_149 : memref<10240x64xf32, #tpu.memory_space<vmem_shared>>)
    %eq3A_150 = arith.constant 0 : i32
    %eq3A_151 = arith.cmpi eq, %arg0, %eq3A_150 : i32
    %convert_element_type3A_152 = arith.extui %eq3A_151 : i1 to i32
    %cond3A_153 = arith.constant 0 : i32
    %cond3A_154 = arith.cmpi ne, %convert_element_type3A_152, %cond3A_153 : i32
    scf.if %cond3A_154 {
      %dma_start3A_376 = arith.constant 5 : i32
      %dma_start3A_377 = arith.constant 0 : i32
      %dma_start3A_378 = tpu.memref_slice %arg11[%dma_start3A_376, %dma_start3A_377] : memref<160x128xi32, #tpu.memory_space<vmem>> -> memref<1x128xi32, #tpu.memory_space<vmem>>
      %dma_start3A_379 = tpu.memref_squeeze %dma_start3A_378 : memref<1x128xi32, #tpu.memory_space<vmem>> -> memref<128xi32, #tpu.memory_space<vmem>>
      %dma_start3A_380 = arith.constant 0 : i32
      %dma_start3A_381 = arith.constant 0 : i32
      %dma_start3A_382 = tpu.memref_slice %arg2[%dma_start3A_380, %dma_start3A_381] : memref<10000x64xf32, #tpu.memory_space<hbm>> -> memref<10000x64xf32, #tpu.memory_space<hbm>>
      tpu.enqueue_indirect_dma source(%dma_start3A_382 : memref<10000x64xf32, #tpu.memory_space<hbm>>) target(%arg15 : memref<128x64xf32, #tpu.memory_space<vmem>>) offsets(%dma_start3A_379 : memref<128xi32, #tpu.memory_space<vmem>>) semaphore(%arg19 : memref<!tpu.dma_semaphore, #tpu.memory_space<semaphore_mem>>)
    } else {
    }
    %eq3A_155 = arith.constant 1 : i32
    %eq3A_156 = arith.cmpi eq, %arg0, %eq3A_155 : i32
    %convert_element_type3A_157 = arith.extui %eq3A_156 : i1 to i32
    %cond3A_158 = arith.constant 0 : i32
    %cond3A_159 = arith.cmpi ne, %convert_element_type3A_157, %cond3A_158 : i32
    scf.if %cond3A_159 {
      %dma_start3A_376 = arith.constant 5 : i32
      %dma_start3A_377 = arith.constant 0 : i32
      %dma_start3A_378 = tpu.memref_slice %arg11[%dma_start3A_376, %dma_start3A_377] : memref<160x128xi32, #tpu.memory_space<vmem>> -> memref<1x128xi32, #tpu.memory_space<vmem>>
      %dma_start3A_379 = tpu.memref_squeeze %dma_start3A_378 : memref<1x128xi32, #tpu.memory_space<vmem>> -> memref<128xi32, #tpu.memory_space<vmem>>
      %dma_start3A_380 = arith.constant 0 : i32
      %dma_start3A_381 = arith.constant 0 : i32
      %dma_start3A_382 = tpu.memref_slice %arg3[%dma_start3A_380, %dma_start3A_381] : memref<10000x64xf32, #tpu.memory_space<hbm>> -> memref<10000x64xf32, #tpu.memory_space<hbm>>
      tpu.enqueue_indirect_dma source(%dma_start3A_382 : memref<10000x64xf32, #tpu.memory_space<hbm>>) target(%arg15 : memref<128x64xf32, #tpu.memory_space<vmem>>) offsets(%dma_start3A_379 : memref<128xi32, #tpu.memory_space<vmem>>) semaphore(%arg19 : memref<!tpu.dma_semaphore, #tpu.memory_space<semaphore_mem>>)
    } else {
    }
    %dma_wait3A_160 = arith.constant 0 : i32
    %dma_wait3A_161 = arith.constant 0 : i32
    %dma_wait3A_162 = tpu.memref_slice %arg12[%dma_wait3A_160, %dma_wait3A_161] : memref<160x128xi32, #tpu.memory_space<vmem>> -> memref<1x128xi32, #tpu.memory_space<vmem>>
    %dma_wait3A_163 = tpu.memref_squeeze %dma_wait3A_162 : memref<1x128xi32, #tpu.memory_space<vmem>> -> memref<128xi32, #tpu.memory_space<vmem>>
    %dma_wait3A_164 = arith.constant 0 : i32
    %dma_wait3A_165 = arith.constant 0 : i32
    %dma_wait3A_166 = tpu.memref_slice %arg30[%dma_wait3A_164, %dma_wait3A_165] : memref<10240x64xf32, #tpu.memory_space<vmem_shared>> -> memref<10240x64xf32, #tpu.memory_space<vmem_shared>>
    tpu.wait_indirect_dma semaphore(%arg24 : memref<!tpu.dma_semaphore, #tpu.memory_space<semaphore_mem>>) src(%arg16 : memref<128x64xf32, #tpu.memory_space<vmem>>) dst(%dma_wait3A_166 : memref<10240x64xf32, #tpu.memory_space<vmem_shared>>)
    %eq3A_167 = arith.constant 0 : i32
    %eq3A_168 = arith.cmpi eq, %arg0, %eq3A_167 : i32
    %convert_element_type3A_169 = arith.extui %eq3A_168 : i1 to i32
    %cond3A_170 = arith.constant 0 : i32
    %cond3A_171 = arith.cmpi ne, %convert_element_type3A_169, %cond3A_170 : i32
    scf.if %cond3A_171 {
      %dma_start3A_376 = arith.constant 6 : i32
      %dma_start3A_377 = arith.constant 0 : i32
      %dma_start3A_378 = tpu.memref_slice %arg11[%dma_start3A_376, %dma_start3A_377] : memref<160x128xi32, #tpu.memory_space<vmem>> -> memref<1x128xi32, #tpu.memory_space<vmem>>
      %dma_start3A_379 = tpu.memref_squeeze %dma_start3A_378 : memref<1x128xi32, #tpu.memory_space<vmem>> -> memref<128xi32, #tpu.memory_space<vmem>>
      %dma_start3A_380 = arith.constant 0 : i32
      %dma_start3A_381 = arith.constant 0 : i32
      %dma_start3A_382 = tpu.memref_slice %arg2[%dma_start3A_380, %dma_start3A_381] : memref<10000x64xf32, #tpu.memory_space<hbm>> -> memref<10000x64xf32, #tpu.memory_space<hbm>>
      tpu.enqueue_indirect_dma source(%dma_start3A_382 : memref<10000x64xf32, #tpu.memory_space<hbm>>) target(%arg16 : memref<128x64xf32, #tpu.memory_space<vmem>>) offsets(%dma_start3A_379 : memref<128xi32, #tpu.memory_space<vmem>>) semaphore(%arg20 : memref<!tpu.dma_semaphore, #tpu.memory_space<semaphore_mem>>)
    } else {
    }
    %eq3A_172 = arith.constant 1 : i32
    %eq3A_173 = arith.cmpi eq, %arg0, %eq3A_172 : i32
    %convert_element_type3A_174 = arith.extui %eq3A_173 : i1 to i32
    %cond3A_175 = arith.constant 0 : i32
    %cond3A_176 = arith.cmpi ne, %convert_element_type3A_174, %cond3A_175 : i32
    scf.if %cond3A_176 {
      %dma_start3A_376 = arith.constant 6 : i32
      %dma_start3A_377 = arith.constant 0 : i32
      %dma_start3A_378 = tpu.memref_slice %arg11[%dma_start3A_376, %dma_start3A_377] : memref<160x128xi32, #tpu.memory_space<vmem>> -> memref<1x128xi32, #tpu.memory_space<vmem>>
      %dma_start3A_379 = tpu.memref_squeeze %dma_start3A_378 : memref<1x128xi32, #tpu.memory_space<vmem>> -> memref<128xi32, #tpu.memory_space<vmem>>
      %dma_start3A_380 = arith.constant 0 : i32
      %dma_start3A_381 = arith.constant 0 : i32
      %dma_start3A_382 = tpu.memref_slice %arg3[%dma_start3A_380, %dma_start3A_381] : memref<10000x64xf32, #tpu.memory_space<hbm>> -> memref<10000x64xf32, #tpu.memory_space<hbm>>
      tpu.enqueue_indirect_dma source(%dma_start3A_382 : memref<10000x64xf32, #tpu.memory_space<hbm>>) target(%arg16 : memref<128x64xf32, #tpu.memory_space<vmem>>) offsets(%dma_start3A_379 : memref<128xi32, #tpu.memory_space<vmem>>) semaphore(%arg20 : memref<!tpu.dma_semaphore, #tpu.memory_space<semaphore_mem>>)
    } else {
    }
    %dma_wait3A_177 = arith.constant 0 : i32
    %dma_wait3A_178 = arith.constant 0 : i32
    %dma_wait3A_179 = tpu.memref_slice %arg12[%dma_wait3A_177, %dma_wait3A_178] : memref<160x128xi32, #tpu.memory_space<vmem>> -> memref<1x128xi32, #tpu.memory_space<vmem>>
    %dma_wait3A_180 = tpu.memref_squeeze %dma_wait3A_179 : memref<1x128xi32, #tpu.memory_space<vmem>> -> memref<128xi32, #tpu.memory_space<vmem>>
    %dma_wait3A_181 = arith.constant 0 : i32
    %dma_wait3A_182 = arith.constant 0 : i32
    %dma_wait3A_183 = tpu.memref_slice %arg30[%dma_wait3A_181, %dma_wait3A_182] : memref<10240x64xf32, #tpu.memory_space<vmem_shared>> -> memref<10240x64xf32, #tpu.memory_space<vmem_shared>>
    tpu.wait_indirect_dma semaphore(%arg25 : memref<!tpu.dma_semaphore, #tpu.memory_space<semaphore_mem>>) src(%arg17 : memref<128x64xf32, #tpu.memory_space<vmem>>) dst(%dma_wait3A_183 : memref<10240x64xf32, #tpu.memory_space<vmem_shared>>)
    %eq3A_184 = arith.constant 0 : i32
    %eq3A_185 = arith.cmpi eq, %arg0, %eq3A_184 : i32
    %convert_element_type3A_186 = arith.extui %eq3A_185 : i1 to i32
    %cond3A_187 = arith.constant 0 : i32
    %cond3A_188 = arith.cmpi ne, %convert_element_type3A_186, %cond3A_187 : i32
    scf.if %cond3A_188 {
      %dma_start3A_376 = arith.constant 7 : i32
      %dma_start3A_377 = arith.constant 0 : i32
      %dma_start3A_378 = tpu.memref_slice %arg11[%dma_start3A_376, %dma_start3A_377] : memref<160x128xi32, #tpu.memory_space<vmem>> -> memref<1x128xi32, #tpu.memory_space<vmem>>
      %dma_start3A_379 = tpu.memref_squeeze %dma_start3A_378 : memref<1x128xi32, #tpu.memory_space<vmem>> -> memref<128xi32, #tpu.memory_space<vmem>>
      %dma_start3A_380 = arith.constant 0 : i32
      %dma_start3A_381 = arith.constant 0 : i32
      %dma_start3A_382 = tpu.memref_slice %arg2[%dma_start3A_380, %dma_start3A_381] : memref<10000x64xf32, #tpu.memory_space<hbm>> -> memref<10000x64xf32, #tpu.memory_space<hbm>>
      tpu.enqueue_indirect_dma source(%dma_start3A_382 : memref<10000x64xf32, #tpu.memory_space<hbm>>) target(%arg17 : memref<128x64xf32, #tpu.memory_space<vmem>>) offsets(%dma_start3A_379 : memref<128xi32, #tpu.memory_space<vmem>>) semaphore(%arg21 : memref<!tpu.dma_semaphore, #tpu.memory_space<semaphore_mem>>)
    } else {
    }
    %eq3A_189 = arith.constant 1 : i32
    %eq3A_190 = arith.cmpi eq, %arg0, %eq3A_189 : i32
    %convert_element_type3A_191 = arith.extui %eq3A_190 : i1 to i32
    %cond3A_192 = arith.constant 0 : i32
    %cond3A_193 = arith.cmpi ne, %convert_element_type3A_191, %cond3A_192 : i32
    scf.if %cond3A_193 {
      %dma_start3A_376 = arith.constant 7 : i32
      %dma_start3A_377 = arith.constant 0 : i32
      %dma_start3A_378 = tpu.memref_slice %arg11[%dma_start3A_376, %dma_start3A_377] : memref<160x128xi32, #tpu.memory_space<vmem>> -> memref<1x128xi32, #tpu.memory_space<vmem>>
      %dma_start3A_379 = tpu.memref_squeeze %dma_start3A_378 : memref<1x128xi32, #tpu.memory_space<vmem>> -> memref<128xi32, #tpu.memory_space<vmem>>
      %dma_start3A_380 = arith.constant 0 : i32
      %dma_start3A_381 = arith.constant 0 : i32
      %dma_start3A_382 = tpu.memref_slice %arg3[%dma_start3A_380, %dma_start3A_381] : memref<10000x64xf32, #tpu.memory_space<hbm>> -> memref<10000x64xf32, #tpu.memory_space<hbm>>
      tpu.enqueue_indirect_dma source(%dma_start3A_382 : memref<10000x64xf32, #tpu.memory_space<hbm>>) target(%arg17 : memref<128x64xf32, #tpu.memory_space<vmem>>) offsets(%dma_start3A_379 : memref<128xi32, #tpu.memory_space<vmem>>) semaphore(%arg21 : memref<!tpu.dma_semaphore, #tpu.memory_space<semaphore_mem>>)
    } else {
    }
    %scan3A = arith.constant 0 : i32
    %scan3A_194 = arith.constant 1 : i32
    %scan3A_195 = arith.constant 38 : i32
    %scan3A_196 = arith.addi %scan3A_194, %scan3A_195 : i32
    %scan3A_197 = arith.constant 1 : i32
    scf.for %scan3A_376 = %scan3A_194 to %scan3A_196 step %scan3A_197  : i32 {
      %mul3A_377 = arith.constant 4 : i32
      %mul3A_378 = arith.muli %scan3A_376, %mul3A_377 : i32
      %add3A_379 = arith.constant 0 : i32
      %add3A_380 = arith.addi %mul3A_378, %add3A_379 : i32
      %dma_wait3A_381 = arith.constant 0 : i32
      %dma_wait3A_382 = arith.constant 0 : i32
      %dma_wait3A_383 = tpu.memref_slice %arg11[%dma_wait3A_381, %dma_wait3A_382] : memref<160x128xi32, #tpu.memory_space<vmem>> -> memref<1x128xi32, #tpu.memory_space<vmem>>
      %dma_wait3A_384 = tpu.memref_squeeze %dma_wait3A_383 : memref<1x128xi32, #tpu.memory_space<vmem>> -> memref<128xi32, #tpu.memory_space<vmem>>
      %dma_wait3A_385 = arith.constant 0 : i32
      %dma_wait3A_386 = arith.constant 0 : i32
      %dma_wait3A_387 = tpu.memref_slice %arg2[%dma_wait3A_385, %dma_wait3A_386] : memref<10000x64xf32, #tpu.memory_space<hbm>> -> memref<10000x64xf32, #tpu.memory_space<hbm>>
      tpu.wait_indirect_dma semaphore(%arg18 : memref<!tpu.dma_semaphore, #tpu.memory_space<semaphore_mem>>) src(%dma_wait3A_387 : memref<10000x64xf32, #tpu.memory_space<hbm>>) dst(%arg14 : memref<128x64xf32, #tpu.memory_space<vmem>>)
      %dma_start3A_388 = arith.constant 0 : i32
      %dma_start3A_389 = tpu.memref_slice %arg12[%add3A_380, %dma_start3A_388] : memref<160x128xi32, #tpu.memory_space<vmem>> -> memref<1x128xi32, #tpu.memory_space<vmem>>
      %dma_start3A_390 = tpu.memref_squeeze %dma_start3A_389 : memref<1x128xi32, #tpu.memory_space<vmem>> -> memref<128xi32, #tpu.memory_space<vmem>>
      %dma_start3A_391 = arith.constant 0 : i32
      %dma_start3A_392 = arith.constant 0 : i32
      %dma_start3A_393 = tpu.memref_slice %arg30[%dma_start3A_391, %dma_start3A_392] : memref<10240x64xf32, #tpu.memory_space<vmem_shared>> -> memref<10240x64xf32, #tpu.memory_space<vmem_shared>>
      tpu.enqueue_indirect_dma source(%arg14 : memref<128x64xf32, #tpu.memory_space<vmem>>) target(%dma_start3A_393 : memref<10240x64xf32, #tpu.memory_space<vmem_shared>>) offsets(%dma_start3A_390 : memref<128xi32, #tpu.memory_space<vmem>>) semaphore(%arg22 : memref<!tpu.dma_semaphore, #tpu.memory_space<semaphore_mem>>) {add = true}
      %dma_wait3A_394 = arith.constant 0 : i32
      %dma_wait3A_395 = arith.constant 0 : i32
      %dma_wait3A_396 = tpu.memref_slice %arg12[%dma_wait3A_394, %dma_wait3A_395] : memref<160x128xi32, #tpu.memory_space<vmem>> -> memref<1x128xi32, #tpu.memory_space<vmem>>
      %dma_wait3A_397 = tpu.memref_squeeze %dma_wait3A_396 : memref<1x128xi32, #tpu.memory_space<vmem>> -> memref<128xi32, #tpu.memory_space<vmem>>
      %dma_wait3A_398 = arith.constant 0 : i32
      %dma_wait3A_399 = arith.constant 0 : i32
      %dma_wait3A_400 = tpu.memref_slice %arg31[%dma_wait3A_398, %dma_wait3A_399] : memref<10240x8xf32, #tpu.memory_space<vmem_shared>> -> memref<10240x8xf32, #tpu.memory_space<vmem_shared>>
      tpu.wait_indirect_dma semaphore(%arg26 : memref<!tpu.dma_semaphore, #tpu.memory_space<semaphore_mem>>) src(%arg13 : memref<128x8xf32, #tpu.memory_space<vmem>>) dst(%dma_wait3A_400 : memref<10240x8xf32, #tpu.memory_space<vmem_shared>>)
      %dma_start3A_401 = arith.constant 0 : i32
      %dma_start3A_402 = tpu.memref_slice %arg12[%add3A_380, %dma_start3A_401] : memref<160x128xi32, #tpu.memory_space<vmem>> -> memref<1x128xi32, #tpu.memory_space<vmem>>
      %dma_start3A_403 = tpu.memref_squeeze %dma_start3A_402 : memref<1x128xi32, #tpu.memory_space<vmem>> -> memref<128xi32, #tpu.memory_space<vmem>>
      %dma_start3A_404 = arith.constant 0 : i32
      %dma_start3A_405 = arith.constant 0 : i32
      %dma_start3A_406 = tpu.memref_slice %arg31[%dma_start3A_404, %dma_start3A_405] : memref<10240x8xf32, #tpu.memory_space<vmem_shared>> -> memref<10240x8xf32, #tpu.memory_space<vmem_shared>>
      tpu.enqueue_indirect_dma source(%arg13 : memref<128x8xf32, #tpu.memory_space<vmem>>) target(%dma_start3A_406 : memref<10240x8xf32, #tpu.memory_space<vmem_shared>>) offsets(%dma_start3A_403 : memref<128xi32, #tpu.memory_space<vmem>>) semaphore(%arg26 : memref<!tpu.dma_semaphore, #tpu.memory_space<semaphore_mem>>) {add = true}
      %mul3A_407 = arith.constant 4 : i32
      %mul3A_408 = arith.muli %scan3A_376, %mul3A_407 : i32
      %add3A_409 = arith.constant 1 : i32
      %add3A_410 = arith.addi %mul3A_408, %add3A_409 : i32
      %dma_wait3A_411 = arith.constant 0 : i32
      %dma_wait3A_412 = arith.constant 0 : i32
      %dma_wait3A_413 = tpu.memref_slice %arg11[%dma_wait3A_411, %dma_wait3A_412] : memref<160x128xi32, #tpu.memory_space<vmem>> -> memref<1x128xi32, #tpu.memory_space<vmem>>
      %dma_wait3A_414 = tpu.memref_squeeze %dma_wait3A_413 : memref<1x128xi32, #tpu.memory_space<vmem>> -> memref<128xi32, #tpu.memory_space<vmem>>
      %dma_wait3A_415 = arith.constant 0 : i32
      %dma_wait3A_416 = arith.constant 0 : i32
      %dma_wait3A_417 = tpu.memref_slice %arg2[%dma_wait3A_415, %dma_wait3A_416] : memref<10000x64xf32, #tpu.memory_space<hbm>> -> memref<10000x64xf32, #tpu.memory_space<hbm>>
      tpu.wait_indirect_dma semaphore(%arg19 : memref<!tpu.dma_semaphore, #tpu.memory_space<semaphore_mem>>) src(%dma_wait3A_417 : memref<10000x64xf32, #tpu.memory_space<hbm>>) dst(%arg15 : memref<128x64xf32, #tpu.memory_space<vmem>>)
      %dma_start3A_418 = arith.constant 0 : i32
      %dma_start3A_419 = tpu.memref_slice %arg12[%add3A_410, %dma_start3A_418] : memref<160x128xi32, #tpu.memory_space<vmem>> -> memref<1x128xi32, #tpu.memory_space<vmem>>
      %dma_start3A_420 = tpu.memref_squeeze %dma_start3A_419 : memref<1x128xi32, #tpu.memory_space<vmem>> -> memref<128xi32, #tpu.memory_space<vmem>>
      %dma_start3A_421 = arith.constant 0 : i32
      %dma_start3A_422 = arith.constant 0 : i32
      %dma_start3A_423 = tpu.memref_slice %arg30[%dma_start3A_421, %dma_start3A_422] : memref<10240x64xf32, #tpu.memory_space<vmem_shared>> -> memref<10240x64xf32, #tpu.memory_space<vmem_shared>>
      tpu.enqueue_indirect_dma source(%arg15 : memref<128x64xf32, #tpu.memory_space<vmem>>) target(%dma_start3A_423 : memref<10240x64xf32, #tpu.memory_space<vmem_shared>>) offsets(%dma_start3A_420 : memref<128xi32, #tpu.memory_space<vmem>>) semaphore(%arg23 : memref<!tpu.dma_semaphore, #tpu.memory_space<semaphore_mem>>) {add = true}
      %dma_wait3A_424 = arith.constant 0 : i32
      %dma_wait3A_425 = arith.constant 0 : i32
      %dma_wait3A_426 = tpu.memref_slice %arg12[%dma_wait3A_424, %dma_wait3A_425] : memref<160x128xi32, #tpu.memory_space<vmem>> -> memref<1x128xi32, #tpu.memory_space<vmem>>
      %dma_wait3A_427 = tpu.memref_squeeze %dma_wait3A_426 : memref<1x128xi32, #tpu.memory_space<vmem>> -> memref<128xi32, #tpu.memory_space<vmem>>
      %dma_wait3A_428 = arith.constant 0 : i32
      %dma_wait3A_429 = arith.constant 0 : i32
      %dma_wait3A_430 = tpu.memref_slice %arg31[%dma_wait3A_428, %dma_wait3A_429] : memref<10240x8xf32, #tpu.memory_space<vmem_shared>> -> memref<10240x8xf32, #tpu.memory_space<vmem_shared>>
      tpu.wait_indirect_dma semaphore(%arg27 : memref<!tpu.dma_semaphore, #tpu.memory_space<semaphore_mem>>) src(%arg13 : memref<128x8xf32, #tpu.memory_space<vmem>>) dst(%dma_wait3A_430 : memref<10240x8xf32, #tpu.memory_space<vmem_shared>>)
      %dma_start3A_431 = arith.constant 0 : i32
      %dma_start3A_432 = tpu.memref_slice %arg12[%add3A_410, %dma_start3A_431] : memref<160x128xi32, #tpu.memory_space<vmem>> -> memref<1x128xi32, #tpu.memory_space<vmem>>
      %dma_start3A_433 = tpu.memref_squeeze %dma_start3A_432 : memref<1x128xi32, #tpu.memory_space<vmem>> -> memref<128xi32, #tpu.memory_space<vmem>>
      %dma_start3A_434 = arith.constant 0 : i32
      %dma_start3A_435 = arith.constant 0 : i32
      %dma_start3A_436 = tpu.memref_slice %arg31[%dma_start3A_434, %dma_start3A_435] : memref<10240x8xf32, #tpu.memory_space<vmem_shared>> -> memref<10240x8xf32, #tpu.memory_space<vmem_shared>>
      tpu.enqueue_indirect_dma source(%arg13 : memref<128x8xf32, #tpu.memory_space<vmem>>) target(%dma_start3A_436 : memref<10240x8xf32, #tpu.memory_space<vmem_shared>>) offsets(%dma_start3A_433 : memref<128xi32, #tpu.memory_space<vmem>>) semaphore(%arg27 : memref<!tpu.dma_semaphore, #tpu.memory_space<semaphore_mem>>) {add = true}
      %mul3A_437 = arith.constant 4 : i32
      %mul3A_438 = arith.muli %scan3A_376, %mul3A_437 : i32
      %add3A_439 = arith.constant 2 : i32
      %add3A_440 = arith.addi %mul3A_438, %add3A_439 : i32
      %dma_wait3A_441 = arith.constant 0 : i32
      %dma_wait3A_442 = arith.constant 0 : i32
      %dma_wait3A_443 = tpu.memref_slice %arg11[%dma_wait3A_441, %dma_wait3A_442] : memref<160x128xi32, #tpu.memory_space<vmem>> -> memref<1x128xi32, #tpu.memory_space<vmem>>
      %dma_wait3A_444 = tpu.memref_squeeze %dma_wait3A_443 : memref<1x128xi32, #tpu.memory_space<vmem>> -> memref<128xi32, #tpu.memory_space<vmem>>
      %dma_wait3A_445 = arith.constant 0 : i32
      %dma_wait3A_446 = arith.constant 0 : i32
      %dma_wait3A_447 = tpu.memref_slice %arg2[%dma_wait3A_445, %dma_wait3A_446] : memref<10000x64xf32, #tpu.memory_space<hbm>> -> memref<10000x64xf32, #tpu.memory_space<hbm>>
      tpu.wait_indirect_dma semaphore(%arg20 : memref<!tpu.dma_semaphore, #tpu.memory_space<semaphore_mem>>) src(%dma_wait3A_447 : memref<10000x64xf32, #tpu.memory_space<hbm>>) dst(%arg16 : memref<128x64xf32, #tpu.memory_space<vmem>>)
      %dma_start3A_448 = arith.constant 0 : i32
      %dma_start3A_449 = tpu.memref_slice %arg12[%add3A_440, %dma_start3A_448] : memref<160x128xi32, #tpu.memory_space<vmem>> -> memref<1x128xi32, #tpu.memory_space<vmem>>
      %dma_start3A_450 = tpu.memref_squeeze %dma_start3A_449 : memref<1x128xi32, #tpu.memory_space<vmem>> -> memref<128xi32, #tpu.memory_space<vmem>>
      %dma_start3A_451 = arith.constant 0 : i32
      %dma_start3A_452 = arith.constant 0 : i32
      %dma_start3A_453 = tpu.memref_slice %arg30[%dma_start3A_451, %dma_start3A_452] : memref<10240x64xf32, #tpu.memory_space<vmem_shared>> -> memref<10240x64xf32, #tpu.memory_space<vmem_shared>>
      tpu.enqueue_indirect_dma source(%arg16 : memref<128x64xf32, #tpu.memory_space<vmem>>) target(%dma_start3A_453 : memref<10240x64xf32, #tpu.memory_space<vmem_shared>>) offsets(%dma_start3A_450 : memref<128xi32, #tpu.memory_space<vmem>>) semaphore(%arg24 : memref<!tpu.dma_semaphore, #tpu.memory_space<semaphore_mem>>) {add = true}
      %dma_wait3A_454 = arith.constant 0 : i32
      %dma_wait3A_455 = arith.constant 0 : i32
      %dma_wait3A_456 = tpu.memref_slice %arg12[%dma_wait3A_454, %dma_wait3A_455] : memref<160x128xi32, #tpu.memory_space<vmem>> -> memref<1x128xi32, #tpu.memory_space<vmem>>
      %dma_wait3A_457 = tpu.memref_squeeze %dma_wait3A_456 : memref<1x128xi32, #tpu.memory_space<vmem>> -> memref<128xi32, #tpu.memory_space<vmem>>
      %dma_wait3A_458 = arith.constant 0 : i32
      %dma_wait3A_459 = arith.constant 0 : i32
      %dma_wait3A_460 = tpu.memref_slice %arg31[%dma_wait3A_458, %dma_wait3A_459] : memref<10240x8xf32, #tpu.memory_space<vmem_shared>> -> memref<10240x8xf32, #tpu.memory_space<vmem_shared>>
      tpu.wait_indirect_dma semaphore(%arg28 : memref<!tpu.dma_semaphore, #tpu.memory_space<semaphore_mem>>) src(%arg13 : memref<128x8xf32, #tpu.memory_space<vmem>>) dst(%dma_wait3A_460 : memref<10240x8xf32, #tpu.memory_space<vmem_shared>>)
      %dma_start3A_461 = arith.constant 0 : i32
      %dma_start3A_462 = tpu.memref_slice %arg12[%add3A_440, %dma_start3A_461] : memref<160x128xi32, #tpu.memory_space<vmem>> -> memref<1x128xi32, #tpu.memory_space<vmem>>
      %dma_start3A_463 = tpu.memref_squeeze %dma_start3A_462 : memref<1x128xi32, #tpu.memory_space<vmem>> -> memref<128xi32, #tpu.memory_space<vmem>>
      %dma_start3A_464 = arith.constant 0 : i32
      %dma_start3A_465 = arith.constant 0 : i32
      %dma_start3A_466 = tpu.memref_slice %arg31[%dma_start3A_464, %dma_start3A_465] : memref<10240x8xf32, #tpu.memory_space<vmem_shared>> -> memref<10240x8xf32, #tpu.memory_space<vmem_shared>>
      tpu.enqueue_indirect_dma source(%arg13 : memref<128x8xf32, #tpu.memory_space<vmem>>) target(%dma_start3A_466 : memref<10240x8xf32, #tpu.memory_space<vmem_shared>>) offsets(%dma_start3A_463 : memref<128xi32, #tpu.memory_space<vmem>>) semaphore(%arg28 : memref<!tpu.dma_semaphore, #tpu.memory_space<semaphore_mem>>) {add = true}
      %mul3A_467 = arith.constant 4 : i32
      %mul3A_468 = arith.muli %scan3A_376, %mul3A_467 : i32
      %add3A_469 = arith.constant 3 : i32
      %add3A_470 = arith.addi %mul3A_468, %add3A_469 : i32
      %dma_wait3A_471 = arith.constant 0 : i32
      %dma_wait3A_472 = arith.constant 0 : i32
      %dma_wait3A_473 = tpu.memref_slice %arg11[%dma_wait3A_471, %dma_wait3A_472] : memref<160x128xi32, #tpu.memory_space<vmem>> -> memref<1x128xi32, #tpu.memory_space<vmem>>
      %dma_wait3A_474 = tpu.memref_squeeze %dma_wait3A_473 : memref<1x128xi32, #tpu.memory_space<vmem>> -> memref<128xi32, #tpu.memory_space<vmem>>
      %dma_wait3A_475 = arith.constant 0 : i32
      %dma_wait3A_476 = arith.constant 0 : i32
      %dma_wait3A_477 = tpu.memref_slice %arg2[%dma_wait3A_475, %dma_wait3A_476] : memref<10000x64xf32, #tpu.memory_space<hbm>> -> memref<10000x64xf32, #tpu.memory_space<hbm>>
      tpu.wait_indirect_dma semaphore(%arg21 : memref<!tpu.dma_semaphore, #tpu.memory_space<semaphore_mem>>) src(%dma_wait3A_477 : memref<10000x64xf32, #tpu.memory_space<hbm>>) dst(%arg17 : memref<128x64xf32, #tpu.memory_space<vmem>>)
      %dma_start3A_478 = arith.constant 0 : i32
      %dma_start3A_479 = tpu.memref_slice %arg12[%add3A_470, %dma_start3A_478] : memref<160x128xi32, #tpu.memory_space<vmem>> -> memref<1x128xi32, #tpu.memory_space<vmem>>
      %dma_start3A_480 = tpu.memref_squeeze %dma_start3A_479 : memref<1x128xi32, #tpu.memory_space<vmem>> -> memref<128xi32, #tpu.memory_space<vmem>>
      %dma_start3A_481 = arith.constant 0 : i32
      %dma_start3A_482 = arith.constant 0 : i32
      %dma_start3A_483 = tpu.memref_slice %arg30[%dma_start3A_481, %dma_start3A_482] : memref<10240x64xf32, #tpu.memory_space<vmem_shared>> -> memref<10240x64xf32, #tpu.memory_space<vmem_shared>>
      tpu.enqueue_indirect_dma source(%arg17 : memref<128x64xf32, #tpu.memory_space<vmem>>) target(%dma_start3A_483 : memref<10240x64xf32, #tpu.memory_space<vmem_shared>>) offsets(%dma_start3A_480 : memref<128xi32, #tpu.memory_space<vmem>>) semaphore(%arg25 : memref<!tpu.dma_semaphore, #tpu.memory_space<semaphore_mem>>) {add = true}
      %dma_wait3A_484 = arith.constant 0 : i32
      %dma_wait3A_485 = arith.constant 0 : i32
      %dma_wait3A_486 = tpu.memref_slice %arg12[%dma_wait3A_484, %dma_wait3A_485] : memref<160x128xi32, #tpu.memory_space<vmem>> -> memref<1x128xi32, #tpu.memory_space<vmem>>
      %dma_wait3A_487 = tpu.memref_squeeze %dma_wait3A_486 : memref<1x128xi32, #tpu.memory_space<vmem>> -> memref<128xi32, #tpu.memory_space<vmem>>
      %dma_wait3A_488 = arith.constant 0 : i32
      %dma_wait3A_489 = arith.constant 0 : i32
      %dma_wait3A_490 = tpu.memref_slice %arg31[%dma_wait3A_488, %dma_wait3A_489] : memref<10240x8xf32, #tpu.memory_space<vmem_shared>> -> memref<10240x8xf32, #tpu.memory_space<vmem_shared>>
      tpu.wait_indirect_dma semaphore(%arg29 : memref<!tpu.dma_semaphore, #tpu.memory_space<semaphore_mem>>) src(%arg13 : memref<128x8xf32, #tpu.memory_space<vmem>>) dst(%dma_wait3A_490 : memref<10240x8xf32, #tpu.memory_space<vmem_shared>>)
      %dma_start3A_491 = arith.constant 0 : i32
      %dma_start3A_492 = tpu.memref_slice %arg12[%add3A_470, %dma_start3A_491] : memref<160x128xi32, #tpu.memory_space<vmem>> -> memref<1x128xi32, #tpu.memory_space<vmem>>
      %dma_start3A_493 = tpu.memref_squeeze %dma_start3A_492 : memref<1x128xi32, #tpu.memory_space<vmem>> -> memref<128xi32, #tpu.memory_space<vmem>>
      %dma_start3A_494 = arith.constant 0 : i32
      %dma_start3A_495 = arith.constant 0 : i32
      %dma_start3A_496 = tpu.memref_slice %arg31[%dma_start3A_494, %dma_start3A_495] : memref<10240x8xf32, #tpu.memory_space<vmem_shared>> -> memref<10240x8xf32, #tpu.memory_space<vmem_shared>>
      tpu.enqueue_indirect_dma source(%arg13 : memref<128x8xf32, #tpu.memory_space<vmem>>) target(%dma_start3A_496 : memref<10240x8xf32, #tpu.memory_space<vmem_shared>>) offsets(%dma_start3A_493 : memref<128xi32, #tpu.memory_space<vmem>>) semaphore(%arg29 : memref<!tpu.dma_semaphore, #tpu.memory_space<semaphore_mem>>) {add = true}
      %dma_wait3A_497 = arith.constant 0 : i32
      %dma_wait3A_498 = arith.constant 0 : i32
      %dma_wait3A_499 = tpu.memref_slice %arg12[%dma_wait3A_497, %dma_wait3A_498] : memref<160x128xi32, #tpu.memory_space<vmem>> -> memref<1x128xi32, #tpu.memory_space<vmem>>
      %dma_wait3A_500 = tpu.memref_squeeze %dma_wait3A_499 : memref<1x128xi32, #tpu.memory_space<vmem>> -> memref<128xi32, #tpu.memory_space<vmem>>
      %dma_wait3A_501 = arith.constant 0 : i32
      %dma_wait3A_502 = arith.constant 0 : i32
      %dma_wait3A_503 = tpu.memref_slice %arg30[%dma_wait3A_501, %dma_wait3A_502] : memref<10240x64xf32, #tpu.memory_space<vmem_shared>> -> memref<10240x64xf32, #tpu.memory_space<vmem_shared>>
      tpu.wait_indirect_dma semaphore(%arg22 : memref<!tpu.dma_semaphore, #tpu.memory_space<semaphore_mem>>) src(%arg14 : memref<128x64xf32, #tpu.memory_space<vmem>>) dst(%dma_wait3A_503 : memref<10240x64xf32, #tpu.memory_space<vmem_shared>>)
      %add3A_504 = arith.constant 1 : i32
      %add3A_505 = arith.addi %scan3A_376, %add3A_504 : i32
      %mul3A_506 = arith.constant 4 : i32
      %mul3A_507 = arith.muli %add3A_505, %mul3A_506 : i32
      %add3A_508 = arith.constant 0 : i32
      %add3A_509 = arith.addi %mul3A_507, %add3A_508 : i32
      %eq3A_510 = arith.constant 0 : i32
      %eq3A_511 = arith.cmpi eq, %arg0, %eq3A_510 : i32
      %convert_element_type3A_512 = arith.extui %eq3A_511 : i1 to i32
      %cond3A_513 = arith.constant 0 : i32
      %cond3A_514 = arith.cmpi ne, %convert_element_type3A_512, %cond3A_513 : i32
      scf.if %cond3A_514 {
        %dma_start3A_589 = arith.constant 0 : i32
        %dma_start3A_590 = tpu.memref_slice %arg11[%add3A_509, %dma_start3A_589] : memref<160x128xi32, #tpu.memory_space<vmem>> -> memref<1x128xi32, #tpu.memory_space<vmem>>
        %dma_start3A_591 = tpu.memref_squeeze %dma_start3A_590 : memref<1x128xi32, #tpu.memory_space<vmem>> -> memref<128xi32, #tpu.memory_space<vmem>>
        %dma_start3A_592 = arith.constant 0 : i32
        %dma_start3A_593 = arith.constant 0 : i32
        %dma_start3A_594 = tpu.memref_slice %arg2[%dma_start3A_592, %dma_start3A_593] : memref<10000x64xf32, #tpu.memory_space<hbm>> -> memref<10000x64xf32, #tpu.memory_space<hbm>>
        tpu.enqueue_indirect_dma source(%dma_start3A_594 : memref<10000x64xf32, #tpu.memory_space<hbm>>) target(%arg14 : memref<128x64xf32, #tpu.memory_space<vmem>>) offsets(%dma_start3A_591 : memref<128xi32, #tpu.memory_space<vmem>>) semaphore(%arg18 : memref<!tpu.dma_semaphore, #tpu.memory_space<semaphore_mem>>)
      } else {
      }
      %eq3A_515 = arith.constant 1 : i32
      %eq3A_516 = arith.cmpi eq, %arg0, %eq3A_515 : i32
      %convert_element_type3A_517 = arith.extui %eq3A_516 : i1 to i32
      %cond3A_518 = arith.constant 0 : i32
      %cond3A_519 = arith.cmpi ne, %convert_element_type3A_517, %cond3A_518 : i32
      scf.if %cond3A_519 {
        %dma_start3A_589 = arith.constant 0 : i32
        %dma_start3A_590 = tpu.memref_slice %arg11[%add3A_509, %dma_start3A_589] : memref<160x128xi32, #tpu.memory_space<vmem>> -> memref<1x128xi32, #tpu.memory_space<vmem>>
        %dma_start3A_591 = tpu.memref_squeeze %dma_start3A_590 : memref<1x128xi32, #tpu.memory_space<vmem>> -> memref<128xi32, #tpu.memory_space<vmem>>
        %dma_start3A_592 = arith.constant 0 : i32
        %dma_start3A_593 = arith.constant 0 : i32
        %dma_start3A_594 = tpu.memref_slice %arg3[%dma_start3A_592, %dma_start3A_593] : memref<10000x64xf32, #tpu.memory_space<hbm>> -> memref<10000x64xf32, #tpu.memory_space<hbm>>
        tpu.enqueue_indirect_dma source(%dma_start3A_594 : memref<10000x64xf32, #tpu.memory_space<hbm>>) target(%arg14 : memref<128x64xf32, #tpu.memory_space<vmem>>) offsets(%dma_start3A_591 : memref<128xi32, #tpu.memory_space<vmem>>) semaphore(%arg18 : memref<!tpu.dma_semaphore, #tpu.memory_space<semaphore_mem>>)
      } else {
      }
      %dma_wait3A_520 = arith.constant 0 : i32
      %dma_wait3A_521 = arith.constant 0 : i32
      %dma_wait3A_522 = tpu.memref_slice %arg12[%dma_wait3A_520, %dma_wait3A_521] : memref<160x128xi32, #tpu.memory_space<vmem>> -> memref<1x128xi32, #tpu.memory_space<vmem>>
      %dma_wait3A_523 = tpu.memref_squeeze %dma_wait3A_522 : memref<1x128xi32, #tpu.memory_space<vmem>> -> memref<128xi32, #tpu.memory_space<vmem>>
      %dma_wait3A_524 = arith.constant 0 : i32
      %dma_wait3A_525 = arith.constant 0 : i32
      %dma_wait3A_526 = tpu.memref_slice %arg30[%dma_wait3A_524, %dma_wait3A_525] : memref<10240x64xf32, #tpu.memory_space<vmem_shared>> -> memref<10240x64xf32, #tpu.memory_space<vmem_shared>>
      tpu.wait_indirect_dma semaphore(%arg23 : memref<!tpu.dma_semaphore, #tpu.memory_space<semaphore_mem>>) src(%arg15 : memref<128x64xf32, #tpu.memory_space<vmem>>) dst(%dma_wait3A_526 : memref<10240x64xf32, #tpu.memory_space<vmem_shared>>)
      %add3A_527 = arith.constant 1 : i32
      %add3A_528 = arith.addi %scan3A_376, %add3A_527 : i32
      %mul3A_529 = arith.constant 4 : i32
      %mul3A_530 = arith.muli %add3A_528, %mul3A_529 : i32
      %add3A_531 = arith.constant 1 : i32
      %add3A_532 = arith.addi %mul3A_530, %add3A_531 : i32
      %eq3A_533 = arith.constant 0 : i32
      %eq3A_534 = arith.cmpi eq, %arg0, %eq3A_533 : i32
      %convert_element_type3A_535 = arith.extui %eq3A_534 : i1 to i32
      %cond3A_536 = arith.constant 0 : i32
      %cond3A_537 = arith.cmpi ne, %convert_element_type3A_535, %cond3A_536 : i32
      scf.if %cond3A_537 {
        %dma_start3A_589 = arith.constant 0 : i32
        %dma_start3A_590 = tpu.memref_slice %arg11[%add3A_532, %dma_start3A_589] : memref<160x128xi32, #tpu.memory_space<vmem>> -> memref<1x128xi32, #tpu.memory_space<vmem>>
        %dma_start3A_591 = tpu.memref_squeeze %dma_start3A_590 : memref<1x128xi32, #tpu.memory_space<vmem>> -> memref<128xi32, #tpu.memory_space<vmem>>
        %dma_start3A_592 = arith.constant 0 : i32
        %dma_start3A_593 = arith.constant 0 : i32
        %dma_start3A_594 = tpu.memref_slice %arg2[%dma_start3A_592, %dma_start3A_593] : memref<10000x64xf32, #tpu.memory_space<hbm>> -> memref<10000x64xf32, #tpu.memory_space<hbm>>
        tpu.enqueue_indirect_dma source(%dma_start3A_594 : memref<10000x64xf32, #tpu.memory_space<hbm>>) target(%arg15 : memref<128x64xf32, #tpu.memory_space<vmem>>) offsets(%dma_start3A_591 : memref<128xi32, #tpu.memory_space<vmem>>) semaphore(%arg19 : memref<!tpu.dma_semaphore, #tpu.memory_space<semaphore_mem>>)
      } else {
      }
      %eq3A_538 = arith.constant 1 : i32
      %eq3A_539 = arith.cmpi eq, %arg0, %eq3A_538 : i32
      %convert_element_type3A_540 = arith.extui %eq3A_539 : i1 to i32
      %cond3A_541 = arith.constant 0 : i32
      %cond3A_542 = arith.cmpi ne, %convert_element_type3A_540, %cond3A_541 : i32
      scf.if %cond3A_542 {
        %dma_start3A_589 = arith.constant 0 : i32
        %dma_start3A_590 = tpu.memref_slice %arg11[%add3A_532, %dma_start3A_589] : memref<160x128xi32, #tpu.memory_space<vmem>> -> memref<1x128xi32, #tpu.memory_space<vmem>>
        %dma_start3A_591 = tpu.memref_squeeze %dma_start3A_590 : memref<1x128xi32, #tpu.memory_space<vmem>> -> memref<128xi32, #tpu.memory_space<vmem>>
        %dma_start3A_592 = arith.constant 0 : i32
        %dma_start3A_593 = arith.constant 0 : i32
        %dma_start3A_594 = tpu.memref_slice %arg3[%dma_start3A_592, %dma_start3A_593] : memref<10000x64xf32, #tpu.memory_space<hbm>> -> memref<10000x64xf32, #tpu.memory_space<hbm>>
        tpu.enqueue_indirect_dma source(%dma_start3A_594 : memref<10000x64xf32, #tpu.memory_space<hbm>>) target(%arg15 : memref<128x64xf32, #tpu.memory_space<vmem>>) offsets(%dma_start3A_591 : memref<128xi32, #tpu.memory_space<vmem>>) semaphore(%arg19 : memref<!tpu.dma_semaphore, #tpu.memory_space<semaphore_mem>>)
      } else {
      }
      %dma_wait3A_543 = arith.constant 0 : i32
      %dma_wait3A_544 = arith.constant 0 : i32
      %dma_wait3A_545 = tpu.memref_slice %arg12[%dma_wait3A_543, %dma_wait3A_544] : memref<160x128xi32, #tpu.memory_space<vmem>> -> memref<1x128xi32, #tpu.memory_space<vmem>>
      %dma_wait3A_546 = tpu.memref_squeeze %dma_wait3A_545 : memref<1x128xi32, #tpu.memory_space<vmem>> -> memref<128xi32, #tpu.memory_space<vmem>>
      %dma_wait3A_547 = arith.constant 0 : i32
      %dma_wait3A_548 = arith.constant 0 : i32
      %dma_wait3A_549 = tpu.memref_slice %arg30[%dma_wait3A_547, %dma_wait3A_548] : memref<10240x64xf32, #tpu.memory_space<vmem_shared>> -> memref<10240x64xf32, #tpu.memory_space<vmem_shared>>
      tpu.wait_indirect_dma semaphore(%arg24 : memref<!tpu.dma_semaphore, #tpu.memory_space<semaphore_mem>>) src(%arg16 : memref<128x64xf32, #tpu.memory_space<vmem>>) dst(%dma_wait3A_549 : memref<10240x64xf32, #tpu.memory_space<vmem_shared>>)
      %add3A_550 = arith.constant 1 : i32
      %add3A_551 = arith.addi %scan3A_376, %add3A_550 : i32
      %mul3A_552 = arith.constant 4 : i32
      %mul3A_553 = arith.muli %add3A_551, %mul3A_552 : i32
      %add3A_554 = arith.constant 2 : i32
      %add3A_555 = arith.addi %mul3A_553, %add3A_554 : i32
      %eq3A_556 = arith.constant 0 : i32
      %eq3A_557 = arith.cmpi eq, %arg0, %eq3A_556 : i32
      %convert_element_type3A_558 = arith.extui %eq3A_557 : i1 to i32
      %cond3A_559 = arith.constant 0 : i32
      %cond3A_560 = arith.cmpi ne, %convert_element_type3A_558, %cond3A_559 : i32
      scf.if %cond3A_560 {
        %dma_start3A_589 = arith.constant 0 : i32
        %dma_start3A_590 = tpu.memref_slice %arg11[%add3A_555, %dma_start3A_589] : memref<160x128xi32, #tpu.memory_space<vmem>> -> memref<1x128xi32, #tpu.memory_space<vmem>>
        %dma_start3A_591 = tpu.memref_squeeze %dma_start3A_590 : memref<1x128xi32, #tpu.memory_space<vmem>> -> memref<128xi32, #tpu.memory_space<vmem>>
        %dma_start3A_592 = arith.constant 0 : i32
        %dma_start3A_593 = arith.constant 0 : i32
        %dma_start3A_594 = tpu.memref_slice %arg2[%dma_start3A_592, %dma_start3A_593] : memref<10000x64xf32, #tpu.memory_space<hbm>> -> memref<10000x64xf32, #tpu.memory_space<hbm>>
        tpu.enqueue_indirect_dma source(%dma_start3A_594 : memref<10000x64xf32, #tpu.memory_space<hbm>>) target(%arg16 : memref<128x64xf32, #tpu.memory_space<vmem>>) offsets(%dma_start3A_591 : memref<128xi32, #tpu.memory_space<vmem>>) semaphore(%arg20 : memref<!tpu.dma_semaphore, #tpu.memory_space<semaphore_mem>>)
      } else {
      }
      %eq3A_561 = arith.constant 1 : i32
      %eq3A_562 = arith.cmpi eq, %arg0, %eq3A_561 : i32
      %convert_element_type3A_563 = arith.extui %eq3A_562 : i1 to i32
      %cond3A_564 = arith.constant 0 : i32
      %cond3A_565 = arith.cmpi ne, %convert_element_type3A_563, %cond3A_564 : i32
      scf.if %cond3A_565 {
        %dma_start3A_589 = arith.constant 0 : i32
        %dma_start3A_590 = tpu.memref_slice %arg11[%add3A_555, %dma_start3A_589] : memref<160x128xi32, #tpu.memory_space<vmem>> -> memref<1x128xi32, #tpu.memory_space<vmem>>
        %dma_start3A_591 = tpu.memref_squeeze %dma_start3A_590 : memref<1x128xi32, #tpu.memory_space<vmem>> -> memref<128xi32, #tpu.memory_space<vmem>>
        %dma_start3A_592 = arith.constant 0 : i32
        %dma_start3A_593 = arith.constant 0 : i32
        %dma_start3A_594 = tpu.memref_slice %arg3[%dma_start3A_592, %dma_start3A_593] : memref<10000x64xf32, #tpu.memory_space<hbm>> -> memref<10000x64xf32, #tpu.memory_space<hbm>>
        tpu.enqueue_indirect_dma source(%dma_start3A_594 : memref<10000x64xf32, #tpu.memory_space<hbm>>) target(%arg16 : memref<128x64xf32, #tpu.memory_space<vmem>>) offsets(%dma_start3A_591 : memref<128xi32, #tpu.memory_space<vmem>>) semaphore(%arg20 : memref<!tpu.dma_semaphore, #tpu.memory_space<semaphore_mem>>)
      } else {
      }
      %dma_wait3A_566 = arith.constant 0 : i32
      %dma_wait3A_567 = arith.constant 0 : i32
      %dma_wait3A_568 = tpu.memref_slice %arg12[%dma_wait3A_566, %dma_wait3A_567] : memref<160x128xi32, #tpu.memory_space<vmem>> -> memref<1x128xi32, #tpu.memory_space<vmem>>
      %dma_wait3A_569 = tpu.memref_squeeze %dma_wait3A_568 : memref<1x128xi32, #tpu.memory_space<vmem>> -> memref<128xi32, #tpu.memory_space<vmem>>
      %dma_wait3A_570 = arith.constant 0 : i32
      %dma_wait3A_571 = arith.constant 0 : i32
      %dma_wait3A_572 = tpu.memref_slice %arg30[%dma_wait3A_570, %dma_wait3A_571] : memref<10240x64xf32, #tpu.memory_space<vmem_shared>> -> memref<10240x64xf32, #tpu.memory_space<vmem_shared>>
      tpu.wait_indirect_dma semaphore(%arg25 : memref<!tpu.dma_semaphore, #tpu.memory_space<semaphore_mem>>) src(%arg17 : memref<128x64xf32, #tpu.memory_space<vmem>>) dst(%dma_wait3A_572 : memref<10240x64xf32, #tpu.memory_space<vmem_shared>>)
      %add3A_573 = arith.constant 1 : i32
      %add3A_574 = arith.addi %scan3A_376, %add3A_573 : i32
      %mul3A_575 = arith.constant 4 : i32
      %mul3A_576 = arith.muli %add3A_574, %mul3A_575 : i32
      %add3A_577 = arith.constant 3 : i32
      %add3A_578 = arith.addi %mul3A_576, %add3A_577 : i32
      %eq3A_579 = arith.constant 0 : i32
      %eq3A_580 = arith.cmpi eq, %arg0, %eq3A_579 : i32
      %convert_element_type3A_581 = arith.extui %eq3A_580 : i1 to i32
      %cond3A_582 = arith.constant 0 : i32
      %cond3A_583 = arith.cmpi ne, %convert_element_type3A_581, %cond3A_582 : i32
      scf.if %cond3A_583 {
        %dma_start3A_589 = arith.constant 0 : i32
        %dma_start3A_590 = tpu.memref_slice %arg11[%add3A_578, %dma_start3A_589] : memref<160x128xi32, #tpu.memory_space<vmem>> -> memref<1x128xi32, #tpu.memory_space<vmem>>
        %dma_start3A_591 = tpu.memref_squeeze %dma_start3A_590 : memref<1x128xi32, #tpu.memory_space<vmem>> -> memref<128xi32, #tpu.memory_space<vmem>>
        %dma_start3A_592 = arith.constant 0 : i32
        %dma_start3A_593 = arith.constant 0 : i32
        %dma_start3A_594 = tpu.memref_slice %arg2[%dma_start3A_592, %dma_start3A_593] : memref<10000x64xf32, #tpu.memory_space<hbm>> -> memref<10000x64xf32, #tpu.memory_space<hbm>>
        tpu.enqueue_indirect_dma source(%dma_start3A_594 : memref<10000x64xf32, #tpu.memory_space<hbm>>) target(%arg17 : memref<128x64xf32, #tpu.memory_space<vmem>>) offsets(%dma_start3A_591 : memref<128xi32, #tpu.memory_space<vmem>>) semaphore(%arg21 : memref<!tpu.dma_semaphore, #tpu.memory_space<semaphore_mem>>)
      } else {
      }
      %eq3A_584 = arith.constant 1 : i32
      %eq3A_585 = arith.cmpi eq, %arg0, %eq3A_584 : i32
      %convert_element_type3A_586 = arith.extui %eq3A_585 : i1 to i32
      %cond3A_587 = arith.constant 0 : i32
      %cond3A_588 = arith.cmpi ne, %convert_element_type3A_586, %cond3A_587 : i32
      scf.if %cond3A_588 {
        %dma_start3A_589 = arith.constant 0 : i32
        %dma_start3A_590 = tpu.memref_slice %arg11[%add3A_578, %dma_start3A_589] : memref<160x128xi32, #tpu.memory_space<vmem>> -> memref<1x128xi32, #tpu.memory_space<vmem>>
        %dma_start3A_591 = tpu.memref_squeeze %dma_start3A_590 : memref<1x128xi32, #tpu.memory_space<vmem>> -> memref<128xi32, #tpu.memory_space<vmem>>
        %dma_start3A_592 = arith.constant 0 : i32
        %dma_start3A_593 = arith.constant 0 : i32
        %dma_start3A_594 = tpu.memref_slice %arg3[%dma_start3A_592, %dma_start3A_593] : memref<10000x64xf32, #tpu.memory_space<hbm>> -> memref<10000x64xf32, #tpu.memory_space<hbm>>
        tpu.enqueue_indirect_dma source(%dma_start3A_594 : memref<10000x64xf32, #tpu.memory_space<hbm>>) target(%arg17 : memref<128x64xf32, #tpu.memory_space<vmem>>) offsets(%dma_start3A_591 : memref<128xi32, #tpu.memory_space<vmem>>) semaphore(%arg21 : memref<!tpu.dma_semaphore, #tpu.memory_space<semaphore_mem>>)
      } else {
      }
    }
    %scan3A_198 = arith.constant 38 : i32
    %dma_wait3A_199 = arith.constant 0 : i32
    %dma_wait3A_200 = arith.constant 0 : i32
    %dma_wait3A_201 = tpu.memref_slice %arg11[%dma_wait3A_199, %dma_wait3A_200] : memref<160x128xi32, #tpu.memory_space<vmem>> -> memref<1x128xi32, #tpu.memory_space<vmem>>
    %dma_wait3A_202 = tpu.memref_squeeze %dma_wait3A_201 : memref<1x128xi32, #tpu.memory_space<vmem>> -> memref<128xi32, #tpu.memory_space<vmem>>
    %dma_wait3A_203 = arith.constant 0 : i32
    %dma_wait3A_204 = arith.constant 0 : i32
    %dma_wait3A_205 = tpu.memref_slice %arg2[%dma_wait3A_203, %dma_wait3A_204] : memref<10000x64xf32, #tpu.memory_space<hbm>> -> memref<10000x64xf32, #tpu.memory_space<hbm>>
    tpu.wait_indirect_dma semaphore(%arg18 : memref<!tpu.dma_semaphore, #tpu.memory_space<semaphore_mem>>) src(%dma_wait3A_205 : memref<10000x64xf32, #tpu.memory_space<hbm>>) dst(%arg14 : memref<128x64xf32, #tpu.memory_space<vmem>>)
    %dma_start3A_206 = arith.constant 156 : i32
    %dma_start3A_207 = arith.constant 0 : i32
    %dma_start3A_208 = tpu.memref_slice %arg12[%dma_start3A_206, %dma_start3A_207] : memref<160x128xi32, #tpu.memory_space<vmem>> -> memref<1x128xi32, #tpu.memory_space<vmem>>
    %dma_start3A_209 = tpu.memref_squeeze %dma_start3A_208 : memref<1x128xi32, #tpu.memory_space<vmem>> -> memref<128xi32, #tpu.memory_space<vmem>>
    %dma_start3A_210 = arith.constant 0 : i32
    %dma_start3A_211 = arith.constant 0 : i32
    %dma_start3A_212 = tpu.memref_slice %arg30[%dma_start3A_210, %dma_start3A_211] : memref<10240x64xf32, #tpu.memory_space<vmem_shared>> -> memref<10240x64xf32, #tpu.memory_space<vmem_shared>>
    tpu.enqueue_indirect_dma source(%arg14 : memref<128x64xf32, #tpu.memory_space<vmem>>) target(%dma_start3A_212 : memref<10240x64xf32, #tpu.memory_space<vmem_shared>>) offsets(%dma_start3A_209 : memref<128xi32, #tpu.memory_space<vmem>>) semaphore(%arg22 : memref<!tpu.dma_semaphore, #tpu.memory_space<semaphore_mem>>) {add = true}
    %dma_wait3A_213 = arith.constant 0 : i32
    %dma_wait3A_214 = arith.constant 0 : i32
    %dma_wait3A_215 = tpu.memref_slice %arg12[%dma_wait3A_213, %dma_wait3A_214] : memref<160x128xi32, #tpu.memory_space<vmem>> -> memref<1x128xi32, #tpu.memory_space<vmem>>
    %dma_wait3A_216 = tpu.memref_squeeze %dma_wait3A_215 : memref<1x128xi32, #tpu.memory_space<vmem>> -> memref<128xi32, #tpu.memory_space<vmem>>
    %dma_wait3A_217 = arith.constant 0 : i32
    %dma_wait3A_218 = arith.constant 0 : i32
    %dma_wait3A_219 = tpu.memref_slice %arg31[%dma_wait3A_217, %dma_wait3A_218] : memref<10240x8xf32, #tpu.memory_space<vmem_shared>> -> memref<10240x8xf32, #tpu.memory_space<vmem_shared>>
    tpu.wait_indirect_dma semaphore(%arg26 : memref<!tpu.dma_semaphore, #tpu.memory_space<semaphore_mem>>) src(%arg13 : memref<128x8xf32, #tpu.memory_space<vmem>>) dst(%dma_wait3A_219 : memref<10240x8xf32, #tpu.memory_space<vmem_shared>>)
    %dma_start3A_220 = arith.constant 156 : i32
    %dma_start3A_221 = arith.constant 0 : i32
    %dma_start3A_222 = tpu.memref_slice %arg12[%dma_start3A_220, %dma_start3A_221] : memref<160x128xi32, #tpu.memory_space<vmem>> -> memref<1x128xi32, #tpu.memory_space<vmem>>
    %dma_start3A_223 = tpu.memref_squeeze %dma_start3A_222 : memref<1x128xi32, #tpu.memory_space<vmem>> -> memref<128xi32, #tpu.memory_space<vmem>>
    %dma_start3A_224 = arith.constant 0 : i32
    %dma_start3A_225 = arith.constant 0 : i32
    %dma_start3A_226 = tpu.memref_slice %arg31[%dma_start3A_224, %dma_start3A_225] : memref<10240x8xf32, #tpu.memory_space<vmem_shared>> -> memref<10240x8xf32, #tpu.memory_space<vmem_shared>>
    tpu.enqueue_indirect_dma source(%arg13 : memref<128x8xf32, #tpu.memory_space<vmem>>) target(%dma_start3A_226 : memref<10240x8xf32, #tpu.memory_space<vmem_shared>>) offsets(%dma_start3A_223 : memref<128xi32, #tpu.memory_space<vmem>>) semaphore(%arg26 : memref<!tpu.dma_semaphore, #tpu.memory_space<semaphore_mem>>) {add = true}
    %dma_wait3A_227 = arith.constant 0 : i32
    %dma_wait3A_228 = arith.constant 0 : i32
    %dma_wait3A_229 = tpu.memref_slice %arg11[%dma_wait3A_227, %dma_wait3A_228] : memref<160x128xi32, #tpu.memory_space<vmem>> -> memref<1x128xi32, #tpu.memory_space<vmem>>
    %dma_wait3A_230 = tpu.memref_squeeze %dma_wait3A_229 : memref<1x128xi32, #tpu.memory_space<vmem>> -> memref<128xi32, #tpu.memory_space<vmem>>
    %dma_wait3A_231 = arith.constant 0 : i32
    %dma_wait3A_232 = arith.constant 0 : i32
    %dma_wait3A_233 = tpu.memref_slice %arg2[%dma_wait3A_231, %dma_wait3A_232] : memref<10000x64xf32, #tpu.memory_space<hbm>> -> memref<10000x64xf32, #tpu.memory_space<hbm>>
    tpu.wait_indirect_dma semaphore(%arg19 : memref<!tpu.dma_semaphore, #tpu.memory_space<semaphore_mem>>) src(%dma_wait3A_233 : memref<10000x64xf32, #tpu.memory_space<hbm>>) dst(%arg15 : memref<128x64xf32, #tpu.memory_space<vmem>>)
    %dma_start3A_234 = arith.constant 157 : i32
    %dma_start3A_235 = arith.constant 0 : i32
    %dma_start3A_236 = tpu.memref_slice %arg12[%dma_start3A_234, %dma_start3A_235] : memref<160x128xi32, #tpu.memory_space<vmem>> -> memref<1x128xi32, #tpu.memory_space<vmem>>
    %dma_start3A_237 = tpu.memref_squeeze %dma_start3A_236 : memref<1x128xi32, #tpu.memory_space<vmem>> -> memref<128xi32, #tpu.memory_space<vmem>>
    %dma_start3A_238 = arith.constant 0 : i32
    %dma_start3A_239 = arith.constant 0 : i32
    %dma_start3A_240 = tpu.memref_slice %arg30[%dma_start3A_238, %dma_start3A_239] : memref<10240x64xf32, #tpu.memory_space<vmem_shared>> -> memref<10240x64xf32, #tpu.memory_space<vmem_shared>>
    tpu.enqueue_indirect_dma source(%arg15 : memref<128x64xf32, #tpu.memory_space<vmem>>) target(%dma_start3A_240 : memref<10240x64xf32, #tpu.memory_space<vmem_shared>>) offsets(%dma_start3A_237 : memref<128xi32, #tpu.memory_space<vmem>>) semaphore(%arg23 : memref<!tpu.dma_semaphore, #tpu.memory_space<semaphore_mem>>) {add = true}
    %dma_wait3A_241 = arith.constant 0 : i32
    %dma_wait3A_242 = arith.constant 0 : i32
    %dma_wait3A_243 = tpu.memref_slice %arg12[%dma_wait3A_241, %dma_wait3A_242] : memref<160x128xi32, #tpu.memory_space<vmem>> -> memref<1x128xi32, #tpu.memory_space<vmem>>
    %dma_wait3A_244 = tpu.memref_squeeze %dma_wait3A_243 : memref<1x128xi32, #tpu.memory_space<vmem>> -> memref<128xi32, #tpu.memory_space<vmem>>
    %dma_wait3A_245 = arith.constant 0 : i32
    %dma_wait3A_246 = arith.constant 0 : i32
    %dma_wait3A_247 = tpu.memref_slice %arg31[%dma_wait3A_245, %dma_wait3A_246] : memref<10240x8xf32, #tpu.memory_space<vmem_shared>> -> memref<10240x8xf32, #tpu.memory_space<vmem_shared>>
    tpu.wait_indirect_dma semaphore(%arg27 : memref<!tpu.dma_semaphore, #tpu.memory_space<semaphore_mem>>) src(%arg13 : memref<128x8xf32, #tpu.memory_space<vmem>>) dst(%dma_wait3A_247 : memref<10240x8xf32, #tpu.memory_space<vmem_shared>>)
    %dma_start3A_248 = arith.constant 157 : i32
    %dma_start3A_249 = arith.constant 0 : i32
    %dma_start3A_250 = tpu.memref_slice %arg12[%dma_start3A_248, %dma_start3A_249] : memref<160x128xi32, #tpu.memory_space<vmem>> -> memref<1x128xi32, #tpu.memory_space<vmem>>
    %dma_start3A_251 = tpu.memref_squeeze %dma_start3A_250 : memref<1x128xi32, #tpu.memory_space<vmem>> -> memref<128xi32, #tpu.memory_space<vmem>>
    %dma_start3A_252 = arith.constant 0 : i32
    %dma_start3A_253 = arith.constant 0 : i32
    %dma_start3A_254 = tpu.memref_slice %arg31[%dma_start3A_252, %dma_start3A_253] : memref<10240x8xf32, #tpu.memory_space<vmem_shared>> -> memref<10240x8xf32, #tpu.memory_space<vmem_shared>>
    tpu.enqueue_indirect_dma source(%arg13 : memref<128x8xf32, #tpu.memory_space<vmem>>) target(%dma_start3A_254 : memref<10240x8xf32, #tpu.memory_space<vmem_shared>>) offsets(%dma_start3A_251 : memref<128xi32, #tpu.memory_space<vmem>>) semaphore(%arg27 : memref<!tpu.dma_semaphore, #tpu.memory_space<semaphore_mem>>) {add = true}
    %dma_wait3A_255 = arith.constant 0 : i32
    %dma_wait3A_256 = arith.constant 0 : i32
    %dma_wait3A_257 = tpu.memref_slice %arg11[%dma_wait3A_255, %dma_wait3A_256] : memref<160x128xi32, #tpu.memory_space<vmem>> -> memref<1x128xi32, #tpu.memory_space<vmem>>
    %dma_wait3A_258 = tpu.memref_squeeze %dma_wait3A_257 : memref<1x128xi32, #tpu.memory_space<vmem>> -> memref<128xi32, #tpu.memory_space<vmem>>
    %dma_wait3A_259 = arith.constant 0 : i32
    %dma_wait3A_260 = arith.constant 0 : i32
    %dma_wait3A_261 = tpu.memref_slice %arg2[%dma_wait3A_259, %dma_wait3A_260] : memref<10000x64xf32, #tpu.memory_space<hbm>> -> memref<10000x64xf32, #tpu.memory_space<hbm>>
    tpu.wait_indirect_dma semaphore(%arg20 : memref<!tpu.dma_semaphore, #tpu.memory_space<semaphore_mem>>) src(%dma_wait3A_261 : memref<10000x64xf32, #tpu.memory_space<hbm>>) dst(%arg16 : memref<128x64xf32, #tpu.memory_space<vmem>>)
    %dma_start3A_262 = arith.constant 158 : i32
    %dma_start3A_263 = arith.constant 0 : i32
    %dma_start3A_264 = tpu.memref_slice %arg12[%dma_start3A_262, %dma_start3A_263] : memref<160x128xi32, #tpu.memory_space<vmem>> -> memref<1x128xi32, #tpu.memory_space<vmem>>
    %dma_start3A_265 = tpu.memref_squeeze %dma_start3A_264 : memref<1x128xi32, #tpu.memory_space<vmem>> -> memref<128xi32, #tpu.memory_space<vmem>>
    %dma_start3A_266 = arith.constant 0 : i32
    %dma_start3A_267 = arith.constant 0 : i32
    %dma_start3A_268 = tpu.memref_slice %arg30[%dma_start3A_266, %dma_start3A_267] : memref<10240x64xf32, #tpu.memory_space<vmem_shared>> -> memref<10240x64xf32, #tpu.memory_space<vmem_shared>>
    tpu.enqueue_indirect_dma source(%arg16 : memref<128x64xf32, #tpu.memory_space<vmem>>) target(%dma_start3A_268 : memref<10240x64xf32, #tpu.memory_space<vmem_shared>>) offsets(%dma_start3A_265 : memref<128xi32, #tpu.memory_space<vmem>>) semaphore(%arg24 : memref<!tpu.dma_semaphore, #tpu.memory_space<semaphore_mem>>) {add = true}
    %dma_wait3A_269 = arith.constant 0 : i32
    %dma_wait3A_270 = arith.constant 0 : i32
    %dma_wait3A_271 = tpu.memref_slice %arg12[%dma_wait3A_269, %dma_wait3A_270] : memref<160x128xi32, #tpu.memory_space<vmem>> -> memref<1x128xi32, #tpu.memory_space<vmem>>
    %dma_wait3A_272 = tpu.memref_squeeze %dma_wait3A_271 : memref<1x128xi32, #tpu.memory_space<vmem>> -> memref<128xi32, #tpu.memory_space<vmem>>
    %dma_wait3A_273 = arith.constant 0 : i32
    %dma_wait3A_274 = arith.constant 0 : i32
    %dma_wait3A_275 = tpu.memref_slice %arg31[%dma_wait3A_273, %dma_wait3A_274] : memref<10240x8xf32, #tpu.memory_space<vmem_shared>> -> memref<10240x8xf32, #tpu.memory_space<vmem_shared>>
    tpu.wait_indirect_dma semaphore(%arg28 : memref<!tpu.dma_semaphore, #tpu.memory_space<semaphore_mem>>) src(%arg13 : memref<128x8xf32, #tpu.memory_space<vmem>>) dst(%dma_wait3A_275 : memref<10240x8xf32, #tpu.memory_space<vmem_shared>>)
    %dma_start3A_276 = arith.constant 158 : i32
    %dma_start3A_277 = arith.constant 0 : i32
    %dma_start3A_278 = tpu.memref_slice %arg12[%dma_start3A_276, %dma_start3A_277] : memref<160x128xi32, #tpu.memory_space<vmem>> -> memref<1x128xi32, #tpu.memory_space<vmem>>
    %dma_start3A_279 = tpu.memref_squeeze %dma_start3A_278 : memref<1x128xi32, #tpu.memory_space<vmem>> -> memref<128xi32, #tpu.memory_space<vmem>>
    %dma_start3A_280 = arith.constant 0 : i32
    %dma_start3A_281 = arith.constant 0 : i32
    %dma_start3A_282 = tpu.memref_slice %arg31[%dma_start3A_280, %dma_start3A_281] : memref<10240x8xf32, #tpu.memory_space<vmem_shared>> -> memref<10240x8xf32, #tpu.memory_space<vmem_shared>>
    tpu.enqueue_indirect_dma source(%arg13 : memref<128x8xf32, #tpu.memory_space<vmem>>) target(%dma_start3A_282 : memref<10240x8xf32, #tpu.memory_space<vmem_shared>>) offsets(%dma_start3A_279 : memref<128xi32, #tpu.memory_space<vmem>>) semaphore(%arg28 : memref<!tpu.dma_semaphore, #tpu.memory_space<semaphore_mem>>) {add = true}
    %dma_wait3A_283 = arith.constant 0 : i32
    %dma_wait3A_284 = arith.constant 0 : i32
    %dma_wait3A_285 = tpu.memref_slice %arg11[%dma_wait3A_283, %dma_wait3A_284] : memref<160x128xi32, #tpu.memory_space<vmem>> -> memref<1x128xi32, #tpu.memory_space<vmem>>
    %dma_wait3A_286 = tpu.memref_squeeze %dma_wait3A_285 : memref<1x128xi32, #tpu.memory_space<vmem>> -> memref<128xi32, #tpu.memory_space<vmem>>
    %dma_wait3A_287 = arith.constant 0 : i32
    %dma_wait3A_288 = arith.constant 0 : i32
    %dma_wait3A_289 = tpu.memref_slice %arg2[%dma_wait3A_287, %dma_wait3A_288] : memref<10000x64xf32, #tpu.memory_space<hbm>> -> memref<10000x64xf32, #tpu.memory_space<hbm>>
    tpu.wait_indirect_dma semaphore(%arg21 : memref<!tpu.dma_semaphore, #tpu.memory_space<semaphore_mem>>) src(%dma_wait3A_289 : memref<10000x64xf32, #tpu.memory_space<hbm>>) dst(%arg17 : memref<128x64xf32, #tpu.memory_space<vmem>>)
    %dma_start3A_290 = arith.constant 159 : i32
    %dma_start3A_291 = arith.constant 0 : i32
    %dma_start3A_292 = tpu.memref_slice %arg12[%dma_start3A_290, %dma_start3A_291] : memref<160x128xi32, #tpu.memory_space<vmem>> -> memref<1x128xi32, #tpu.memory_space<vmem>>
    %dma_start3A_293 = tpu.memref_squeeze %dma_start3A_292 : memref<1x128xi32, #tpu.memory_space<vmem>> -> memref<128xi32, #tpu.memory_space<vmem>>
    %dma_start3A_294 = arith.constant 0 : i32
    %dma_start3A_295 = arith.constant 0 : i32
    %dma_start3A_296 = tpu.memref_slice %arg30[%dma_start3A_294, %dma_start3A_295] : memref<10240x64xf32, #tpu.memory_space<vmem_shared>> -> memref<10240x64xf32, #tpu.memory_space<vmem_shared>>
    tpu.enqueue_indirect_dma source(%arg17 : memref<128x64xf32, #tpu.memory_space<vmem>>) target(%dma_start3A_296 : memref<10240x64xf32, #tpu.memory_space<vmem_shared>>) offsets(%dma_start3A_293 : memref<128xi32, #tpu.memory_space<vmem>>) semaphore(%arg25 : memref<!tpu.dma_semaphore, #tpu.memory_space<semaphore_mem>>) {add = true}
    %dma_wait3A_297 = arith.constant 0 : i32
    %dma_wait3A_298 = arith.constant 0 : i32
    %dma_wait3A_299 = tpu.memref_slice %arg12[%dma_wait3A_297, %dma_wait3A_298] : memref<160x128xi32, #tpu.memory_space<vmem>> -> memref<1x128xi32, #tpu.memory_space<vmem>>
    %dma_wait3A_300 = tpu.memref_squeeze %dma_wait3A_299 : memref<1x128xi32, #tpu.memory_space<vmem>> -> memref<128xi32, #tpu.memory_space<vmem>>
    %dma_wait3A_301 = arith.constant 0 : i32
    %dma_wait3A_302 = arith.constant 0 : i32
    %dma_wait3A_303 = tpu.memref_slice %arg31[%dma_wait3A_301, %dma_wait3A_302] : memref<10240x8xf32, #tpu.memory_space<vmem_shared>> -> memref<10240x8xf32, #tpu.memory_space<vmem_shared>>
    tpu.wait_indirect_dma semaphore(%arg29 : memref<!tpu.dma_semaphore, #tpu.memory_space<semaphore_mem>>) src(%arg13 : memref<128x8xf32, #tpu.memory_space<vmem>>) dst(%dma_wait3A_303 : memref<10240x8xf32, #tpu.memory_space<vmem_shared>>)
    %dma_start3A_304 = arith.constant 159 : i32
    %dma_start3A_305 = arith.constant 0 : i32
    %dma_start3A_306 = tpu.memref_slice %arg12[%dma_start3A_304, %dma_start3A_305] : memref<160x128xi32, #tpu.memory_space<vmem>> -> memref<1x128xi32, #tpu.memory_space<vmem>>
    %dma_start3A_307 = tpu.memref_squeeze %dma_start3A_306 : memref<1x128xi32, #tpu.memory_space<vmem>> -> memref<128xi32, #tpu.memory_space<vmem>>
    %dma_start3A_308 = arith.constant 0 : i32
    %dma_start3A_309 = arith.constant 0 : i32
    %dma_start3A_310 = tpu.memref_slice %arg31[%dma_start3A_308, %dma_start3A_309] : memref<10240x8xf32, #tpu.memory_space<vmem_shared>> -> memref<10240x8xf32, #tpu.memory_space<vmem_shared>>
    tpu.enqueue_indirect_dma source(%arg13 : memref<128x8xf32, #tpu.memory_space<vmem>>) target(%dma_start3A_310 : memref<10240x8xf32, #tpu.memory_space<vmem_shared>>) offsets(%dma_start3A_307 : memref<128xi32, #tpu.memory_space<vmem>>) semaphore(%arg29 : memref<!tpu.dma_semaphore, #tpu.memory_space<semaphore_mem>>) {add = true}
    %dma_wait3A_311 = arith.constant 0 : i32
    %dma_wait3A_312 = arith.constant 0 : i32
    %dma_wait3A_313 = tpu.memref_slice %arg12[%dma_wait3A_311, %dma_wait3A_312] : memref<160x128xi32, #tpu.memory_space<vmem>> -> memref<1x128xi32, #tpu.memory_space<vmem>>
    %dma_wait3A_314 = tpu.memref_squeeze %dma_wait3A_313 : memref<1x128xi32, #tpu.memory_space<vmem>> -> memref<128xi32, #tpu.memory_space<vmem>>
    %dma_wait3A_315 = arith.constant 0 : i32
    %dma_wait3A_316 = arith.constant 0 : i32
    %dma_wait3A_317 = tpu.memref_slice %arg30[%dma_wait3A_315, %dma_wait3A_316] : memref<10240x64xf32, #tpu.memory_space<vmem_shared>> -> memref<10240x64xf32, #tpu.memory_space<vmem_shared>>
    tpu.wait_indirect_dma semaphore(%arg22 : memref<!tpu.dma_semaphore, #tpu.memory_space<semaphore_mem>>) src(%arg14 : memref<128x64xf32, #tpu.memory_space<vmem>>) dst(%dma_wait3A_317 : memref<10240x64xf32, #tpu.memory_space<vmem_shared>>)
    %dma_wait3A_318 = arith.constant 0 : i32
    %dma_wait3A_319 = arith.constant 0 : i32
    %dma_wait3A_320 = tpu.memref_slice %arg12[%dma_wait3A_318, %dma_wait3A_319] : memref<160x128xi32, #tpu.memory_space<vmem>> -> memref<1x128xi32, #tpu.memory_space<vmem>>
    %dma_wait3A_321 = tpu.memref_squeeze %dma_wait3A_320 : memref<1x128xi32, #tpu.memory_space<vmem>> -> memref<128xi32, #tpu.memory_space<vmem>>
    %dma_wait3A_322 = arith.constant 0 : i32
    %dma_wait3A_323 = arith.constant 0 : i32
    %dma_wait3A_324 = tpu.memref_slice %arg31[%dma_wait3A_322, %dma_wait3A_323] : memref<10240x8xf32, #tpu.memory_space<vmem_shared>> -> memref<10240x8xf32, #tpu.memory_space<vmem_shared>>
    tpu.wait_indirect_dma semaphore(%arg26 : memref<!tpu.dma_semaphore, #tpu.memory_space<semaphore_mem>>) src(%arg13 : memref<128x8xf32, #tpu.memory_space<vmem>>) dst(%dma_wait3A_324 : memref<10240x8xf32, #tpu.memory_space<vmem_shared>>)
    %dma_wait3A_325 = arith.constant 0 : i32
    %dma_wait3A_326 = arith.constant 0 : i32
    %dma_wait3A_327 = tpu.memref_slice %arg12[%dma_wait3A_325, %dma_wait3A_326] : memref<160x128xi32, #tpu.memory_space<vmem>> -> memref<1x128xi32, #tpu.memory_space<vmem>>
    %dma_wait3A_328 = tpu.memref_squeeze %dma_wait3A_327 : memref<1x128xi32, #tpu.memory_space<vmem>> -> memref<128xi32, #tpu.memory_space<vmem>>
    %dma_wait3A_329 = arith.constant 0 : i32
    %dma_wait3A_330 = arith.constant 0 : i32
    %dma_wait3A_331 = tpu.memref_slice %arg30[%dma_wait3A_329, %dma_wait3A_330] : memref<10240x64xf32, #tpu.memory_space<vmem_shared>> -> memref<10240x64xf32, #tpu.memory_space<vmem_shared>>
    tpu.wait_indirect_dma semaphore(%arg23 : memref<!tpu.dma_semaphore, #tpu.memory_space<semaphore_mem>>) src(%arg15 : memref<128x64xf32, #tpu.memory_space<vmem>>) dst(%dma_wait3A_331 : memref<10240x64xf32, #tpu.memory_space<vmem_shared>>)
    %dma_wait3A_332 = arith.constant 0 : i32
    %dma_wait3A_333 = arith.constant 0 : i32
    %dma_wait3A_334 = tpu.memref_slice %arg12[%dma_wait3A_332, %dma_wait3A_333] : memref<160x128xi32, #tpu.memory_space<vmem>> -> memref<1x128xi32, #tpu.memory_space<vmem>>
    %dma_wait3A_335 = tpu.memref_squeeze %dma_wait3A_334 : memref<1x128xi32, #tpu.memory_space<vmem>> -> memref<128xi32, #tpu.memory_space<vmem>>
    %dma_wait3A_336 = arith.constant 0 : i32
    %dma_wait3A_337 = arith.constant 0 : i32
    %dma_wait3A_338 = tpu.memref_slice %arg31[%dma_wait3A_336, %dma_wait3A_337] : memref<10240x8xf32, #tpu.memory_space<vmem_shared>> -> memref<10240x8xf32, #tpu.memory_space<vmem_shared>>
    tpu.wait_indirect_dma semaphore(%arg27 : memref<!tpu.dma_semaphore, #tpu.memory_space<semaphore_mem>>) src(%arg13 : memref<128x8xf32, #tpu.memory_space<vmem>>) dst(%dma_wait3A_338 : memref<10240x8xf32, #tpu.memory_space<vmem_shared>>)
    %dma_wait3A_339 = arith.constant 0 : i32
    %dma_wait3A_340 = arith.constant 0 : i32
    %dma_wait3A_341 = tpu.memref_slice %arg12[%dma_wait3A_339, %dma_wait3A_340] : memref<160x128xi32, #tpu.memory_space<vmem>> -> memref<1x128xi32, #tpu.memory_space<vmem>>
    %dma_wait3A_342 = tpu.memref_squeeze %dma_wait3A_341 : memref<1x128xi32, #tpu.memory_space<vmem>> -> memref<128xi32, #tpu.memory_space<vmem>>
    %dma_wait3A_343 = arith.constant 0 : i32
    %dma_wait3A_344 = arith.constant 0 : i32
    %dma_wait3A_345 = tpu.memref_slice %arg30[%dma_wait3A_343, %dma_wait3A_344] : memref<10240x64xf32, #tpu.memory_space<vmem_shared>> -> memref<10240x64xf32, #tpu.memory_space<vmem_shared>>
    tpu.wait_indirect_dma semaphore(%arg24 : memref<!tpu.dma_semaphore, #tpu.memory_space<semaphore_mem>>) src(%arg16 : memref<128x64xf32, #tpu.memory_space<vmem>>) dst(%dma_wait3A_345 : memref<10240x64xf32, #tpu.memory_space<vmem_shared>>)
    %dma_wait3A_346 = arith.constant 0 : i32
    %dma_wait3A_347 = arith.constant 0 : i32
    %dma_wait3A_348 = tpu.memref_slice %arg12[%dma_wait3A_346, %dma_wait3A_347] : memref<160x128xi32, #tpu.memory_space<vmem>> -> memref<1x128xi32, #tpu.memory_space<vmem>>
    %dma_wait3A_349 = tpu.memref_squeeze %dma_wait3A_348 : memref<1x128xi32, #tpu.memory_space<vmem>> -> memref<128xi32, #tpu.memory_space<vmem>>
    %dma_wait3A_350 = arith.constant 0 : i32
    %dma_wait3A_351 = arith.constant 0 : i32
    %dma_wait3A_352 = tpu.memref_slice %arg31[%dma_wait3A_350, %dma_wait3A_351] : memref<10240x8xf32, #tpu.memory_space<vmem_shared>> -> memref<10240x8xf32, #tpu.memory_space<vmem_shared>>
    tpu.wait_indirect_dma semaphore(%arg28 : memref<!tpu.dma_semaphore, #tpu.memory_space<semaphore_mem>>) src(%arg13 : memref<128x8xf32, #tpu.memory_space<vmem>>) dst(%dma_wait3A_352 : memref<10240x8xf32, #tpu.memory_space<vmem_shared>>)
    %dma_wait3A_353 = arith.constant 0 : i32
    %dma_wait3A_354 = arith.constant 0 : i32
    %dma_wait3A_355 = tpu.memref_slice %arg12[%dma_wait3A_353, %dma_wait3A_354] : memref<160x128xi32, #tpu.memory_space<vmem>> -> memref<1x128xi32, #tpu.memory_space<vmem>>
    %dma_wait3A_356 = tpu.memref_squeeze %dma_wait3A_355 : memref<1x128xi32, #tpu.memory_space<vmem>> -> memref<128xi32, #tpu.memory_space<vmem>>
    %dma_wait3A_357 = arith.constant 0 : i32
    %dma_wait3A_358 = arith.constant 0 : i32
    %dma_wait3A_359 = tpu.memref_slice %arg30[%dma_wait3A_357, %dma_wait3A_358] : memref<10240x64xf32, #tpu.memory_space<vmem_shared>> -> memref<10240x64xf32, #tpu.memory_space<vmem_shared>>
    tpu.wait_indirect_dma semaphore(%arg25 : memref<!tpu.dma_semaphore, #tpu.memory_space<semaphore_mem>>) src(%arg17 : memref<128x64xf32, #tpu.memory_space<vmem>>) dst(%dma_wait3A_359 : memref<10240x64xf32, #tpu.memory_space<vmem_shared>>)
    %dma_wait3A_360 = arith.constant 0 : i32
    %dma_wait3A_361 = arith.constant 0 : i32
    %dma_wait3A_362 = tpu.memref_slice %arg12[%dma_wait3A_360, %dma_wait3A_361] : memref<160x128xi32, #tpu.memory_space<vmem>> -> memref<1x128xi32, #tpu.memory_space<vmem>>
    %dma_wait3A_363 = tpu.memref_squeeze %dma_wait3A_362 : memref<1x128xi32, #tpu.memory_space<vmem>> -> memref<128xi32, #tpu.memory_space<vmem>>
    %dma_wait3A_364 = arith.constant 0 : i32
    %dma_wait3A_365 = arith.constant 0 : i32
    %dma_wait3A_366 = tpu.memref_slice %arg31[%dma_wait3A_364, %dma_wait3A_365] : memref<10240x8xf32, #tpu.memory_space<vmem_shared>> -> memref<10240x8xf32, #tpu.memory_space<vmem_shared>>
    tpu.wait_indirect_dma semaphore(%arg29 : memref<!tpu.dma_semaphore, #tpu.memory_space<semaphore_mem>>) src(%arg13 : memref<128x8xf32, #tpu.memory_space<vmem>>) dst(%dma_wait3A_366 : memref<10240x8xf32, #tpu.memory_space<vmem_shared>>)
    %barrier3A_367 = arith.constant 0 : index
    tpu.barrier barrier_id(%barrier3A_367)
    %mul3A_368 = arith.constant 10240 : i32
    %mul3A_369 = arith.muli %arg0, %mul3A_368 : i32
    %mul3A_370 = arith.constant 640 : i32
    %mul3A_371 = arith.muli %arg1, %mul3A_370 : i32
    %add3A = arith.addi %mul3A_369, %mul3A_371 : i32
    %mul3A_372 = arith.constant 640 : i32
    %mul3A_373 = arith.muli %arg1, %mul3A_372 : i32
    "tpu.region"() ({
      %run_scoped3A = tpu.sem_alloc : memref<!tpu.dma_semaphore, #tpu.memory_space<semaphore_mem>>
      %dma_start3A_376 = arith.constant 0 : i32
      %dma_start3A_377 = tpu.memref_slice %arg9[%add3A, %dma_start3A_376] : memref<20480x64xf32, #tpu.memory_space<hbm>> -> memref<640x64xf32, #tpu.memory_space<hbm>>
      %dma_start3A_378 = arith.constant 0 : i32
      %dma_start3A_379 = tpu.memref_slice %arg30[%mul3A_373, %dma_start3A_378] : memref<10240x64xf32, #tpu.memory_space<vmem_shared>> -> memref<640x64xf32, #tpu.memory_space<vmem_shared>>
      tpu.enqueue_dma source(%dma_start3A_379 : memref<640x64xf32, #tpu.memory_space<vmem_shared>>) target(%dma_start3A_377 : memref<640x64xf32, #tpu.memory_space<hbm>>) target_semaphore(%run_scoped3A : memref<!tpu.dma_semaphore, #tpu.memory_space<semaphore_mem>>)
      %dma_wait3A_380 = arith.constant 0 : i32
      %dma_wait3A_381 = tpu.memref_slice %arg9[%add3A, %dma_wait3A_380] : memref<20480x64xf32, #tpu.memory_space<hbm>> -> memref<640x64xf32, #tpu.memory_space<hbm>>
      %dma_wait3A_382 = arith.constant 0 : i32
      %dma_wait3A_383 = tpu.memref_slice %arg30[%mul3A_373, %dma_wait3A_382] : memref<10240x64xf32, #tpu.memory_space<vmem_shared>> -> memref<640x64xf32, #tpu.memory_space<vmem_shared>>
      tpu.wait_dma2 semaphore(%run_scoped3A : memref<!tpu.dma_semaphore, #tpu.memory_space<semaphore_mem>>) src(%dma_wait3A_383 : memref<640x64xf32, #tpu.memory_space<vmem_shared>>) dst(%dma_wait3A_381 : memref<640x64xf32, #tpu.memory_space<hbm>>)
      tpu.yield
    }) : () -> ()
    %mul3A_374 = arith.constant 640 : i32
    %mul3A_375 = arith.muli %arg1, %mul3A_374 : i32
    "tpu.region"() ({
      %run_scoped3A = tpu.sem_alloc : memref<!tpu.dma_semaphore, #tpu.memory_space<semaphore_mem>>
      %dma_start3A_376 = arith.constant 0 : i32
      %dma_start3A_377 = tpu.memref_slice %arg10[%add3A, %dma_start3A_376] : memref<20480x8xf32, #tpu.memory_space<hbm>> -> memref<640x8xf32, #tpu.memory_space<hbm>>
      %dma_start3A_378 = arith.constant 0 : i32
      %dma_start3A_379 = tpu.memref_slice %arg31[%mul3A_375, %dma_start3A_378] : memref<10240x8xf32, #tpu.memory_space<vmem_shared>> -> memref<640x8xf32, #tpu.memory_space<vmem_shared>>
      tpu.enqueue_dma source(%dma_start3A_379 : memref<640x8xf32, #tpu.memory_space<vmem_shared>>) target(%dma_start3A_377 : memref<640x8xf32, #tpu.memory_space<hbm>>) target_semaphore(%run_scoped3A : memref<!tpu.dma_semaphore, #tpu.memory_space<semaphore_mem>>)
      %dma_wait3A_380 = arith.constant 0 : i32
      %dma_wait3A_381 = tpu.memref_slice %arg10[%add3A, %dma_wait3A_380] : memref<20480x8xf32, #tpu.memory_space<hbm>> -> memref<640x8xf32, #tpu.memory_space<hbm>>
      %dma_wait3A_382 = arith.constant 0 : i32
      %dma_wait3A_383 = tpu.memref_slice %arg31[%mul3A_375, %dma_wait3A_382] : memref<10240x8xf32, #tpu.memory_space<vmem_shared>> -> memref<640x8xf32, #tpu.memory_space<vmem_shared>>
      tpu.wait_dma2 semaphore(%run_scoped3A : memref<!tpu.dma_semaphore, #tpu.memory_space<semaphore_mem>>) src(%dma_wait3A_383 : memref<640x8xf32, #tpu.memory_space<vmem_shared>>) dst(%dma_wait3A_381 : memref<640x8xf32, #tpu.memory_space<hbm>>)
      tpu.yield
    }) : () -> ()
    return
  }
}

#map = affine_map<(d0, d1) -> (0, 0)>
module attributes {stable_mosaic.version = 14 : i64} {
  func.func @_seg_sum_body(%arg0: i32, %arg1: i32, %arg2: memref<10000x64xf32, #tpu.memory_space<hbm>>, %arg3: memref<10000x64xf32, #tpu.memory_space<hbm>>, %arg4: memref<2560x128xi32, #tpu.memory_space<hbm>>, %arg5: memref<2560x128xi32, #tpu.memory_space<hbm>>, %arg6: memref<640x64xf32, #tpu.memory_space<hbm>>, %arg7: memref<20480x64xf32, #tpu.memory_space<hbm>>, %arg8: memref<160x128xi32, #tpu.memory_space<vmem>>, %arg9: memref<160x128xi32, #tpu.memory_space<vmem>>, %arg10: memref<128x64xf32, #tpu.memory_space<vmem>>, %arg11: memref<128x64xf32, #tpu.memory_space<vmem>>, %arg12: memref<128x64xf32, #tpu.memory_space<vmem>>, %arg13: memref<128x64xf32, #tpu.memory_space<vmem>>, %arg14: memref<!tpu.dma_semaphore, #tpu.memory_space<semaphore_mem>>, %arg15: memref<!tpu.dma_semaphore, #tpu.memory_space<semaphore_mem>>, %arg16: memref<!tpu.dma_semaphore, #tpu.memory_space<semaphore_mem>>, %arg17: memref<!tpu.dma_semaphore, #tpu.memory_space<semaphore_mem>>, %arg18: memref<!tpu.dma_semaphore, #tpu.memory_space<semaphore_mem>>, %arg19: memref<!tpu.dma_semaphore, #tpu.memory_space<semaphore_mem>>, %arg20: memref<!tpu.dma_semaphore, #tpu.memory_space<semaphore_mem>>, %arg21: memref<!tpu.dma_semaphore, #tpu.memory_space<semaphore_mem>>, %arg22: memref<10240x64xf32, #tpu.memory_space<vmem_shared>>) attributes {dimension_semantics = [#tpu.dimension_semantics<core_parallel>, #tpu.dimension_semantics<subcore_parallel>], iteration_bounds = array<i64: 2, 16>, scalar_prefetch = 0 : i64, scratch_operands = 15 : i64, tpu.core_type = #tpu.core_type<sc_vector_subcore>, window_params = [{transform_indices = #map}, {transform_indices = #map}, {transform_indices = #map}, {transform_indices = #map}, {transform_indices = #map}, {transform_indices = #map}]} {
    %mul3A = arith.constant 640 : i32
    %mul3A_0 = arith.muli %arg1, %mul3A : i32
    "tpu.region"() ({
      %run_scoped3A = tpu.sem_alloc : memref<!tpu.dma_semaphore, #tpu.memory_space<semaphore_mem>>
      %dma_start3A_260 = arith.constant 0 : i32
      %dma_start3A_261 = tpu.memref_slice %arg22[%mul3A_0, %dma_start3A_260] : memref<10240x64xf32, #tpu.memory_space<vmem_shared>> -> memref<640x64xf32, #tpu.memory_space<vmem_shared>>
      tpu.enqueue_dma source(%arg6 : memref<640x64xf32, #tpu.memory_space<hbm>>) target(%dma_start3A_261 : memref<640x64xf32, #tpu.memory_space<vmem_shared>>) target_semaphore(%run_scoped3A : memref<!tpu.dma_semaphore, #tpu.memory_space<semaphore_mem>>)
      %dma_wait3A_262 = arith.constant 0 : i32
      %dma_wait3A_263 = tpu.memref_slice %arg22[%mul3A_0, %dma_wait3A_262] : memref<10240x64xf32, #tpu.memory_space<vmem_shared>> -> memref<640x64xf32, #tpu.memory_space<vmem_shared>>
      tpu.wait_dma2 semaphore(%run_scoped3A : memref<!tpu.dma_semaphore, #tpu.memory_space<semaphore_mem>>) src(%arg6 : memref<640x64xf32, #tpu.memory_space<hbm>>) dst(%dma_wait3A_263 : memref<640x64xf32, #tpu.memory_space<vmem_shared>>)
      tpu.yield
    }) : () -> ()
    %mul3A_1 = arith.constant 160 : i32
    %mul3A_2 = arith.muli %arg1, %mul3A_1 : i32
    "tpu.region"() ({
      %run_scoped3A = tpu.sem_alloc : memref<!tpu.dma_semaphore, #tpu.memory_space<semaphore_mem>>
      %dma_start3A_260 = arith.constant 0 : i32
      %dma_start3A_261 = tpu.memref_slice %arg4[%mul3A_2, %dma_start3A_260] : memref<2560x128xi32, #tpu.memory_space<hbm>> -> memref<160x128xi32, #tpu.memory_space<hbm>>
      %dma_start3A_262 = arith.constant 0 : i32
      %dma_start3A_263 = tpu.memref_slice %arg4[%mul3A_2, %dma_start3A_262] : memref<2560x128xi32, #tpu.memory_space<hbm>> -> memref<160x128xi32, #tpu.memory_space<hbm>>
      tpu.enqueue_dma source(%dma_start3A_263 : memref<160x128xi32, #tpu.memory_space<hbm>>) target(%arg8 : memref<160x128xi32, #tpu.memory_space<vmem>>) target_semaphore(%run_scoped3A : memref<!tpu.dma_semaphore, #tpu.memory_space<semaphore_mem>>)
      %dma_wait3A_264 = arith.constant 0 : i32
      %dma_wait3A_265 = tpu.memref_slice %arg4[%mul3A_2, %dma_wait3A_264] : memref<2560x128xi32, #tpu.memory_space<hbm>> -> memref<160x128xi32, #tpu.memory_space<hbm>>
      %dma_wait3A_266 = arith.constant 0 : i32
      %dma_wait3A_267 = tpu.memref_slice %arg4[%mul3A_2, %dma_wait3A_266] : memref<2560x128xi32, #tpu.memory_space<hbm>> -> memref<160x128xi32, #tpu.memory_space<hbm>>
      tpu.wait_dma2 semaphore(%run_scoped3A : memref<!tpu.dma_semaphore, #tpu.memory_space<semaphore_mem>>) src(%dma_wait3A_267 : memref<160x128xi32, #tpu.memory_space<hbm>>) dst(%arg8 : memref<160x128xi32, #tpu.memory_space<vmem>>)
      tpu.yield
    }) : () -> ()
    %mul3A_3 = arith.constant 160 : i32
    %mul3A_4 = arith.muli %arg1, %mul3A_3 : i32
    "tpu.region"() ({
      %run_scoped3A = tpu.sem_alloc : memref<!tpu.dma_semaphore, #tpu.memory_space<semaphore_mem>>
      %dma_start3A_260 = arith.constant 0 : i32
      %dma_start3A_261 = tpu.memref_slice %arg5[%mul3A_4, %dma_start3A_260] : memref<2560x128xi32, #tpu.memory_space<hbm>> -> memref<160x128xi32, #tpu.memory_space<hbm>>
      %dma_start3A_262 = arith.constant 0 : i32
      %dma_start3A_263 = tpu.memref_slice %arg5[%mul3A_4, %dma_start3A_262] : memref<2560x128xi32, #tpu.memory_space<hbm>> -> memref<160x128xi32, #tpu.memory_space<hbm>>
      tpu.enqueue_dma source(%dma_start3A_263 : memref<160x128xi32, #tpu.memory_space<hbm>>) target(%arg9 : memref<160x128xi32, #tpu.memory_space<vmem>>) target_semaphore(%run_scoped3A : memref<!tpu.dma_semaphore, #tpu.memory_space<semaphore_mem>>)
      %dma_wait3A_264 = arith.constant 0 : i32
      %dma_wait3A_265 = tpu.memref_slice %arg5[%mul3A_4, %dma_wait3A_264] : memref<2560x128xi32, #tpu.memory_space<hbm>> -> memref<160x128xi32, #tpu.memory_space<hbm>>
      %dma_wait3A_266 = arith.constant 0 : i32
      %dma_wait3A_267 = tpu.memref_slice %arg5[%mul3A_4, %dma_wait3A_266] : memref<2560x128xi32, #tpu.memory_space<hbm>> -> memref<160x128xi32, #tpu.memory_space<hbm>>
      tpu.wait_dma2 semaphore(%run_scoped3A : memref<!tpu.dma_semaphore, #tpu.memory_space<semaphore_mem>>) src(%dma_wait3A_267 : memref<160x128xi32, #tpu.memory_space<hbm>>) dst(%arg9 : memref<160x128xi32, #tpu.memory_space<vmem>>)
      tpu.yield
    }) : () -> ()
    %barrier3A = arith.constant 0 : index
    tpu.barrier barrier_id(%barrier3A)
    %eq3A = arith.constant 0 : i32
    %eq3A_5 = arith.cmpi eq, %arg0, %eq3A : i32
    %convert_element_type3A = arith.extui %eq3A_5 : i1 to i32
    %cond3A = arith.constant 0 : i32
    %cond3A_6 = arith.cmpi ne, %convert_element_type3A, %cond3A : i32
    scf.if %cond3A_6 {
      %dma_start3A_260 = arith.constant 0 : i32
      %dma_start3A_261 = arith.constant 0 : i32
      %dma_start3A_262 = tpu.memref_slice %arg8[%dma_start3A_260, %dma_start3A_261] : memref<160x128xi32, #tpu.memory_space<vmem>> -> memref<1x128xi32, #tpu.memory_space<vmem>>
      %dma_start3A_263 = tpu.memref_squeeze %dma_start3A_262 : memref<1x128xi32, #tpu.memory_space<vmem>> -> memref<128xi32, #tpu.memory_space<vmem>>
      %dma_start3A_264 = arith.constant 0 : i32
      %dma_start3A_265 = arith.constant 0 : i32
      %dma_start3A_266 = tpu.memref_slice %arg2[%dma_start3A_264, %dma_start3A_265] : memref<10000x64xf32, #tpu.memory_space<hbm>> -> memref<10000x64xf32, #tpu.memory_space<hbm>>
      tpu.enqueue_indirect_dma source(%dma_start3A_266 : memref<10000x64xf32, #tpu.memory_space<hbm>>) target(%arg10 : memref<128x64xf32, #tpu.memory_space<vmem>>) offsets(%dma_start3A_263 : memref<128xi32, #tpu.memory_space<vmem>>) semaphore(%arg14 : memref<!tpu.dma_semaphore, #tpu.memory_space<semaphore_mem>>)
    } else {
    }
    %eq3A_7 = arith.constant 1 : i32
    %eq3A_8 = arith.cmpi eq, %arg0, %eq3A_7 : i32
    %convert_element_type3A_9 = arith.extui %eq3A_8 : i1 to i32
    %cond3A_10 = arith.constant 0 : i32
    %cond3A_11 = arith.cmpi ne, %convert_element_type3A_9, %cond3A_10 : i32
    scf.if %cond3A_11 {
      %dma_start3A_260 = arith.constant 0 : i32
      %dma_start3A_261 = arith.constant 0 : i32
      %dma_start3A_262 = tpu.memref_slice %arg8[%dma_start3A_260, %dma_start3A_261] : memref<160x128xi32, #tpu.memory_space<vmem>> -> memref<1x128xi32, #tpu.memory_space<vmem>>
      %dma_start3A_263 = tpu.memref_squeeze %dma_start3A_262 : memref<1x128xi32, #tpu.memory_space<vmem>> -> memref<128xi32, #tpu.memory_space<vmem>>
      %dma_start3A_264 = arith.constant 0 : i32
      %dma_start3A_265 = arith.constant 0 : i32
      %dma_start3A_266 = tpu.memref_slice %arg3[%dma_start3A_264, %dma_start3A_265] : memref<10000x64xf32, #tpu.memory_space<hbm>> -> memref<10000x64xf32, #tpu.memory_space<hbm>>
      tpu.enqueue_indirect_dma source(%dma_start3A_266 : memref<10000x64xf32, #tpu.memory_space<hbm>>) target(%arg10 : memref<128x64xf32, #tpu.memory_space<vmem>>) offsets(%dma_start3A_263 : memref<128xi32, #tpu.memory_space<vmem>>) semaphore(%arg14 : memref<!tpu.dma_semaphore, #tpu.memory_space<semaphore_mem>>)
    } else {
    }
    %eq3A_12 = arith.constant 0 : i32
    %eq3A_13 = arith.cmpi eq, %arg0, %eq3A_12 : i32
    %convert_element_type3A_14 = arith.extui %eq3A_13 : i1 to i32
    %cond3A_15 = arith.constant 0 : i32
    %cond3A_16 = arith.cmpi ne, %convert_element_type3A_14, %cond3A_15 : i32
    scf.if %cond3A_16 {
      %dma_start3A_260 = arith.constant 1 : i32
      %dma_start3A_261 = arith.constant 0 : i32
      %dma_start3A_262 = tpu.memref_slice %arg8[%dma_start3A_260, %dma_start3A_261] : memref<160x128xi32, #tpu.memory_space<vmem>> -> memref<1x128xi32, #tpu.memory_space<vmem>>
      %dma_start3A_263 = tpu.memref_squeeze %dma_start3A_262 : memref<1x128xi32, #tpu.memory_space<vmem>> -> memref<128xi32, #tpu.memory_space<vmem>>
      %dma_start3A_264 = arith.constant 0 : i32
      %dma_start3A_265 = arith.constant 0 : i32
      %dma_start3A_266 = tpu.memref_slice %arg2[%dma_start3A_264, %dma_start3A_265] : memref<10000x64xf32, #tpu.memory_space<hbm>> -> memref<10000x64xf32, #tpu.memory_space<hbm>>
      tpu.enqueue_indirect_dma source(%dma_start3A_266 : memref<10000x64xf32, #tpu.memory_space<hbm>>) target(%arg11 : memref<128x64xf32, #tpu.memory_space<vmem>>) offsets(%dma_start3A_263 : memref<128xi32, #tpu.memory_space<vmem>>) semaphore(%arg15 : memref<!tpu.dma_semaphore, #tpu.memory_space<semaphore_mem>>)
    } else {
    }
    %eq3A_17 = arith.constant 1 : i32
    %eq3A_18 = arith.cmpi eq, %arg0, %eq3A_17 : i32
    %convert_element_type3A_19 = arith.extui %eq3A_18 : i1 to i32
    %cond3A_20 = arith.constant 0 : i32
    %cond3A_21 = arith.cmpi ne, %convert_element_type3A_19, %cond3A_20 : i32
    scf.if %cond3A_21 {
      %dma_start3A_260 = arith.constant 1 : i32
      %dma_start3A_261 = arith.constant 0 : i32
      %dma_start3A_262 = tpu.memref_slice %arg8[%dma_start3A_260, %dma_start3A_261] : memref<160x128xi32, #tpu.memory_space<vmem>> -> memref<1x128xi32, #tpu.memory_space<vmem>>
      %dma_start3A_263 = tpu.memref_squeeze %dma_start3A_262 : memref<1x128xi32, #tpu.memory_space<vmem>> -> memref<128xi32, #tpu.memory_space<vmem>>
      %dma_start3A_264 = arith.constant 0 : i32
      %dma_start3A_265 = arith.constant 0 : i32
      %dma_start3A_266 = tpu.memref_slice %arg3[%dma_start3A_264, %dma_start3A_265] : memref<10000x64xf32, #tpu.memory_space<hbm>> -> memref<10000x64xf32, #tpu.memory_space<hbm>>
      tpu.enqueue_indirect_dma source(%dma_start3A_266 : memref<10000x64xf32, #tpu.memory_space<hbm>>) target(%arg11 : memref<128x64xf32, #tpu.memory_space<vmem>>) offsets(%dma_start3A_263 : memref<128xi32, #tpu.memory_space<vmem>>) semaphore(%arg15 : memref<!tpu.dma_semaphore, #tpu.memory_space<semaphore_mem>>)
    } else {
    }
    %eq3A_22 = arith.constant 0 : i32
    %eq3A_23 = arith.cmpi eq, %arg0, %eq3A_22 : i32
    %convert_element_type3A_24 = arith.extui %eq3A_23 : i1 to i32
    %cond3A_25 = arith.constant 0 : i32
    %cond3A_26 = arith.cmpi ne, %convert_element_type3A_24, %cond3A_25 : i32
    scf.if %cond3A_26 {
      %dma_start3A_260 = arith.constant 2 : i32
      %dma_start3A_261 = arith.constant 0 : i32
      %dma_start3A_262 = tpu.memref_slice %arg8[%dma_start3A_260, %dma_start3A_261] : memref<160x128xi32, #tpu.memory_space<vmem>> -> memref<1x128xi32, #tpu.memory_space<vmem>>
      %dma_start3A_263 = tpu.memref_squeeze %dma_start3A_262 : memref<1x128xi32, #tpu.memory_space<vmem>> -> memref<128xi32, #tpu.memory_space<vmem>>
      %dma_start3A_264 = arith.constant 0 : i32
      %dma_start3A_265 = arith.constant 0 : i32
      %dma_start3A_266 = tpu.memref_slice %arg2[%dma_start3A_264, %dma_start3A_265] : memref<10000x64xf32, #tpu.memory_space<hbm>> -> memref<10000x64xf32, #tpu.memory_space<hbm>>
      tpu.enqueue_indirect_dma source(%dma_start3A_266 : memref<10000x64xf32, #tpu.memory_space<hbm>>) target(%arg12 : memref<128x64xf32, #tpu.memory_space<vmem>>) offsets(%dma_start3A_263 : memref<128xi32, #tpu.memory_space<vmem>>) semaphore(%arg16 : memref<!tpu.dma_semaphore, #tpu.memory_space<semaphore_mem>>)
    } else {
    }
    %eq3A_27 = arith.constant 1 : i32
    %eq3A_28 = arith.cmpi eq, %arg0, %eq3A_27 : i32
    %convert_element_type3A_29 = arith.extui %eq3A_28 : i1 to i32
    %cond3A_30 = arith.constant 0 : i32
    %cond3A_31 = arith.cmpi ne, %convert_element_type3A_29, %cond3A_30 : i32
    scf.if %cond3A_31 {
      %dma_start3A_260 = arith.constant 2 : i32
      %dma_start3A_261 = arith.constant 0 : i32
      %dma_start3A_262 = tpu.memref_slice %arg8[%dma_start3A_260, %dma_start3A_261] : memref<160x128xi32, #tpu.memory_space<vmem>> -> memref<1x128xi32, #tpu.memory_space<vmem>>
      %dma_start3A_263 = tpu.memref_squeeze %dma_start3A_262 : memref<1x128xi32, #tpu.memory_space<vmem>> -> memref<128xi32, #tpu.memory_space<vmem>>
      %dma_start3A_264 = arith.constant 0 : i32
      %dma_start3A_265 = arith.constant 0 : i32
      %dma_start3A_266 = tpu.memref_slice %arg3[%dma_start3A_264, %dma_start3A_265] : memref<10000x64xf32, #tpu.memory_space<hbm>> -> memref<10000x64xf32, #tpu.memory_space<hbm>>
      tpu.enqueue_indirect_dma source(%dma_start3A_266 : memref<10000x64xf32, #tpu.memory_space<hbm>>) target(%arg12 : memref<128x64xf32, #tpu.memory_space<vmem>>) offsets(%dma_start3A_263 : memref<128xi32, #tpu.memory_space<vmem>>) semaphore(%arg16 : memref<!tpu.dma_semaphore, #tpu.memory_space<semaphore_mem>>)
    } else {
    }
    %eq3A_32 = arith.constant 0 : i32
    %eq3A_33 = arith.cmpi eq, %arg0, %eq3A_32 : i32
    %convert_element_type3A_34 = arith.extui %eq3A_33 : i1 to i32
    %cond3A_35 = arith.constant 0 : i32
    %cond3A_36 = arith.cmpi ne, %convert_element_type3A_34, %cond3A_35 : i32
    scf.if %cond3A_36 {
      %dma_start3A_260 = arith.constant 3 : i32
      %dma_start3A_261 = arith.constant 0 : i32
      %dma_start3A_262 = tpu.memref_slice %arg8[%dma_start3A_260, %dma_start3A_261] : memref<160x128xi32, #tpu.memory_space<vmem>> -> memref<1x128xi32, #tpu.memory_space<vmem>>
      %dma_start3A_263 = tpu.memref_squeeze %dma_start3A_262 : memref<1x128xi32, #tpu.memory_space<vmem>> -> memref<128xi32, #tpu.memory_space<vmem>>
      %dma_start3A_264 = arith.constant 0 : i32
      %dma_start3A_265 = arith.constant 0 : i32
      %dma_start3A_266 = tpu.memref_slice %arg2[%dma_start3A_264, %dma_start3A_265] : memref<10000x64xf32, #tpu.memory_space<hbm>> -> memref<10000x64xf32, #tpu.memory_space<hbm>>
      tpu.enqueue_indirect_dma source(%dma_start3A_266 : memref<10000x64xf32, #tpu.memory_space<hbm>>) target(%arg13 : memref<128x64xf32, #tpu.memory_space<vmem>>) offsets(%dma_start3A_263 : memref<128xi32, #tpu.memory_space<vmem>>) semaphore(%arg17 : memref<!tpu.dma_semaphore, #tpu.memory_space<semaphore_mem>>)
    } else {
    }
    %eq3A_37 = arith.constant 1 : i32
    %eq3A_38 = arith.cmpi eq, %arg0, %eq3A_37 : i32
    %convert_element_type3A_39 = arith.extui %eq3A_38 : i1 to i32
    %cond3A_40 = arith.constant 0 : i32
    %cond3A_41 = arith.cmpi ne, %convert_element_type3A_39, %cond3A_40 : i32
    scf.if %cond3A_41 {
      %dma_start3A_260 = arith.constant 3 : i32
      %dma_start3A_261 = arith.constant 0 : i32
      %dma_start3A_262 = tpu.memref_slice %arg8[%dma_start3A_260, %dma_start3A_261] : memref<160x128xi32, #tpu.memory_space<vmem>> -> memref<1x128xi32, #tpu.memory_space<vmem>>
      %dma_start3A_263 = tpu.memref_squeeze %dma_start3A_262 : memref<1x128xi32, #tpu.memory_space<vmem>> -> memref<128xi32, #tpu.memory_space<vmem>>
      %dma_start3A_264 = arith.constant 0 : i32
      %dma_start3A_265 = arith.constant 0 : i32
      %dma_start3A_266 = tpu.memref_slice %arg3[%dma_start3A_264, %dma_start3A_265] : memref<10000x64xf32, #tpu.memory_space<hbm>> -> memref<10000x64xf32, #tpu.memory_space<hbm>>
      tpu.enqueue_indirect_dma source(%dma_start3A_266 : memref<10000x64xf32, #tpu.memory_space<hbm>>) target(%arg13 : memref<128x64xf32, #tpu.memory_space<vmem>>) offsets(%dma_start3A_263 : memref<128xi32, #tpu.memory_space<vmem>>) semaphore(%arg17 : memref<!tpu.dma_semaphore, #tpu.memory_space<semaphore_mem>>)
    } else {
    }
    %dma_wait3A = arith.constant 0 : i32
    %dma_wait3A_42 = arith.constant 0 : i32
    %dma_wait3A_43 = tpu.memref_slice %arg8[%dma_wait3A, %dma_wait3A_42] : memref<160x128xi32, #tpu.memory_space<vmem>> -> memref<1x128xi32, #tpu.memory_space<vmem>>
    %dma_wait3A_44 = tpu.memref_squeeze %dma_wait3A_43 : memref<1x128xi32, #tpu.memory_space<vmem>> -> memref<128xi32, #tpu.memory_space<vmem>>
    %dma_wait3A_45 = arith.constant 0 : i32
    %dma_wait3A_46 = arith.constant 0 : i32
    %dma_wait3A_47 = tpu.memref_slice %arg2[%dma_wait3A_45, %dma_wait3A_46] : memref<10000x64xf32, #tpu.memory_space<hbm>> -> memref<10000x64xf32, #tpu.memory_space<hbm>>
    tpu.wait_indirect_dma semaphore(%arg14 : memref<!tpu.dma_semaphore, #tpu.memory_space<semaphore_mem>>) src(%dma_wait3A_47 : memref<10000x64xf32, #tpu.memory_space<hbm>>) dst(%arg10 : memref<128x64xf32, #tpu.memory_space<vmem>>)
    %dma_start3A = arith.constant 0 : i32
    %dma_start3A_48 = arith.constant 0 : i32
    %dma_start3A_49 = tpu.memref_slice %arg9[%dma_start3A, %dma_start3A_48] : memref<160x128xi32, #tpu.memory_space<vmem>> -> memref<1x128xi32, #tpu.memory_space<vmem>>
    %dma_start3A_50 = tpu.memref_squeeze %dma_start3A_49 : memref<1x128xi32, #tpu.memory_space<vmem>> -> memref<128xi32, #tpu.memory_space<vmem>>
    %dma_start3A_51 = arith.constant 0 : i32
    %dma_start3A_52 = arith.constant 0 : i32
    %dma_start3A_53 = tpu.memref_slice %arg22[%dma_start3A_51, %dma_start3A_52] : memref<10240x64xf32, #tpu.memory_space<vmem_shared>> -> memref<10240x64xf32, #tpu.memory_space<vmem_shared>>
    tpu.enqueue_indirect_dma source(%arg10 : memref<128x64xf32, #tpu.memory_space<vmem>>) target(%dma_start3A_53 : memref<10240x64xf32, #tpu.memory_space<vmem_shared>>) offsets(%dma_start3A_50 : memref<128xi32, #tpu.memory_space<vmem>>) semaphore(%arg18 : memref<!tpu.dma_semaphore, #tpu.memory_space<semaphore_mem>>) {add = true}
    %dma_wait3A_54 = arith.constant 0 : i32
    %dma_wait3A_55 = arith.constant 0 : i32
    %dma_wait3A_56 = tpu.memref_slice %arg8[%dma_wait3A_54, %dma_wait3A_55] : memref<160x128xi32, #tpu.memory_space<vmem>> -> memref<1x128xi32, #tpu.memory_space<vmem>>
    %dma_wait3A_57 = tpu.memref_squeeze %dma_wait3A_56 : memref<1x128xi32, #tpu.memory_space<vmem>> -> memref<128xi32, #tpu.memory_space<vmem>>
    %dma_wait3A_58 = arith.constant 0 : i32
    %dma_wait3A_59 = arith.constant 0 : i32
    %dma_wait3A_60 = tpu.memref_slice %arg2[%dma_wait3A_58, %dma_wait3A_59] : memref<10000x64xf32, #tpu.memory_space<hbm>> -> memref<10000x64xf32, #tpu.memory_space<hbm>>
    tpu.wait_indirect_dma semaphore(%arg15 : memref<!tpu.dma_semaphore, #tpu.memory_space<semaphore_mem>>) src(%dma_wait3A_60 : memref<10000x64xf32, #tpu.memory_space<hbm>>) dst(%arg11 : memref<128x64xf32, #tpu.memory_space<vmem>>)
    %dma_start3A_61 = arith.constant 1 : i32
    %dma_start3A_62 = arith.constant 0 : i32
    %dma_start3A_63 = tpu.memref_slice %arg9[%dma_start3A_61, %dma_start3A_62] : memref<160x128xi32, #tpu.memory_space<vmem>> -> memref<1x128xi32, #tpu.memory_space<vmem>>
    %dma_start3A_64 = tpu.memref_squeeze %dma_start3A_63 : memref<1x128xi32, #tpu.memory_space<vmem>> -> memref<128xi32, #tpu.memory_space<vmem>>
    %dma_start3A_65 = arith.constant 0 : i32
    %dma_start3A_66 = arith.constant 0 : i32
    %dma_start3A_67 = tpu.memref_slice %arg22[%dma_start3A_65, %dma_start3A_66] : memref<10240x64xf32, #tpu.memory_space<vmem_shared>> -> memref<10240x64xf32, #tpu.memory_space<vmem_shared>>
    tpu.enqueue_indirect_dma source(%arg11 : memref<128x64xf32, #tpu.memory_space<vmem>>) target(%dma_start3A_67 : memref<10240x64xf32, #tpu.memory_space<vmem_shared>>) offsets(%dma_start3A_64 : memref<128xi32, #tpu.memory_space<vmem>>) semaphore(%arg19 : memref<!tpu.dma_semaphore, #tpu.memory_space<semaphore_mem>>) {add = true}
    %dma_wait3A_68 = arith.constant 0 : i32
    %dma_wait3A_69 = arith.constant 0 : i32
    %dma_wait3A_70 = tpu.memref_slice %arg8[%dma_wait3A_68, %dma_wait3A_69] : memref<160x128xi32, #tpu.memory_space<vmem>> -> memref<1x128xi32, #tpu.memory_space<vmem>>
    %dma_wait3A_71 = tpu.memref_squeeze %dma_wait3A_70 : memref<1x128xi32, #tpu.memory_space<vmem>> -> memref<128xi32, #tpu.memory_space<vmem>>
    %dma_wait3A_72 = arith.constant 0 : i32
    %dma_wait3A_73 = arith.constant 0 : i32
    %dma_wait3A_74 = tpu.memref_slice %arg2[%dma_wait3A_72, %dma_wait3A_73] : memref<10000x64xf32, #tpu.memory_space<hbm>> -> memref<10000x64xf32, #tpu.memory_space<hbm>>
    tpu.wait_indirect_dma semaphore(%arg16 : memref<!tpu.dma_semaphore, #tpu.memory_space<semaphore_mem>>) src(%dma_wait3A_74 : memref<10000x64xf32, #tpu.memory_space<hbm>>) dst(%arg12 : memref<128x64xf32, #tpu.memory_space<vmem>>)
    %dma_start3A_75 = arith.constant 2 : i32
    %dma_start3A_76 = arith.constant 0 : i32
    %dma_start3A_77 = tpu.memref_slice %arg9[%dma_start3A_75, %dma_start3A_76] : memref<160x128xi32, #tpu.memory_space<vmem>> -> memref<1x128xi32, #tpu.memory_space<vmem>>
    %dma_start3A_78 = tpu.memref_squeeze %dma_start3A_77 : memref<1x128xi32, #tpu.memory_space<vmem>> -> memref<128xi32, #tpu.memory_space<vmem>>
    %dma_start3A_79 = arith.constant 0 : i32
    %dma_start3A_80 = arith.constant 0 : i32
    %dma_start3A_81 = tpu.memref_slice %arg22[%dma_start3A_79, %dma_start3A_80] : memref<10240x64xf32, #tpu.memory_space<vmem_shared>> -> memref<10240x64xf32, #tpu.memory_space<vmem_shared>>
    tpu.enqueue_indirect_dma source(%arg12 : memref<128x64xf32, #tpu.memory_space<vmem>>) target(%dma_start3A_81 : memref<10240x64xf32, #tpu.memory_space<vmem_shared>>) offsets(%dma_start3A_78 : memref<128xi32, #tpu.memory_space<vmem>>) semaphore(%arg20 : memref<!tpu.dma_semaphore, #tpu.memory_space<semaphore_mem>>) {add = true}
    %dma_wait3A_82 = arith.constant 0 : i32
    %dma_wait3A_83 = arith.constant 0 : i32
    %dma_wait3A_84 = tpu.memref_slice %arg8[%dma_wait3A_82, %dma_wait3A_83] : memref<160x128xi32, #tpu.memory_space<vmem>> -> memref<1x128xi32, #tpu.memory_space<vmem>>
    %dma_wait3A_85 = tpu.memref_squeeze %dma_wait3A_84 : memref<1x128xi32, #tpu.memory_space<vmem>> -> memref<128xi32, #tpu.memory_space<vmem>>
    %dma_wait3A_86 = arith.constant 0 : i32
    %dma_wait3A_87 = arith.constant 0 : i32
    %dma_wait3A_88 = tpu.memref_slice %arg2[%dma_wait3A_86, %dma_wait3A_87] : memref<10000x64xf32, #tpu.memory_space<hbm>> -> memref<10000x64xf32, #tpu.memory_space<hbm>>
    tpu.wait_indirect_dma semaphore(%arg17 : memref<!tpu.dma_semaphore, #tpu.memory_space<semaphore_mem>>) src(%dma_wait3A_88 : memref<10000x64xf32, #tpu.memory_space<hbm>>) dst(%arg13 : memref<128x64xf32, #tpu.memory_space<vmem>>)
    %dma_start3A_89 = arith.constant 3 : i32
    %dma_start3A_90 = arith.constant 0 : i32
    %dma_start3A_91 = tpu.memref_slice %arg9[%dma_start3A_89, %dma_start3A_90] : memref<160x128xi32, #tpu.memory_space<vmem>> -> memref<1x128xi32, #tpu.memory_space<vmem>>
    %dma_start3A_92 = tpu.memref_squeeze %dma_start3A_91 : memref<1x128xi32, #tpu.memory_space<vmem>> -> memref<128xi32, #tpu.memory_space<vmem>>
    %dma_start3A_93 = arith.constant 0 : i32
    %dma_start3A_94 = arith.constant 0 : i32
    %dma_start3A_95 = tpu.memref_slice %arg22[%dma_start3A_93, %dma_start3A_94] : memref<10240x64xf32, #tpu.memory_space<vmem_shared>> -> memref<10240x64xf32, #tpu.memory_space<vmem_shared>>
    tpu.enqueue_indirect_dma source(%arg13 : memref<128x64xf32, #tpu.memory_space<vmem>>) target(%dma_start3A_95 : memref<10240x64xf32, #tpu.memory_space<vmem_shared>>) offsets(%dma_start3A_92 : memref<128xi32, #tpu.memory_space<vmem>>) semaphore(%arg21 : memref<!tpu.dma_semaphore, #tpu.memory_space<semaphore_mem>>) {add = true}
    %dma_wait3A_96 = arith.constant 0 : i32
    %dma_wait3A_97 = arith.constant 0 : i32
    %dma_wait3A_98 = tpu.memref_slice %arg9[%dma_wait3A_96, %dma_wait3A_97] : memref<160x128xi32, #tpu.memory_space<vmem>> -> memref<1x128xi32, #tpu.memory_space<vmem>>
    %dma_wait3A_99 = tpu.memref_squeeze %dma_wait3A_98 : memref<1x128xi32, #tpu.memory_space<vmem>> -> memref<128xi32, #tpu.memory_space<vmem>>
    %dma_wait3A_100 = arith.constant 0 : i32
    %dma_wait3A_101 = arith.constant 0 : i32
    %dma_wait3A_102 = tpu.memref_slice %arg22[%dma_wait3A_100, %dma_wait3A_101] : memref<10240x64xf32, #tpu.memory_space<vmem_shared>> -> memref<10240x64xf32, #tpu.memory_space<vmem_shared>>
    tpu.wait_indirect_dma semaphore(%arg18 : memref<!tpu.dma_semaphore, #tpu.memory_space<semaphore_mem>>) src(%arg10 : memref<128x64xf32, #tpu.memory_space<vmem>>) dst(%dma_wait3A_102 : memref<10240x64xf32, #tpu.memory_space<vmem_shared>>)
    %eq3A_103 = arith.constant 0 : i32
    %eq3A_104 = arith.cmpi eq, %arg0, %eq3A_103 : i32
    %convert_element_type3A_105 = arith.extui %eq3A_104 : i1 to i32
    %cond3A_106 = arith.constant 0 : i32
    %cond3A_107 = arith.cmpi ne, %convert_element_type3A_105, %cond3A_106 : i32
    scf.if %cond3A_107 {
      %dma_start3A_260 = arith.constant 4 : i32
      %dma_start3A_261 = arith.constant 0 : i32
      %dma_start3A_262 = tpu.memref_slice %arg8[%dma_start3A_260, %dma_start3A_261] : memref<160x128xi32, #tpu.memory_space<vmem>> -> memref<1x128xi32, #tpu.memory_space<vmem>>
      %dma_start3A_263 = tpu.memref_squeeze %dma_start3A_262 : memref<1x128xi32, #tpu.memory_space<vmem>> -> memref<128xi32, #tpu.memory_space<vmem>>
      %dma_start3A_264 = arith.constant 0 : i32
      %dma_start3A_265 = arith.constant 0 : i32
      %dma_start3A_266 = tpu.memref_slice %arg2[%dma_start3A_264, %dma_start3A_265] : memref<10000x64xf32, #tpu.memory_space<hbm>> -> memref<10000x64xf32, #tpu.memory_space<hbm>>
      tpu.enqueue_indirect_dma source(%dma_start3A_266 : memref<10000x64xf32, #tpu.memory_space<hbm>>) target(%arg10 : memref<128x64xf32, #tpu.memory_space<vmem>>) offsets(%dma_start3A_263 : memref<128xi32, #tpu.memory_space<vmem>>) semaphore(%arg14 : memref<!tpu.dma_semaphore, #tpu.memory_space<semaphore_mem>>)
    } else {
    }
    %eq3A_108 = arith.constant 1 : i32
    %eq3A_109 = arith.cmpi eq, %arg0, %eq3A_108 : i32
    %convert_element_type3A_110 = arith.extui %eq3A_109 : i1 to i32
    %cond3A_111 = arith.constant 0 : i32
    %cond3A_112 = arith.cmpi ne, %convert_element_type3A_110, %cond3A_111 : i32
    scf.if %cond3A_112 {
      %dma_start3A_260 = arith.constant 4 : i32
      %dma_start3A_261 = arith.constant 0 : i32
      %dma_start3A_262 = tpu.memref_slice %arg8[%dma_start3A_260, %dma_start3A_261] : memref<160x128xi32, #tpu.memory_space<vmem>> -> memref<1x128xi32, #tpu.memory_space<vmem>>
      %dma_start3A_263 = tpu.memref_squeeze %dma_start3A_262 : memref<1x128xi32, #tpu.memory_space<vmem>> -> memref<128xi32, #tpu.memory_space<vmem>>
      %dma_start3A_264 = arith.constant 0 : i32
      %dma_start3A_265 = arith.constant 0 : i32
      %dma_start3A_266 = tpu.memref_slice %arg3[%dma_start3A_264, %dma_start3A_265] : memref<10000x64xf32, #tpu.memory_space<hbm>> -> memref<10000x64xf32, #tpu.memory_space<hbm>>
      tpu.enqueue_indirect_dma source(%dma_start3A_266 : memref<10000x64xf32, #tpu.memory_space<hbm>>) target(%arg10 : memref<128x64xf32, #tpu.memory_space<vmem>>) offsets(%dma_start3A_263 : memref<128xi32, #tpu.memory_space<vmem>>) semaphore(%arg14 : memref<!tpu.dma_semaphore, #tpu.memory_space<semaphore_mem>>)
    } else {
    }
    %dma_wait3A_113 = arith.constant 0 : i32
    %dma_wait3A_114 = arith.constant 0 : i32
    %dma_wait3A_115 = tpu.memref_slice %arg9[%dma_wait3A_113, %dma_wait3A_114] : memref<160x128xi32, #tpu.memory_space<vmem>> -> memref<1x128xi32, #tpu.memory_space<vmem>>
    %dma_wait3A_116 = tpu.memref_squeeze %dma_wait3A_115 : memref<1x128xi32, #tpu.memory_space<vmem>> -> memref<128xi32, #tpu.memory_space<vmem>>
    %dma_wait3A_117 = arith.constant 0 : i32
    %dma_wait3A_118 = arith.constant 0 : i32
    %dma_wait3A_119 = tpu.memref_slice %arg22[%dma_wait3A_117, %dma_wait3A_118] : memref<10240x64xf32, #tpu.memory_space<vmem_shared>> -> memref<10240x64xf32, #tpu.memory_space<vmem_shared>>
    tpu.wait_indirect_dma semaphore(%arg19 : memref<!tpu.dma_semaphore, #tpu.memory_space<semaphore_mem>>) src(%arg11 : memref<128x64xf32, #tpu.memory_space<vmem>>) dst(%dma_wait3A_119 : memref<10240x64xf32, #tpu.memory_space<vmem_shared>>)
    %eq3A_120 = arith.constant 0 : i32
    %eq3A_121 = arith.cmpi eq, %arg0, %eq3A_120 : i32
    %convert_element_type3A_122 = arith.extui %eq3A_121 : i1 to i32
    %cond3A_123 = arith.constant 0 : i32
    %cond3A_124 = arith.cmpi ne, %convert_element_type3A_122, %cond3A_123 : i32
    scf.if %cond3A_124 {
      %dma_start3A_260 = arith.constant 5 : i32
      %dma_start3A_261 = arith.constant 0 : i32
      %dma_start3A_262 = tpu.memref_slice %arg8[%dma_start3A_260, %dma_start3A_261] : memref<160x128xi32, #tpu.memory_space<vmem>> -> memref<1x128xi32, #tpu.memory_space<vmem>>
      %dma_start3A_263 = tpu.memref_squeeze %dma_start3A_262 : memref<1x128xi32, #tpu.memory_space<vmem>> -> memref<128xi32, #tpu.memory_space<vmem>>
      %dma_start3A_264 = arith.constant 0 : i32
      %dma_start3A_265 = arith.constant 0 : i32
      %dma_start3A_266 = tpu.memref_slice %arg2[%dma_start3A_264, %dma_start3A_265] : memref<10000x64xf32, #tpu.memory_space<hbm>> -> memref<10000x64xf32, #tpu.memory_space<hbm>>
      tpu.enqueue_indirect_dma source(%dma_start3A_266 : memref<10000x64xf32, #tpu.memory_space<hbm>>) target(%arg11 : memref<128x64xf32, #tpu.memory_space<vmem>>) offsets(%dma_start3A_263 : memref<128xi32, #tpu.memory_space<vmem>>) semaphore(%arg15 : memref<!tpu.dma_semaphore, #tpu.memory_space<semaphore_mem>>)
    } else {
    }
    %eq3A_125 = arith.constant 1 : i32
    %eq3A_126 = arith.cmpi eq, %arg0, %eq3A_125 : i32
    %convert_element_type3A_127 = arith.extui %eq3A_126 : i1 to i32
    %cond3A_128 = arith.constant 0 : i32
    %cond3A_129 = arith.cmpi ne, %convert_element_type3A_127, %cond3A_128 : i32
    scf.if %cond3A_129 {
      %dma_start3A_260 = arith.constant 5 : i32
      %dma_start3A_261 = arith.constant 0 : i32
      %dma_start3A_262 = tpu.memref_slice %arg8[%dma_start3A_260, %dma_start3A_261] : memref<160x128xi32, #tpu.memory_space<vmem>> -> memref<1x128xi32, #tpu.memory_space<vmem>>
      %dma_start3A_263 = tpu.memref_squeeze %dma_start3A_262 : memref<1x128xi32, #tpu.memory_space<vmem>> -> memref<128xi32, #tpu.memory_space<vmem>>
      %dma_start3A_264 = arith.constant 0 : i32
      %dma_start3A_265 = arith.constant 0 : i32
      %dma_start3A_266 = tpu.memref_slice %arg3[%dma_start3A_264, %dma_start3A_265] : memref<10000x64xf32, #tpu.memory_space<hbm>> -> memref<10000x64xf32, #tpu.memory_space<hbm>>
      tpu.enqueue_indirect_dma source(%dma_start3A_266 : memref<10000x64xf32, #tpu.memory_space<hbm>>) target(%arg11 : memref<128x64xf32, #tpu.memory_space<vmem>>) offsets(%dma_start3A_263 : memref<128xi32, #tpu.memory_space<vmem>>) semaphore(%arg15 : memref<!tpu.dma_semaphore, #tpu.memory_space<semaphore_mem>>)
    } else {
    }
    %dma_wait3A_130 = arith.constant 0 : i32
    %dma_wait3A_131 = arith.constant 0 : i32
    %dma_wait3A_132 = tpu.memref_slice %arg9[%dma_wait3A_130, %dma_wait3A_131] : memref<160x128xi32, #tpu.memory_space<vmem>> -> memref<1x128xi32, #tpu.memory_space<vmem>>
    %dma_wait3A_133 = tpu.memref_squeeze %dma_wait3A_132 : memref<1x128xi32, #tpu.memory_space<vmem>> -> memref<128xi32, #tpu.memory_space<vmem>>
    %dma_wait3A_134 = arith.constant 0 : i32
    %dma_wait3A_135 = arith.constant 0 : i32
    %dma_wait3A_136 = tpu.memref_slice %arg22[%dma_wait3A_134, %dma_wait3A_135] : memref<10240x64xf32, #tpu.memory_space<vmem_shared>> -> memref<10240x64xf32, #tpu.memory_space<vmem_shared>>
    tpu.wait_indirect_dma semaphore(%arg20 : memref<!tpu.dma_semaphore, #tpu.memory_space<semaphore_mem>>) src(%arg12 : memref<128x64xf32, #tpu.memory_space<vmem>>) dst(%dma_wait3A_136 : memref<10240x64xf32, #tpu.memory_space<vmem_shared>>)
    %eq3A_137 = arith.constant 0 : i32
    %eq3A_138 = arith.cmpi eq, %arg0, %eq3A_137 : i32
    %convert_element_type3A_139 = arith.extui %eq3A_138 : i1 to i32
    %cond3A_140 = arith.constant 0 : i32
    %cond3A_141 = arith.cmpi ne, %convert_element_type3A_139, %cond3A_140 : i32
    scf.if %cond3A_141 {
      %dma_start3A_260 = arith.constant 6 : i32
      %dma_start3A_261 = arith.constant 0 : i32
      %dma_start3A_262 = tpu.memref_slice %arg8[%dma_start3A_260, %dma_start3A_261] : memref<160x128xi32, #tpu.memory_space<vmem>> -> memref<1x128xi32, #tpu.memory_space<vmem>>
      %dma_start3A_263 = tpu.memref_squeeze %dma_start3A_262 : memref<1x128xi32, #tpu.memory_space<vmem>> -> memref<128xi32, #tpu.memory_space<vmem>>
      %dma_start3A_264 = arith.constant 0 : i32
      %dma_start3A_265 = arith.constant 0 : i32
      %dma_start3A_266 = tpu.memref_slice %arg2[%dma_start3A_264, %dma_start3A_265] : memref<10000x64xf32, #tpu.memory_space<hbm>> -> memref<10000x64xf32, #tpu.memory_space<hbm>>
      tpu.enqueue_indirect_dma source(%dma_start3A_266 : memref<10000x64xf32, #tpu.memory_space<hbm>>) target(%arg12 : memref<128x64xf32, #tpu.memory_space<vmem>>) offsets(%dma_start3A_263 : memref<128xi32, #tpu.memory_space<vmem>>) semaphore(%arg16 : memref<!tpu.dma_semaphore, #tpu.memory_space<semaphore_mem>>)
    } else {
    }
    %eq3A_142 = arith.constant 1 : i32
    %eq3A_143 = arith.cmpi eq, %arg0, %eq3A_142 : i32
    %convert_element_type3A_144 = arith.extui %eq3A_143 : i1 to i32
    %cond3A_145 = arith.constant 0 : i32
    %cond3A_146 = arith.cmpi ne, %convert_element_type3A_144, %cond3A_145 : i32
    scf.if %cond3A_146 {
      %dma_start3A_260 = arith.constant 6 : i32
      %dma_start3A_261 = arith.constant 0 : i32
      %dma_start3A_262 = tpu.memref_slice %arg8[%dma_start3A_260, %dma_start3A_261] : memref<160x128xi32, #tpu.memory_space<vmem>> -> memref<1x128xi32, #tpu.memory_space<vmem>>
      %dma_start3A_263 = tpu.memref_squeeze %dma_start3A_262 : memref<1x128xi32, #tpu.memory_space<vmem>> -> memref<128xi32, #tpu.memory_space<vmem>>
      %dma_start3A_264 = arith.constant 0 : i32
      %dma_start3A_265 = arith.constant 0 : i32
      %dma_start3A_266 = tpu.memref_slice %arg3[%dma_start3A_264, %dma_start3A_265] : memref<10000x64xf32, #tpu.memory_space<hbm>> -> memref<10000x64xf32, #tpu.memory_space<hbm>>
      tpu.enqueue_indirect_dma source(%dma_start3A_266 : memref<10000x64xf32, #tpu.memory_space<hbm>>) target(%arg12 : memref<128x64xf32, #tpu.memory_space<vmem>>) offsets(%dma_start3A_263 : memref<128xi32, #tpu.memory_space<vmem>>) semaphore(%arg16 : memref<!tpu.dma_semaphore, #tpu.memory_space<semaphore_mem>>)
    } else {
    }
    %dma_wait3A_147 = arith.constant 0 : i32
    %dma_wait3A_148 = arith.constant 0 : i32
    %dma_wait3A_149 = tpu.memref_slice %arg9[%dma_wait3A_147, %dma_wait3A_148] : memref<160x128xi32, #tpu.memory_space<vmem>> -> memref<1x128xi32, #tpu.memory_space<vmem>>
    %dma_wait3A_150 = tpu.memref_squeeze %dma_wait3A_149 : memref<1x128xi32, #tpu.memory_space<vmem>> -> memref<128xi32, #tpu.memory_space<vmem>>
    %dma_wait3A_151 = arith.constant 0 : i32
    %dma_wait3A_152 = arith.constant 0 : i32
    %dma_wait3A_153 = tpu.memref_slice %arg22[%dma_wait3A_151, %dma_wait3A_152] : memref<10240x64xf32, #tpu.memory_space<vmem_shared>> -> memref<10240x64xf32, #tpu.memory_space<vmem_shared>>
    tpu.wait_indirect_dma semaphore(%arg21 : memref<!tpu.dma_semaphore, #tpu.memory_space<semaphore_mem>>) src(%arg13 : memref<128x64xf32, #tpu.memory_space<vmem>>) dst(%dma_wait3A_153 : memref<10240x64xf32, #tpu.memory_space<vmem_shared>>)
    %eq3A_154 = arith.constant 0 : i32
    %eq3A_155 = arith.cmpi eq, %arg0, %eq3A_154 : i32
    %convert_element_type3A_156 = arith.extui %eq3A_155 : i1 to i32
    %cond3A_157 = arith.constant 0 : i32
    %cond3A_158 = arith.cmpi ne, %convert_element_type3A_156, %cond3A_157 : i32
    scf.if %cond3A_158 {
      %dma_start3A_260 = arith.constant 7 : i32
      %dma_start3A_261 = arith.constant 0 : i32
      %dma_start3A_262 = tpu.memref_slice %arg8[%dma_start3A_260, %dma_start3A_261] : memref<160x128xi32, #tpu.memory_space<vmem>> -> memref<1x128xi32, #tpu.memory_space<vmem>>
      %dma_start3A_263 = tpu.memref_squeeze %dma_start3A_262 : memref<1x128xi32, #tpu.memory_space<vmem>> -> memref<128xi32, #tpu.memory_space<vmem>>
      %dma_start3A_264 = arith.constant 0 : i32
      %dma_start3A_265 = arith.constant 0 : i32
      %dma_start3A_266 = tpu.memref_slice %arg2[%dma_start3A_264, %dma_start3A_265] : memref<10000x64xf32, #tpu.memory_space<hbm>> -> memref<10000x64xf32, #tpu.memory_space<hbm>>
      tpu.enqueue_indirect_dma source(%dma_start3A_266 : memref<10000x64xf32, #tpu.memory_space<hbm>>) target(%arg13 : memref<128x64xf32, #tpu.memory_space<vmem>>) offsets(%dma_start3A_263 : memref<128xi32, #tpu.memory_space<vmem>>) semaphore(%arg17 : memref<!tpu.dma_semaphore, #tpu.memory_space<semaphore_mem>>)
    } else {
    }
    %eq3A_159 = arith.constant 1 : i32
    %eq3A_160 = arith.cmpi eq, %arg0, %eq3A_159 : i32
    %convert_element_type3A_161 = arith.extui %eq3A_160 : i1 to i32
    %cond3A_162 = arith.constant 0 : i32
    %cond3A_163 = arith.cmpi ne, %convert_element_type3A_161, %cond3A_162 : i32
    scf.if %cond3A_163 {
      %dma_start3A_260 = arith.constant 7 : i32
      %dma_start3A_261 = arith.constant 0 : i32
      %dma_start3A_262 = tpu.memref_slice %arg8[%dma_start3A_260, %dma_start3A_261] : memref<160x128xi32, #tpu.memory_space<vmem>> -> memref<1x128xi32, #tpu.memory_space<vmem>>
      %dma_start3A_263 = tpu.memref_squeeze %dma_start3A_262 : memref<1x128xi32, #tpu.memory_space<vmem>> -> memref<128xi32, #tpu.memory_space<vmem>>
      %dma_start3A_264 = arith.constant 0 : i32
      %dma_start3A_265 = arith.constant 0 : i32
      %dma_start3A_266 = tpu.memref_slice %arg3[%dma_start3A_264, %dma_start3A_265] : memref<10000x64xf32, #tpu.memory_space<hbm>> -> memref<10000x64xf32, #tpu.memory_space<hbm>>
      tpu.enqueue_indirect_dma source(%dma_start3A_266 : memref<10000x64xf32, #tpu.memory_space<hbm>>) target(%arg13 : memref<128x64xf32, #tpu.memory_space<vmem>>) offsets(%dma_start3A_263 : memref<128xi32, #tpu.memory_space<vmem>>) semaphore(%arg17 : memref<!tpu.dma_semaphore, #tpu.memory_space<semaphore_mem>>)
    } else {
    }
    %scan3A = arith.constant 0 : i32
    %scan3A_164 = arith.constant 1 : i32
    %scan3A_165 = arith.constant 38 : i32
    %scan3A_166 = arith.addi %scan3A_164, %scan3A_165 : i32
    %scan3A_167 = arith.constant 1 : i32
    scf.for %scan3A_260 = %scan3A_164 to %scan3A_166 step %scan3A_167  : i32 {
      %mul3A_261 = arith.constant 4 : i32
      %mul3A_262 = arith.muli %scan3A_260, %mul3A_261 : i32
      %add3A_263 = arith.constant 0 : i32
      %add3A_264 = arith.addi %mul3A_262, %add3A_263 : i32
      %dma_wait3A_265 = arith.constant 0 : i32
      %dma_wait3A_266 = arith.constant 0 : i32
      %dma_wait3A_267 = tpu.memref_slice %arg8[%dma_wait3A_265, %dma_wait3A_266] : memref<160x128xi32, #tpu.memory_space<vmem>> -> memref<1x128xi32, #tpu.memory_space<vmem>>
      %dma_wait3A_268 = tpu.memref_squeeze %dma_wait3A_267 : memref<1x128xi32, #tpu.memory_space<vmem>> -> memref<128xi32, #tpu.memory_space<vmem>>
      %dma_wait3A_269 = arith.constant 0 : i32
      %dma_wait3A_270 = arith.constant 0 : i32
      %dma_wait3A_271 = tpu.memref_slice %arg2[%dma_wait3A_269, %dma_wait3A_270] : memref<10000x64xf32, #tpu.memory_space<hbm>> -> memref<10000x64xf32, #tpu.memory_space<hbm>>
      tpu.wait_indirect_dma semaphore(%arg14 : memref<!tpu.dma_semaphore, #tpu.memory_space<semaphore_mem>>) src(%dma_wait3A_271 : memref<10000x64xf32, #tpu.memory_space<hbm>>) dst(%arg10 : memref<128x64xf32, #tpu.memory_space<vmem>>)
      %dma_start3A_272 = arith.constant 0 : i32
      %dma_start3A_273 = tpu.memref_slice %arg9[%add3A_264, %dma_start3A_272] : memref<160x128xi32, #tpu.memory_space<vmem>> -> memref<1x128xi32, #tpu.memory_space<vmem>>
      %dma_start3A_274 = tpu.memref_squeeze %dma_start3A_273 : memref<1x128xi32, #tpu.memory_space<vmem>> -> memref<128xi32, #tpu.memory_space<vmem>>
      %dma_start3A_275 = arith.constant 0 : i32
      %dma_start3A_276 = arith.constant 0 : i32
      %dma_start3A_277 = tpu.memref_slice %arg22[%dma_start3A_275, %dma_start3A_276] : memref<10240x64xf32, #tpu.memory_space<vmem_shared>> -> memref<10240x64xf32, #tpu.memory_space<vmem_shared>>
      tpu.enqueue_indirect_dma source(%arg10 : memref<128x64xf32, #tpu.memory_space<vmem>>) target(%dma_start3A_277 : memref<10240x64xf32, #tpu.memory_space<vmem_shared>>) offsets(%dma_start3A_274 : memref<128xi32, #tpu.memory_space<vmem>>) semaphore(%arg18 : memref<!tpu.dma_semaphore, #tpu.memory_space<semaphore_mem>>) {add = true}
      %mul3A_278 = arith.constant 4 : i32
      %mul3A_279 = arith.muli %scan3A_260, %mul3A_278 : i32
      %add3A_280 = arith.constant 1 : i32
      %add3A_281 = arith.addi %mul3A_279, %add3A_280 : i32
      %dma_wait3A_282 = arith.constant 0 : i32
      %dma_wait3A_283 = arith.constant 0 : i32
      %dma_wait3A_284 = tpu.memref_slice %arg8[%dma_wait3A_282, %dma_wait3A_283] : memref<160x128xi32, #tpu.memory_space<vmem>> -> memref<1x128xi32, #tpu.memory_space<vmem>>
      %dma_wait3A_285 = tpu.memref_squeeze %dma_wait3A_284 : memref<1x128xi32, #tpu.memory_space<vmem>> -> memref<128xi32, #tpu.memory_space<vmem>>
      %dma_wait3A_286 = arith.constant 0 : i32
      %dma_wait3A_287 = arith.constant 0 : i32
      %dma_wait3A_288 = tpu.memref_slice %arg2[%dma_wait3A_286, %dma_wait3A_287] : memref<10000x64xf32, #tpu.memory_space<hbm>> -> memref<10000x64xf32, #tpu.memory_space<hbm>>
      tpu.wait_indirect_dma semaphore(%arg15 : memref<!tpu.dma_semaphore, #tpu.memory_space<semaphore_mem>>) src(%dma_wait3A_288 : memref<10000x64xf32, #tpu.memory_space<hbm>>) dst(%arg11 : memref<128x64xf32, #tpu.memory_space<vmem>>)
      %dma_start3A_289 = arith.constant 0 : i32
      %dma_start3A_290 = tpu.memref_slice %arg9[%add3A_281, %dma_start3A_289] : memref<160x128xi32, #tpu.memory_space<vmem>> -> memref<1x128xi32, #tpu.memory_space<vmem>>
      %dma_start3A_291 = tpu.memref_squeeze %dma_start3A_290 : memref<1x128xi32, #tpu.memory_space<vmem>> -> memref<128xi32, #tpu.memory_space<vmem>>
      %dma_start3A_292 = arith.constant 0 : i32
      %dma_start3A_293 = arith.constant 0 : i32
      %dma_start3A_294 = tpu.memref_slice %arg22[%dma_start3A_292, %dma_start3A_293] : memref<10240x64xf32, #tpu.memory_space<vmem_shared>> -> memref<10240x64xf32, #tpu.memory_space<vmem_shared>>
      tpu.enqueue_indirect_dma source(%arg11 : memref<128x64xf32, #tpu.memory_space<vmem>>) target(%dma_start3A_294 : memref<10240x64xf32, #tpu.memory_space<vmem_shared>>) offsets(%dma_start3A_291 : memref<128xi32, #tpu.memory_space<vmem>>) semaphore(%arg19 : memref<!tpu.dma_semaphore, #tpu.memory_space<semaphore_mem>>) {add = true}
      %mul3A_295 = arith.constant 4 : i32
      %mul3A_296 = arith.muli %scan3A_260, %mul3A_295 : i32
      %add3A_297 = arith.constant 2 : i32
      %add3A_298 = arith.addi %mul3A_296, %add3A_297 : i32
      %dma_wait3A_299 = arith.constant 0 : i32
      %dma_wait3A_300 = arith.constant 0 : i32
      %dma_wait3A_301 = tpu.memref_slice %arg8[%dma_wait3A_299, %dma_wait3A_300] : memref<160x128xi32, #tpu.memory_space<vmem>> -> memref<1x128xi32, #tpu.memory_space<vmem>>
      %dma_wait3A_302 = tpu.memref_squeeze %dma_wait3A_301 : memref<1x128xi32, #tpu.memory_space<vmem>> -> memref<128xi32, #tpu.memory_space<vmem>>
      %dma_wait3A_303 = arith.constant 0 : i32
      %dma_wait3A_304 = arith.constant 0 : i32
      %dma_wait3A_305 = tpu.memref_slice %arg2[%dma_wait3A_303, %dma_wait3A_304] : memref<10000x64xf32, #tpu.memory_space<hbm>> -> memref<10000x64xf32, #tpu.memory_space<hbm>>
      tpu.wait_indirect_dma semaphore(%arg16 : memref<!tpu.dma_semaphore, #tpu.memory_space<semaphore_mem>>) src(%dma_wait3A_305 : memref<10000x64xf32, #tpu.memory_space<hbm>>) dst(%arg12 : memref<128x64xf32, #tpu.memory_space<vmem>>)
      %dma_start3A_306 = arith.constant 0 : i32
      %dma_start3A_307 = tpu.memref_slice %arg9[%add3A_298, %dma_start3A_306] : memref<160x128xi32, #tpu.memory_space<vmem>> -> memref<1x128xi32, #tpu.memory_space<vmem>>
      %dma_start3A_308 = tpu.memref_squeeze %dma_start3A_307 : memref<1x128xi32, #tpu.memory_space<vmem>> -> memref<128xi32, #tpu.memory_space<vmem>>
      %dma_start3A_309 = arith.constant 0 : i32
      %dma_start3A_310 = arith.constant 0 : i32
      %dma_start3A_311 = tpu.memref_slice %arg22[%dma_start3A_309, %dma_start3A_310] : memref<10240x64xf32, #tpu.memory_space<vmem_shared>> -> memref<10240x64xf32, #tpu.memory_space<vmem_shared>>
      tpu.enqueue_indirect_dma source(%arg12 : memref<128x64xf32, #tpu.memory_space<vmem>>) target(%dma_start3A_311 : memref<10240x64xf32, #tpu.memory_space<vmem_shared>>) offsets(%dma_start3A_308 : memref<128xi32, #tpu.memory_space<vmem>>) semaphore(%arg20 : memref<!tpu.dma_semaphore, #tpu.memory_space<semaphore_mem>>) {add = true}
      %mul3A_312 = arith.constant 4 : i32
      %mul3A_313 = arith.muli %scan3A_260, %mul3A_312 : i32
      %add3A_314 = arith.constant 3 : i32
      %add3A_315 = arith.addi %mul3A_313, %add3A_314 : i32
      %dma_wait3A_316 = arith.constant 0 : i32
      %dma_wait3A_317 = arith.constant 0 : i32
      %dma_wait3A_318 = tpu.memref_slice %arg8[%dma_wait3A_316, %dma_wait3A_317] : memref<160x128xi32, #tpu.memory_space<vmem>> -> memref<1x128xi32, #tpu.memory_space<vmem>>
      %dma_wait3A_319 = tpu.memref_squeeze %dma_wait3A_318 : memref<1x128xi32, #tpu.memory_space<vmem>> -> memref<128xi32, #tpu.memory_space<vmem>>
      %dma_wait3A_320 = arith.constant 0 : i32
      %dma_wait3A_321 = arith.constant 0 : i32
      %dma_wait3A_322 = tpu.memref_slice %arg2[%dma_wait3A_320, %dma_wait3A_321] : memref<10000x64xf32, #tpu.memory_space<hbm>> -> memref<10000x64xf32, #tpu.memory_space<hbm>>
      tpu.wait_indirect_dma semaphore(%arg17 : memref<!tpu.dma_semaphore, #tpu.memory_space<semaphore_mem>>) src(%dma_wait3A_322 : memref<10000x64xf32, #tpu.memory_space<hbm>>) dst(%arg13 : memref<128x64xf32, #tpu.memory_space<vmem>>)
      %dma_start3A_323 = arith.constant 0 : i32
      %dma_start3A_324 = tpu.memref_slice %arg9[%add3A_315, %dma_start3A_323] : memref<160x128xi32, #tpu.memory_space<vmem>> -> memref<1x128xi32, #tpu.memory_space<vmem>>
      %dma_start3A_325 = tpu.memref_squeeze %dma_start3A_324 : memref<1x128xi32, #tpu.memory_space<vmem>> -> memref<128xi32, #tpu.memory_space<vmem>>
      %dma_start3A_326 = arith.constant 0 : i32
      %dma_start3A_327 = arith.constant 0 : i32
      %dma_start3A_328 = tpu.memref_slice %arg22[%dma_start3A_326, %dma_start3A_327] : memref<10240x64xf32, #tpu.memory_space<vmem_shared>> -> memref<10240x64xf32, #tpu.memory_space<vmem_shared>>
      tpu.enqueue_indirect_dma source(%arg13 : memref<128x64xf32, #tpu.memory_space<vmem>>) target(%dma_start3A_328 : memref<10240x64xf32, #tpu.memory_space<vmem_shared>>) offsets(%dma_start3A_325 : memref<128xi32, #tpu.memory_space<vmem>>) semaphore(%arg21 : memref<!tpu.dma_semaphore, #tpu.memory_space<semaphore_mem>>) {add = true}
      %dma_wait3A_329 = arith.constant 0 : i32
      %dma_wait3A_330 = arith.constant 0 : i32
      %dma_wait3A_331 = tpu.memref_slice %arg9[%dma_wait3A_329, %dma_wait3A_330] : memref<160x128xi32, #tpu.memory_space<vmem>> -> memref<1x128xi32, #tpu.memory_space<vmem>>
      %dma_wait3A_332 = tpu.memref_squeeze %dma_wait3A_331 : memref<1x128xi32, #tpu.memory_space<vmem>> -> memref<128xi32, #tpu.memory_space<vmem>>
      %dma_wait3A_333 = arith.constant 0 : i32
      %dma_wait3A_334 = arith.constant 0 : i32
      %dma_wait3A_335 = tpu.memref_slice %arg22[%dma_wait3A_333, %dma_wait3A_334] : memref<10240x64xf32, #tpu.memory_space<vmem_shared>> -> memref<10240x64xf32, #tpu.memory_space<vmem_shared>>
      tpu.wait_indirect_dma semaphore(%arg18 : memref<!tpu.dma_semaphore, #tpu.memory_space<semaphore_mem>>) src(%arg10 : memref<128x64xf32, #tpu.memory_space<vmem>>) dst(%dma_wait3A_335 : memref<10240x64xf32, #tpu.memory_space<vmem_shared>>)
      %add3A_336 = arith.constant 1 : i32
      %add3A_337 = arith.addi %scan3A_260, %add3A_336 : i32
      %mul3A_338 = arith.constant 4 : i32
      %mul3A_339 = arith.muli %add3A_337, %mul3A_338 : i32
      %add3A_340 = arith.constant 0 : i32
      %add3A_341 = arith.addi %mul3A_339, %add3A_340 : i32
      %eq3A_342 = arith.constant 0 : i32
      %eq3A_343 = arith.cmpi eq, %arg0, %eq3A_342 : i32
      %convert_element_type3A_344 = arith.extui %eq3A_343 : i1 to i32
      %cond3A_345 = arith.constant 0 : i32
      %cond3A_346 = arith.cmpi ne, %convert_element_type3A_344, %cond3A_345 : i32
      scf.if %cond3A_346 {
        %dma_start3A_421 = arith.constant 0 : i32
        %dma_start3A_422 = tpu.memref_slice %arg8[%add3A_341, %dma_start3A_421] : memref<160x128xi32, #tpu.memory_space<vmem>> -> memref<1x128xi32, #tpu.memory_space<vmem>>
        %dma_start3A_423 = tpu.memref_squeeze %dma_start3A_422 : memref<1x128xi32, #tpu.memory_space<vmem>> -> memref<128xi32, #tpu.memory_space<vmem>>
        %dma_start3A_424 = arith.constant 0 : i32
        %dma_start3A_425 = arith.constant 0 : i32
        %dma_start3A_426 = tpu.memref_slice %arg2[%dma_start3A_424, %dma_start3A_425] : memref<10000x64xf32, #tpu.memory_space<hbm>> -> memref<10000x64xf32, #tpu.memory_space<hbm>>
        tpu.enqueue_indirect_dma source(%dma_start3A_426 : memref<10000x64xf32, #tpu.memory_space<hbm>>) target(%arg10 : memref<128x64xf32, #tpu.memory_space<vmem>>) offsets(%dma_start3A_423 : memref<128xi32, #tpu.memory_space<vmem>>) semaphore(%arg14 : memref<!tpu.dma_semaphore, #tpu.memory_space<semaphore_mem>>)
      } else {
      }
      %eq3A_347 = arith.constant 1 : i32
      %eq3A_348 = arith.cmpi eq, %arg0, %eq3A_347 : i32
      %convert_element_type3A_349 = arith.extui %eq3A_348 : i1 to i32
      %cond3A_350 = arith.constant 0 : i32
      %cond3A_351 = arith.cmpi ne, %convert_element_type3A_349, %cond3A_350 : i32
      scf.if %cond3A_351 {
        %dma_start3A_421 = arith.constant 0 : i32
        %dma_start3A_422 = tpu.memref_slice %arg8[%add3A_341, %dma_start3A_421] : memref<160x128xi32, #tpu.memory_space<vmem>> -> memref<1x128xi32, #tpu.memory_space<vmem>>
        %dma_start3A_423 = tpu.memref_squeeze %dma_start3A_422 : memref<1x128xi32, #tpu.memory_space<vmem>> -> memref<128xi32, #tpu.memory_space<vmem>>
        %dma_start3A_424 = arith.constant 0 : i32
        %dma_start3A_425 = arith.constant 0 : i32
        %dma_start3A_426 = tpu.memref_slice %arg3[%dma_start3A_424, %dma_start3A_425] : memref<10000x64xf32, #tpu.memory_space<hbm>> -> memref<10000x64xf32, #tpu.memory_space<hbm>>
        tpu.enqueue_indirect_dma source(%dma_start3A_426 : memref<10000x64xf32, #tpu.memory_space<hbm>>) target(%arg10 : memref<128x64xf32, #tpu.memory_space<vmem>>) offsets(%dma_start3A_423 : memref<128xi32, #tpu.memory_space<vmem>>) semaphore(%arg14 : memref<!tpu.dma_semaphore, #tpu.memory_space<semaphore_mem>>)
      } else {
      }
      %dma_wait3A_352 = arith.constant 0 : i32
      %dma_wait3A_353 = arith.constant 0 : i32
      %dma_wait3A_354 = tpu.memref_slice %arg9[%dma_wait3A_352, %dma_wait3A_353] : memref<160x128xi32, #tpu.memory_space<vmem>> -> memref<1x128xi32, #tpu.memory_space<vmem>>
      %dma_wait3A_355 = tpu.memref_squeeze %dma_wait3A_354 : memref<1x128xi32, #tpu.memory_space<vmem>> -> memref<128xi32, #tpu.memory_space<vmem>>
      %dma_wait3A_356 = arith.constant 0 : i32
      %dma_wait3A_357 = arith.constant 0 : i32
      %dma_wait3A_358 = tpu.memref_slice %arg22[%dma_wait3A_356, %dma_wait3A_357] : memref<10240x64xf32, #tpu.memory_space<vmem_shared>> -> memref<10240x64xf32, #tpu.memory_space<vmem_shared>>
      tpu.wait_indirect_dma semaphore(%arg19 : memref<!tpu.dma_semaphore, #tpu.memory_space<semaphore_mem>>) src(%arg11 : memref<128x64xf32, #tpu.memory_space<vmem>>) dst(%dma_wait3A_358 : memref<10240x64xf32, #tpu.memory_space<vmem_shared>>)
      %add3A_359 = arith.constant 1 : i32
      %add3A_360 = arith.addi %scan3A_260, %add3A_359 : i32
      %mul3A_361 = arith.constant 4 : i32
      %mul3A_362 = arith.muli %add3A_360, %mul3A_361 : i32
      %add3A_363 = arith.constant 1 : i32
      %add3A_364 = arith.addi %mul3A_362, %add3A_363 : i32
      %eq3A_365 = arith.constant 0 : i32
      %eq3A_366 = arith.cmpi eq, %arg0, %eq3A_365 : i32
      %convert_element_type3A_367 = arith.extui %eq3A_366 : i1 to i32
      %cond3A_368 = arith.constant 0 : i32
      %cond3A_369 = arith.cmpi ne, %convert_element_type3A_367, %cond3A_368 : i32
      scf.if %cond3A_369 {
        %dma_start3A_421 = arith.constant 0 : i32
        %dma_start3A_422 = tpu.memref_slice %arg8[%add3A_364, %dma_start3A_421] : memref<160x128xi32, #tpu.memory_space<vmem>> -> memref<1x128xi32, #tpu.memory_space<vmem>>
        %dma_start3A_423 = tpu.memref_squeeze %dma_start3A_422 : memref<1x128xi32, #tpu.memory_space<vmem>> -> memref<128xi32, #tpu.memory_space<vmem>>
        %dma_start3A_424 = arith.constant 0 : i32
        %dma_start3A_425 = arith.constant 0 : i32
        %dma_start3A_426 = tpu.memref_slice %arg2[%dma_start3A_424, %dma_start3A_425] : memref<10000x64xf32, #tpu.memory_space<hbm>> -> memref<10000x64xf32, #tpu.memory_space<hbm>>
        tpu.enqueue_indirect_dma source(%dma_start3A_426 : memref<10000x64xf32, #tpu.memory_space<hbm>>) target(%arg11 : memref<128x64xf32, #tpu.memory_space<vmem>>) offsets(%dma_start3A_423 : memref<128xi32, #tpu.memory_space<vmem>>) semaphore(%arg15 : memref<!tpu.dma_semaphore, #tpu.memory_space<semaphore_mem>>)
      } else {
      }
      %eq3A_370 = arith.constant 1 : i32
      %eq3A_371 = arith.cmpi eq, %arg0, %eq3A_370 : i32
      %convert_element_type3A_372 = arith.extui %eq3A_371 : i1 to i32
      %cond3A_373 = arith.constant 0 : i32
      %cond3A_374 = arith.cmpi ne, %convert_element_type3A_372, %cond3A_373 : i32
      scf.if %cond3A_374 {
        %dma_start3A_421 = arith.constant 0 : i32
        %dma_start3A_422 = tpu.memref_slice %arg8[%add3A_364, %dma_start3A_421] : memref<160x128xi32, #tpu.memory_space<vmem>> -> memref<1x128xi32, #tpu.memory_space<vmem>>
        %dma_start3A_423 = tpu.memref_squeeze %dma_start3A_422 : memref<1x128xi32, #tpu.memory_space<vmem>> -> memref<128xi32, #tpu.memory_space<vmem>>
        %dma_start3A_424 = arith.constant 0 : i32
        %dma_start3A_425 = arith.constant 0 : i32
        %dma_start3A_426 = tpu.memref_slice %arg3[%dma_start3A_424, %dma_start3A_425] : memref<10000x64xf32, #tpu.memory_space<hbm>> -> memref<10000x64xf32, #tpu.memory_space<hbm>>
        tpu.enqueue_indirect_dma source(%dma_start3A_426 : memref<10000x64xf32, #tpu.memory_space<hbm>>) target(%arg11 : memref<128x64xf32, #tpu.memory_space<vmem>>) offsets(%dma_start3A_423 : memref<128xi32, #tpu.memory_space<vmem>>) semaphore(%arg15 : memref<!tpu.dma_semaphore, #tpu.memory_space<semaphore_mem>>)
      } else {
      }
      %dma_wait3A_375 = arith.constant 0 : i32
      %dma_wait3A_376 = arith.constant 0 : i32
      %dma_wait3A_377 = tpu.memref_slice %arg9[%dma_wait3A_375, %dma_wait3A_376] : memref<160x128xi32, #tpu.memory_space<vmem>> -> memref<1x128xi32, #tpu.memory_space<vmem>>
      %dma_wait3A_378 = tpu.memref_squeeze %dma_wait3A_377 : memref<1x128xi32, #tpu.memory_space<vmem>> -> memref<128xi32, #tpu.memory_space<vmem>>
      %dma_wait3A_379 = arith.constant 0 : i32
      %dma_wait3A_380 = arith.constant 0 : i32
      %dma_wait3A_381 = tpu.memref_slice %arg22[%dma_wait3A_379, %dma_wait3A_380] : memref<10240x64xf32, #tpu.memory_space<vmem_shared>> -> memref<10240x64xf32, #tpu.memory_space<vmem_shared>>
      tpu.wait_indirect_dma semaphore(%arg20 : memref<!tpu.dma_semaphore, #tpu.memory_space<semaphore_mem>>) src(%arg12 : memref<128x64xf32, #tpu.memory_space<vmem>>) dst(%dma_wait3A_381 : memref<10240x64xf32, #tpu.memory_space<vmem_shared>>)
      %add3A_382 = arith.constant 1 : i32
      %add3A_383 = arith.addi %scan3A_260, %add3A_382 : i32
      %mul3A_384 = arith.constant 4 : i32
      %mul3A_385 = arith.muli %add3A_383, %mul3A_384 : i32
      %add3A_386 = arith.constant 2 : i32
      %add3A_387 = arith.addi %mul3A_385, %add3A_386 : i32
      %eq3A_388 = arith.constant 0 : i32
      %eq3A_389 = arith.cmpi eq, %arg0, %eq3A_388 : i32
      %convert_element_type3A_390 = arith.extui %eq3A_389 : i1 to i32
      %cond3A_391 = arith.constant 0 : i32
      %cond3A_392 = arith.cmpi ne, %convert_element_type3A_390, %cond3A_391 : i32
      scf.if %cond3A_392 {
        %dma_start3A_421 = arith.constant 0 : i32
        %dma_start3A_422 = tpu.memref_slice %arg8[%add3A_387, %dma_start3A_421] : memref<160x128xi32, #tpu.memory_space<vmem>> -> memref<1x128xi32, #tpu.memory_space<vmem>>
        %dma_start3A_423 = tpu.memref_squeeze %dma_start3A_422 : memref<1x128xi32, #tpu.memory_space<vmem>> -> memref<128xi32, #tpu.memory_space<vmem>>
        %dma_start3A_424 = arith.constant 0 : i32
        %dma_start3A_425 = arith.constant 0 : i32
        %dma_start3A_426 = tpu.memref_slice %arg2[%dma_start3A_424, %dma_start3A_425] : memref<10000x64xf32, #tpu.memory_space<hbm>> -> memref<10000x64xf32, #tpu.memory_space<hbm>>
        tpu.enqueue_indirect_dma source(%dma_start3A_426 : memref<10000x64xf32, #tpu.memory_space<hbm>>) target(%arg12 : memref<128x64xf32, #tpu.memory_space<vmem>>) offsets(%dma_start3A_423 : memref<128xi32, #tpu.memory_space<vmem>>) semaphore(%arg16 : memref<!tpu.dma_semaphore, #tpu.memory_space<semaphore_mem>>)
      } else {
      }
      %eq3A_393 = arith.constant 1 : i32
      %eq3A_394 = arith.cmpi eq, %arg0, %eq3A_393 : i32
      %convert_element_type3A_395 = arith.extui %eq3A_394 : i1 to i32
      %cond3A_396 = arith.constant 0 : i32
      %cond3A_397 = arith.cmpi ne, %convert_element_type3A_395, %cond3A_396 : i32
      scf.if %cond3A_397 {
        %dma_start3A_421 = arith.constant 0 : i32
        %dma_start3A_422 = tpu.memref_slice %arg8[%add3A_387, %dma_start3A_421] : memref<160x128xi32, #tpu.memory_space<vmem>> -> memref<1x128xi32, #tpu.memory_space<vmem>>
        %dma_start3A_423 = tpu.memref_squeeze %dma_start3A_422 : memref<1x128xi32, #tpu.memory_space<vmem>> -> memref<128xi32, #tpu.memory_space<vmem>>
        %dma_start3A_424 = arith.constant 0 : i32
        %dma_start3A_425 = arith.constant 0 : i32
        %dma_start3A_426 = tpu.memref_slice %arg3[%dma_start3A_424, %dma_start3A_425] : memref<10000x64xf32, #tpu.memory_space<hbm>> -> memref<10000x64xf32, #tpu.memory_space<hbm>>
        tpu.enqueue_indirect_dma source(%dma_start3A_426 : memref<10000x64xf32, #tpu.memory_space<hbm>>) target(%arg12 : memref<128x64xf32, #tpu.memory_space<vmem>>) offsets(%dma_start3A_423 : memref<128xi32, #tpu.memory_space<vmem>>) semaphore(%arg16 : memref<!tpu.dma_semaphore, #tpu.memory_space<semaphore_mem>>)
      } else {
      }
      %dma_wait3A_398 = arith.constant 0 : i32
      %dma_wait3A_399 = arith.constant 0 : i32
      %dma_wait3A_400 = tpu.memref_slice %arg9[%dma_wait3A_398, %dma_wait3A_399] : memref<160x128xi32, #tpu.memory_space<vmem>> -> memref<1x128xi32, #tpu.memory_space<vmem>>
      %dma_wait3A_401 = tpu.memref_squeeze %dma_wait3A_400 : memref<1x128xi32, #tpu.memory_space<vmem>> -> memref<128xi32, #tpu.memory_space<vmem>>
      %dma_wait3A_402 = arith.constant 0 : i32
      %dma_wait3A_403 = arith.constant 0 : i32
      %dma_wait3A_404 = tpu.memref_slice %arg22[%dma_wait3A_402, %dma_wait3A_403] : memref<10240x64xf32, #tpu.memory_space<vmem_shared>> -> memref<10240x64xf32, #tpu.memory_space<vmem_shared>>
      tpu.wait_indirect_dma semaphore(%arg21 : memref<!tpu.dma_semaphore, #tpu.memory_space<semaphore_mem>>) src(%arg13 : memref<128x64xf32, #tpu.memory_space<vmem>>) dst(%dma_wait3A_404 : memref<10240x64xf32, #tpu.memory_space<vmem_shared>>)
      %add3A_405 = arith.constant 1 : i32
      %add3A_406 = arith.addi %scan3A_260, %add3A_405 : i32
      %mul3A_407 = arith.constant 4 : i32
      %mul3A_408 = arith.muli %add3A_406, %mul3A_407 : i32
      %add3A_409 = arith.constant 3 : i32
      %add3A_410 = arith.addi %mul3A_408, %add3A_409 : i32
      %eq3A_411 = arith.constant 0 : i32
      %eq3A_412 = arith.cmpi eq, %arg0, %eq3A_411 : i32
      %convert_element_type3A_413 = arith.extui %eq3A_412 : i1 to i32
      %cond3A_414 = arith.constant 0 : i32
      %cond3A_415 = arith.cmpi ne, %convert_element_type3A_413, %cond3A_414 : i32
      scf.if %cond3A_415 {
        %dma_start3A_421 = arith.constant 0 : i32
        %dma_start3A_422 = tpu.memref_slice %arg8[%add3A_410, %dma_start3A_421] : memref<160x128xi32, #tpu.memory_space<vmem>> -> memref<1x128xi32, #tpu.memory_space<vmem>>
        %dma_start3A_423 = tpu.memref_squeeze %dma_start3A_422 : memref<1x128xi32, #tpu.memory_space<vmem>> -> memref<128xi32, #tpu.memory_space<vmem>>
        %dma_start3A_424 = arith.constant 0 : i32
        %dma_start3A_425 = arith.constant 0 : i32
        %dma_start3A_426 = tpu.memref_slice %arg2[%dma_start3A_424, %dma_start3A_425] : memref<10000x64xf32, #tpu.memory_space<hbm>> -> memref<10000x64xf32, #tpu.memory_space<hbm>>
        tpu.enqueue_indirect_dma source(%dma_start3A_426 : memref<10000x64xf32, #tpu.memory_space<hbm>>) target(%arg13 : memref<128x64xf32, #tpu.memory_space<vmem>>) offsets(%dma_start3A_423 : memref<128xi32, #tpu.memory_space<vmem>>) semaphore(%arg17 : memref<!tpu.dma_semaphore, #tpu.memory_space<semaphore_mem>>)
      } else {
      }
      %eq3A_416 = arith.constant 1 : i32
      %eq3A_417 = arith.cmpi eq, %arg0, %eq3A_416 : i32
      %convert_element_type3A_418 = arith.extui %eq3A_417 : i1 to i32
      %cond3A_419 = arith.constant 0 : i32
      %cond3A_420 = arith.cmpi ne, %convert_element_type3A_418, %cond3A_419 : i32
      scf.if %cond3A_420 {
        %dma_start3A_421 = arith.constant 0 : i32
        %dma_start3A_422 = tpu.memref_slice %arg8[%add3A_410, %dma_start3A_421] : memref<160x128xi32, #tpu.memory_space<vmem>> -> memref<1x128xi32, #tpu.memory_space<vmem>>
        %dma_start3A_423 = tpu.memref_squeeze %dma_start3A_422 : memref<1x128xi32, #tpu.memory_space<vmem>> -> memref<128xi32, #tpu.memory_space<vmem>>
        %dma_start3A_424 = arith.constant 0 : i32
        %dma_start3A_425 = arith.constant 0 : i32
        %dma_start3A_426 = tpu.memref_slice %arg3[%dma_start3A_424, %dma_start3A_425] : memref<10000x64xf32, #tpu.memory_space<hbm>> -> memref<10000x64xf32, #tpu.memory_space<hbm>>
        tpu.enqueue_indirect_dma source(%dma_start3A_426 : memref<10000x64xf32, #tpu.memory_space<hbm>>) target(%arg13 : memref<128x64xf32, #tpu.memory_space<vmem>>) offsets(%dma_start3A_423 : memref<128xi32, #tpu.memory_space<vmem>>) semaphore(%arg17 : memref<!tpu.dma_semaphore, #tpu.memory_space<semaphore_mem>>)
      } else {
      }
    }
    %scan3A_168 = arith.constant 38 : i32
    %dma_wait3A_169 = arith.constant 0 : i32
    %dma_wait3A_170 = arith.constant 0 : i32
    %dma_wait3A_171 = tpu.memref_slice %arg8[%dma_wait3A_169, %dma_wait3A_170] : memref<160x128xi32, #tpu.memory_space<vmem>> -> memref<1x128xi32, #tpu.memory_space<vmem>>
    %dma_wait3A_172 = tpu.memref_squeeze %dma_wait3A_171 : memref<1x128xi32, #tpu.memory_space<vmem>> -> memref<128xi32, #tpu.memory_space<vmem>>
    %dma_wait3A_173 = arith.constant 0 : i32
    %dma_wait3A_174 = arith.constant 0 : i32
    %dma_wait3A_175 = tpu.memref_slice %arg2[%dma_wait3A_173, %dma_wait3A_174] : memref<10000x64xf32, #tpu.memory_space<hbm>> -> memref<10000x64xf32, #tpu.memory_space<hbm>>
    tpu.wait_indirect_dma semaphore(%arg14 : memref<!tpu.dma_semaphore, #tpu.memory_space<semaphore_mem>>) src(%dma_wait3A_175 : memref<10000x64xf32, #tpu.memory_space<hbm>>) dst(%arg10 : memref<128x64xf32, #tpu.memory_space<vmem>>)
    %dma_start3A_176 = arith.constant 156 : i32
    %dma_start3A_177 = arith.constant 0 : i32
    %dma_start3A_178 = tpu.memref_slice %arg9[%dma_start3A_176, %dma_start3A_177] : memref<160x128xi32, #tpu.memory_space<vmem>> -> memref<1x128xi32, #tpu.memory_space<vmem>>
    %dma_start3A_179 = tpu.memref_squeeze %dma_start3A_178 : memref<1x128xi32, #tpu.memory_space<vmem>> -> memref<128xi32, #tpu.memory_space<vmem>>
    %dma_start3A_180 = arith.constant 0 : i32
    %dma_start3A_181 = arith.constant 0 : i32
    %dma_start3A_182 = tpu.memref_slice %arg22[%dma_start3A_180, %dma_start3A_181] : memref<10240x64xf32, #tpu.memory_space<vmem_shared>> -> memref<10240x64xf32, #tpu.memory_space<vmem_shared>>
    tpu.enqueue_indirect_dma source(%arg10 : memref<128x64xf32, #tpu.memory_space<vmem>>) target(%dma_start3A_182 : memref<10240x64xf32, #tpu.memory_space<vmem_shared>>) offsets(%dma_start3A_179 : memref<128xi32, #tpu.memory_space<vmem>>) semaphore(%arg18 : memref<!tpu.dma_semaphore, #tpu.memory_space<semaphore_mem>>) {add = true}
    %dma_wait3A_183 = arith.constant 0 : i32
    %dma_wait3A_184 = arith.constant 0 : i32
    %dma_wait3A_185 = tpu.memref_slice %arg8[%dma_wait3A_183, %dma_wait3A_184] : memref<160x128xi32, #tpu.memory_space<vmem>> -> memref<1x128xi32, #tpu.memory_space<vmem>>
    %dma_wait3A_186 = tpu.memref_squeeze %dma_wait3A_185 : memref<1x128xi32, #tpu.memory_space<vmem>> -> memref<128xi32, #tpu.memory_space<vmem>>
    %dma_wait3A_187 = arith.constant 0 : i32
    %dma_wait3A_188 = arith.constant 0 : i32
    %dma_wait3A_189 = tpu.memref_slice %arg2[%dma_wait3A_187, %dma_wait3A_188] : memref<10000x64xf32, #tpu.memory_space<hbm>> -> memref<10000x64xf32, #tpu.memory_space<hbm>>
    tpu.wait_indirect_dma semaphore(%arg15 : memref<!tpu.dma_semaphore, #tpu.memory_space<semaphore_mem>>) src(%dma_wait3A_189 : memref<10000x64xf32, #tpu.memory_space<hbm>>) dst(%arg11 : memref<128x64xf32, #tpu.memory_space<vmem>>)
    %dma_start3A_190 = arith.constant 157 : i32
    %dma_start3A_191 = arith.constant 0 : i32
    %dma_start3A_192 = tpu.memref_slice %arg9[%dma_start3A_190, %dma_start3A_191] : memref<160x128xi32, #tpu.memory_space<vmem>> -> memref<1x128xi32, #tpu.memory_space<vmem>>
    %dma_start3A_193 = tpu.memref_squeeze %dma_start3A_192 : memref<1x128xi32, #tpu.memory_space<vmem>> -> memref<128xi32, #tpu.memory_space<vmem>>
    %dma_start3A_194 = arith.constant 0 : i32
    %dma_start3A_195 = arith.constant 0 : i32
    %dma_start3A_196 = tpu.memref_slice %arg22[%dma_start3A_194, %dma_start3A_195] : memref<10240x64xf32, #tpu.memory_space<vmem_shared>> -> memref<10240x64xf32, #tpu.memory_space<vmem_shared>>
    tpu.enqueue_indirect_dma source(%arg11 : memref<128x64xf32, #tpu.memory_space<vmem>>) target(%dma_start3A_196 : memref<10240x64xf32, #tpu.memory_space<vmem_shared>>) offsets(%dma_start3A_193 : memref<128xi32, #tpu.memory_space<vmem>>) semaphore(%arg19 : memref<!tpu.dma_semaphore, #tpu.memory_space<semaphore_mem>>) {add = true}
    %dma_wait3A_197 = arith.constant 0 : i32
    %dma_wait3A_198 = arith.constant 0 : i32
    %dma_wait3A_199 = tpu.memref_slice %arg8[%dma_wait3A_197, %dma_wait3A_198] : memref<160x128xi32, #tpu.memory_space<vmem>> -> memref<1x128xi32, #tpu.memory_space<vmem>>
    %dma_wait3A_200 = tpu.memref_squeeze %dma_wait3A_199 : memref<1x128xi32, #tpu.memory_space<vmem>> -> memref<128xi32, #tpu.memory_space<vmem>>
    %dma_wait3A_201 = arith.constant 0 : i32
    %dma_wait3A_202 = arith.constant 0 : i32
    %dma_wait3A_203 = tpu.memref_slice %arg2[%dma_wait3A_201, %dma_wait3A_202] : memref<10000x64xf32, #tpu.memory_space<hbm>> -> memref<10000x64xf32, #tpu.memory_space<hbm>>
    tpu.wait_indirect_dma semaphore(%arg16 : memref<!tpu.dma_semaphore, #tpu.memory_space<semaphore_mem>>) src(%dma_wait3A_203 : memref<10000x64xf32, #tpu.memory_space<hbm>>) dst(%arg12 : memref<128x64xf32, #tpu.memory_space<vmem>>)
    %dma_start3A_204 = arith.constant 158 : i32
    %dma_start3A_205 = arith.constant 0 : i32
    %dma_start3A_206 = tpu.memref_slice %arg9[%dma_start3A_204, %dma_start3A_205] : memref<160x128xi32, #tpu.memory_space<vmem>> -> memref<1x128xi32, #tpu.memory_space<vmem>>
    %dma_start3A_207 = tpu.memref_squeeze %dma_start3A_206 : memref<1x128xi32, #tpu.memory_space<vmem>> -> memref<128xi32, #tpu.memory_space<vmem>>
    %dma_start3A_208 = arith.constant 0 : i32
    %dma_start3A_209 = arith.constant 0 : i32
    %dma_start3A_210 = tpu.memref_slice %arg22[%dma_start3A_208, %dma_start3A_209] : memref<10240x64xf32, #tpu.memory_space<vmem_shared>> -> memref<10240x64xf32, #tpu.memory_space<vmem_shared>>
    tpu.enqueue_indirect_dma source(%arg12 : memref<128x64xf32, #tpu.memory_space<vmem>>) target(%dma_start3A_210 : memref<10240x64xf32, #tpu.memory_space<vmem_shared>>) offsets(%dma_start3A_207 : memref<128xi32, #tpu.memory_space<vmem>>) semaphore(%arg20 : memref<!tpu.dma_semaphore, #tpu.memory_space<semaphore_mem>>) {add = true}
    %dma_wait3A_211 = arith.constant 0 : i32
    %dma_wait3A_212 = arith.constant 0 : i32
    %dma_wait3A_213 = tpu.memref_slice %arg8[%dma_wait3A_211, %dma_wait3A_212] : memref<160x128xi32, #tpu.memory_space<vmem>> -> memref<1x128xi32, #tpu.memory_space<vmem>>
    %dma_wait3A_214 = tpu.memref_squeeze %dma_wait3A_213 : memref<1x128xi32, #tpu.memory_space<vmem>> -> memref<128xi32, #tpu.memory_space<vmem>>
    %dma_wait3A_215 = arith.constant 0 : i32
    %dma_wait3A_216 = arith.constant 0 : i32
    %dma_wait3A_217 = tpu.memref_slice %arg2[%dma_wait3A_215, %dma_wait3A_216] : memref<10000x64xf32, #tpu.memory_space<hbm>> -> memref<10000x64xf32, #tpu.memory_space<hbm>>
    tpu.wait_indirect_dma semaphore(%arg17 : memref<!tpu.dma_semaphore, #tpu.memory_space<semaphore_mem>>) src(%dma_wait3A_217 : memref<10000x64xf32, #tpu.memory_space<hbm>>) dst(%arg13 : memref<128x64xf32, #tpu.memory_space<vmem>>)
    %dma_start3A_218 = arith.constant 159 : i32
    %dma_start3A_219 = arith.constant 0 : i32
    %dma_start3A_220 = tpu.memref_slice %arg9[%dma_start3A_218, %dma_start3A_219] : memref<160x128xi32, #tpu.memory_space<vmem>> -> memref<1x128xi32, #tpu.memory_space<vmem>>
    %dma_start3A_221 = tpu.memref_squeeze %dma_start3A_220 : memref<1x128xi32, #tpu.memory_space<vmem>> -> memref<128xi32, #tpu.memory_space<vmem>>
    %dma_start3A_222 = arith.constant 0 : i32
    %dma_start3A_223 = arith.constant 0 : i32
    %dma_start3A_224 = tpu.memref_slice %arg22[%dma_start3A_222, %dma_start3A_223] : memref<10240x64xf32, #tpu.memory_space<vmem_shared>> -> memref<10240x64xf32, #tpu.memory_space<vmem_shared>>
    tpu.enqueue_indirect_dma source(%arg13 : memref<128x64xf32, #tpu.memory_space<vmem>>) target(%dma_start3A_224 : memref<10240x64xf32, #tpu.memory_space<vmem_shared>>) offsets(%dma_start3A_221 : memref<128xi32, #tpu.memory_space<vmem>>) semaphore(%arg21 : memref<!tpu.dma_semaphore, #tpu.memory_space<semaphore_mem>>) {add = true}
    %dma_wait3A_225 = arith.constant 0 : i32
    %dma_wait3A_226 = arith.constant 0 : i32
    %dma_wait3A_227 = tpu.memref_slice %arg9[%dma_wait3A_225, %dma_wait3A_226] : memref<160x128xi32, #tpu.memory_space<vmem>> -> memref<1x128xi32, #tpu.memory_space<vmem>>
    %dma_wait3A_228 = tpu.memref_squeeze %dma_wait3A_227 : memref<1x128xi32, #tpu.memory_space<vmem>> -> memref<128xi32, #tpu.memory_space<vmem>>
    %dma_wait3A_229 = arith.constant 0 : i32
    %dma_wait3A_230 = arith.constant 0 : i32
    %dma_wait3A_231 = tpu.memref_slice %arg22[%dma_wait3A_229, %dma_wait3A_230] : memref<10240x64xf32, #tpu.memory_space<vmem_shared>> -> memref<10240x64xf32, #tpu.memory_space<vmem_shared>>
    tpu.wait_indirect_dma semaphore(%arg18 : memref<!tpu.dma_semaphore, #tpu.memory_space<semaphore_mem>>) src(%arg10 : memref<128x64xf32, #tpu.memory_space<vmem>>) dst(%dma_wait3A_231 : memref<10240x64xf32, #tpu.memory_space<vmem_shared>>)
    %dma_wait3A_232 = arith.constant 0 : i32
    %dma_wait3A_233 = arith.constant 0 : i32
    %dma_wait3A_234 = tpu.memref_slice %arg9[%dma_wait3A_232, %dma_wait3A_233] : memref<160x128xi32, #tpu.memory_space<vmem>> -> memref<1x128xi32, #tpu.memory_space<vmem>>
    %dma_wait3A_235 = tpu.memref_squeeze %dma_wait3A_234 : memref<1x128xi32, #tpu.memory_space<vmem>> -> memref<128xi32, #tpu.memory_space<vmem>>
    %dma_wait3A_236 = arith.constant 0 : i32
    %dma_wait3A_237 = arith.constant 0 : i32
    %dma_wait3A_238 = tpu.memref_slice %arg22[%dma_wait3A_236, %dma_wait3A_237] : memref<10240x64xf32, #tpu.memory_space<vmem_shared>> -> memref<10240x64xf32, #tpu.memory_space<vmem_shared>>
    tpu.wait_indirect_dma semaphore(%arg19 : memref<!tpu.dma_semaphore, #tpu.memory_space<semaphore_mem>>) src(%arg11 : memref<128x64xf32, #tpu.memory_space<vmem>>) dst(%dma_wait3A_238 : memref<10240x64xf32, #tpu.memory_space<vmem_shared>>)
    %dma_wait3A_239 = arith.constant 0 : i32
    %dma_wait3A_240 = arith.constant 0 : i32
    %dma_wait3A_241 = tpu.memref_slice %arg9[%dma_wait3A_239, %dma_wait3A_240] : memref<160x128xi32, #tpu.memory_space<vmem>> -> memref<1x128xi32, #tpu.memory_space<vmem>>
    %dma_wait3A_242 = tpu.memref_squeeze %dma_wait3A_241 : memref<1x128xi32, #tpu.memory_space<vmem>> -> memref<128xi32, #tpu.memory_space<vmem>>
    %dma_wait3A_243 = arith.constant 0 : i32
    %dma_wait3A_244 = arith.constant 0 : i32
    %dma_wait3A_245 = tpu.memref_slice %arg22[%dma_wait3A_243, %dma_wait3A_244] : memref<10240x64xf32, #tpu.memory_space<vmem_shared>> -> memref<10240x64xf32, #tpu.memory_space<vmem_shared>>
    tpu.wait_indirect_dma semaphore(%arg20 : memref<!tpu.dma_semaphore, #tpu.memory_space<semaphore_mem>>) src(%arg12 : memref<128x64xf32, #tpu.memory_space<vmem>>) dst(%dma_wait3A_245 : memref<10240x64xf32, #tpu.memory_space<vmem_shared>>)
    %dma_wait3A_246 = arith.constant 0 : i32
    %dma_wait3A_247 = arith.constant 0 : i32
    %dma_wait3A_248 = tpu.memref_slice %arg9[%dma_wait3A_246, %dma_wait3A_247] : memref<160x128xi32, #tpu.memory_space<vmem>> -> memref<1x128xi32, #tpu.memory_space<vmem>>
    %dma_wait3A_249 = tpu.memref_squeeze %dma_wait3A_248 : memref<1x128xi32, #tpu.memory_space<vmem>> -> memref<128xi32, #tpu.memory_space<vmem>>
    %dma_wait3A_250 = arith.constant 0 : i32
    %dma_wait3A_251 = arith.constant 0 : i32
    %dma_wait3A_252 = tpu.memref_slice %arg22[%dma_wait3A_250, %dma_wait3A_251] : memref<10240x64xf32, #tpu.memory_space<vmem_shared>> -> memref<10240x64xf32, #tpu.memory_space<vmem_shared>>
    tpu.wait_indirect_dma semaphore(%arg21 : memref<!tpu.dma_semaphore, #tpu.memory_space<semaphore_mem>>) src(%arg13 : memref<128x64xf32, #tpu.memory_space<vmem>>) dst(%dma_wait3A_252 : memref<10240x64xf32, #tpu.memory_space<vmem_shared>>)
    %barrier3A_253 = arith.constant 0 : index
    tpu.barrier barrier_id(%barrier3A_253)
    %mul3A_254 = arith.constant 10240 : i32
    %mul3A_255 = arith.muli %arg0, %mul3A_254 : i32
    %mul3A_256 = arith.constant 640 : i32
    %mul3A_257 = arith.muli %arg1, %mul3A_256 : i32
    %add3A = arith.addi %mul3A_255, %mul3A_257 : i32
    %mul3A_258 = arith.constant 640 : i32
    %mul3A_259 = arith.muli %arg1, %mul3A_258 : i32
    "tpu.region"() ({
      %run_scoped3A = tpu.sem_alloc : memref<!tpu.dma_semaphore, #tpu.memory_space<semaphore_mem>>
      %dma_start3A_260 = arith.constant 0 : i32
      %dma_start3A_261 = tpu.memref_slice %arg7[%add3A, %dma_start3A_260] : memref<20480x64xf32, #tpu.memory_space<hbm>> -> memref<640x64xf32, #tpu.memory_space<hbm>>
      %dma_start3A_262 = arith.constant 0 : i32
      %dma_start3A_263 = tpu.memref_slice %arg22[%mul3A_259, %dma_start3A_262] : memref<10240x64xf32, #tpu.memory_space<vmem_shared>> -> memref<640x64xf32, #tpu.memory_space<vmem_shared>>
      tpu.enqueue_dma source(%dma_start3A_263 : memref<640x64xf32, #tpu.memory_space<vmem_shared>>) target(%dma_start3A_261 : memref<640x64xf32, #tpu.memory_space<hbm>>) target_semaphore(%run_scoped3A : memref<!tpu.dma_semaphore, #tpu.memory_space<semaphore_mem>>)
      %dma_wait3A_264 = arith.constant 0 : i32
      %dma_wait3A_265 = tpu.memref_slice %arg7[%add3A, %dma_wait3A_264] : memref<20480x64xf32, #tpu.memory_space<hbm>> -> memref<640x64xf32, #tpu.memory_space<hbm>>
      %dma_wait3A_266 = arith.constant 0 : i32
      %dma_wait3A_267 = tpu.memref_slice %arg22[%mul3A_259, %dma_wait3A_266] : memref<10240x64xf32, #tpu.memory_space<vmem_shared>> -> memref<640x64xf32, #tpu.memory_space<vmem_shared>>
      tpu.wait_dma2 semaphore(%run_scoped3A : memref<!tpu.dma_semaphore, #tpu.memory_space<semaphore_mem>>) src(%dma_wait3A_267 : memref<640x64xf32, #tpu.memory_space<vmem_shared>>) dst(%dma_wait3A_265 : memref<640x64xf32, #tpu.memory_space<hbm>>)
      tpu.yield
    }) : () -> ()
    return
  }
}

module attributes {stable_mosaic.version = 14 : i64} {
  func.func @_layer1_body(%arg0: i32, %arg1: memref<80x128xf32, #tpu.memory_space<vmem>>, %arg2: memref<80x64xf32, #tpu.memory_space<vmem>>, %arg3: memref<80x64xf32, #tpu.memory_space<vmem>>, %arg4: memref<80x8xf32, #tpu.memory_space<vmem>>, %arg5: memref<80x8xf32, #tpu.memory_space<vmem>>, %arg6: memref<128x128xf32, #tpu.memory_space<vmem>>, %arg7: memref<128x128xf32, #tpu.memory_space<vmem>>, %arg8: memref<1x128xf32, #tpu.memory_space<vmem>>, %arg9: memref<80x64xf32, #tpu.memory_space<vmem>>, %arg10: memref<80x64xf32, #tpu.memory_space<vmem>>, %arg11: memref<80x1xf32, #tpu.memory_space<vmem>>) attributes {dimension_semantics = [#tpu.dimension_semantics<arbitrary>], iteration_bounds = array<i64: 125>, scalar_prefetch = 0 : i64, scratch_operands = 0 : i64, tpu.core_type = #tpu.core_type<tc>, window_params = [{transform_indices = @transform_0, window_bounds = array<i64: 80, 128>}, {transform_indices = @transform_1, window_bounds = array<i64: 80, 64>}, {transform_indices = @transform_2, window_bounds = array<i64: 80, 64>}, {transform_indices = @transform_3, window_bounds = array<i64: 80, 8>}, {transform_indices = @transform_4, window_bounds = array<i64: 80, 8>}, {pipeline_mode = #tpu.pipeline_mode<synchronous>, transform_indices = @transform_5, window_bounds = array<i64: 128, 128>}, {pipeline_mode = #tpu.pipeline_mode<synchronous>, transform_indices = @transform_6, window_bounds = array<i64: 128, 128>}, {pipeline_mode = #tpu.pipeline_mode<synchronous>, transform_indices = @transform_7, window_bounds = array<i64: 1, 128>}, {transform_indices = @transform_8, window_bounds = array<i64: 80, 64>}, {transform_indices = @transform_9, window_bounds = array<i64: 80, 64>}, {transform_indices = @transform_10, window_bounds = array<i64: 80, 1>}]} {
    %get3A = arith.constant 0 : index
    %get3A_0 = arith.constant 0 : index
    %get3A_1 = vector.load %arg4[%get3A, %get3A_0] : memref<80x8xf32, #tpu.memory_space<vmem>>, vector<80x8xf32>
    %slice3A = vector.extract_strided_slice %get3A_1 {offsets = [0, 0], sizes = [80, 1], strides = [1, 1]} : vector<80x8xf32> to vector<80x1xf32>
    %get3A_2 = arith.constant 0 : index
    %get3A_3 = arith.constant 0 : index
    %get3A_4 = vector.load %arg5[%get3A_2, %get3A_3] : memref<80x8xf32, #tpu.memory_space<vmem>>, vector<80x8xf32>
    %slice3A_5 = vector.extract_strided_slice %get3A_4 {offsets = [0, 0], sizes = [80, 1], strides = [1, 1]} : vector<80x8xf32> to vector<80x1xf32>
    %add3A = arith.addf %slice3A, %slice3A_5 : vector<80x1xf32>
    %mul3A = arith.constant 5.000000e-01 : f32
    %mul3A_6 = vector.broadcast %mul3A : f32 to vector<80x1xf32>
    %mul3A_7 = arith.mulf %mul3A_6, %add3A : vector<80x1xf32>
    %max3A = arith.constant 1.000000e+00 : f32
    %max3A_8 = vector.broadcast %max3A : f32 to vector<80x1xf32>
    %max3A_9 = arith.maximumf %mul3A_7, %max3A_8 : vector<80x1xf32>
    %div3A = arith.constant 1.000000e+00 : f32
    %div3A_10 = vector.broadcast %div3A : f32 to vector<80x1xf32>
    %div3A_11 = arith.divf %div3A_10, %max3A_9 : vector<80x1xf32>
    %get3A_12 = arith.constant 0 : index
    %get3A_13 = arith.constant 0 : index
    %get3A_14 = vector.load %arg2[%get3A_12, %get3A_13] : memref<80x64xf32, #tpu.memory_space<vmem>>, vector<80x64xf32>
    %get3A_15 = arith.constant 0 : index
    %get3A_16 = arith.constant 0 : index
    %get3A_17 = vector.load %arg3[%get3A_15, %get3A_16] : memref<80x64xf32, #tpu.memory_space<vmem>>, vector<80x64xf32>
    %concatenate3A = tpu.concatenate %get3A_14, %get3A_17 in 1 : vector<80x64xf32>, vector<80x64xf32> -> vector<80x128xf32>
    %mul3A_18 = vector.broadcast %div3A_11 : vector<80x1xf32> to vector<80x128xf32>
    %mul3A_19 = arith.mulf %concatenate3A, %mul3A_18 : vector<80x128xf32>
    %get3A_20 = arith.constant 0 : index
    %get3A_21 = arith.constant 0 : index
    %get3A_22 = vector.load %arg1[%get3A_20, %get3A_21] : memref<80x128xf32, #tpu.memory_space<vmem>>, vector<80x128xf32>
    %get3A_23 = arith.constant 0 : index
    %get3A_24 = arith.constant 0 : index
    %get3A_25 = vector.load %arg6[%get3A_23, %get3A_24] : memref<128x128xf32, #tpu.memory_space<vmem>>, vector<128x128xf32>
    %dot_general3A = arith.constant dense<0.000000e+00> : vector<80x128xf32>
    %dot_general3A_26 = tpu.matmul %get3A_22, %get3A_25, %dot_general3A {dimension_numbers = #tpu.dot_dimension_numbers<[1], [0], [0], [1], [0, 0, 1, 1], [], []>, transpose_lhs_hint = false} : vector<80x128xf32>, vector<128x128xf32>, vector<80x128xf32> -> vector<80x128xf32>
    %get3A_27 = arith.constant 0 : index
    %get3A_28 = arith.constant 0 : index
    %get3A_29 = vector.load %arg7[%get3A_27, %get3A_28] : memref<128x128xf32, #tpu.memory_space<vmem>>, vector<128x128xf32>
    %dot_general3A_30 = arith.constant dense<0.000000e+00> : vector<80x128xf32>
    %dot_general3A_31 = tpu.matmul %mul3A_19, %get3A_29, %dot_general3A_30 {dimension_numbers = #tpu.dot_dimension_numbers<[1], [0], [0], [1], [0, 0, 1, 1], [], []>, transpose_lhs_hint = false} : vector<80x128xf32>, vector<128x128xf32>, vector<80x128xf32> -> vector<80x128xf32>
    %add3A_32 = arith.addf %dot_general3A_26, %dot_general3A_31 : vector<80x128xf32>
    %get3A_33 = arith.constant 0 : index
    %get3A_34 = arith.constant 0 : index
    %get3A_35 = vector.load %arg8[%get3A_33, %get3A_34] : memref<1x128xf32, #tpu.memory_space<vmem>>, vector<1x128xf32>
    %add3A_36 = vector.broadcast %get3A_35 : vector<1x128xf32> to vector<80x128xf32>
    %add3A_37 = arith.addf %add3A_32, %add3A_36 : vector<80x128xf32>
    %max3A_38 = arith.constant 0.000000e+00 : f32
    %max3A_39 = vector.broadcast %max3A_38 : f32 to vector<80x128xf32>
    %max3A_40 = arith.maximumf %add3A_37, %max3A_39 : vector<80x128xf32>
    %slice3A_41 = vector.extract_strided_slice %max3A_40 {offsets = [0, 0], sizes = [80, 64], strides = [1, 1]} : vector<80x128xf32> to vector<80x64xf32>
    %swap3A = arith.constant 0 : index
    %swap3A_42 = arith.constant 0 : index
    %swap3A_43 = vector.load %arg9[%swap3A, %swap3A_42] : memref<80x64xf32, #tpu.memory_space<vmem>>, vector<80x64xf32>
    tpu.vector_store %arg9[%swap3A, %swap3A_42], %slice3A_41 {strides = array<i32>} : memref<80x64xf32, #tpu.memory_space<vmem>>, vector<80x64xf32>,
    %slice3A_44 = vector.extract_strided_slice %max3A_40 {offsets = [0, 64], sizes = [80, 64], strides = [1, 1]} : vector<80x128xf32> to vector<80x64xf32>
    %swap3A_45 = arith.constant 0 : index
    %swap3A_46 = arith.constant 0 : index
    %swap3A_47 = vector.load %arg10[%swap3A_45, %swap3A_46] : memref<80x64xf32, #tpu.memory_space<vmem>>, vector<80x64xf32>
    tpu.vector_store %arg10[%swap3A_45, %swap3A_46], %slice3A_44 {strides = array<i32>} : memref<80x64xf32, #tpu.memory_space<vmem>>, vector<80x64xf32>,
    %swap3A_48 = arith.constant 0 : index
    %swap3A_49 = arith.constant 0 : index
    %swap3A_50 = vector.load %arg11[%swap3A_48, %swap3A_49] : memref<80x1xf32, #tpu.memory_space<vmem>>, vector<80x1xf32>
    tpu.vector_store %arg11[%swap3A_48, %swap3A_49], %div3A_11 {strides = array<i32>} : memref<80x1xf32, #tpu.memory_space<vmem>>, vector<80x1xf32>,
    return
  }
  func.func @transform_0(%arg0: i32) -> (i32, i32) {
    %c0_i32 = arith.constant 0 : i32
    %c0_i32_0 = arith.constant 0 : i32
    return %arg0, %c0_i32 : i32, i32
  }
  func.func @transform_1(%arg0: i32) -> (i32, i32) {
    %c0_i32 = arith.constant 0 : i32
    %c0_i32_0 = arith.constant 0 : i32
    return %arg0, %c0_i32 : i32, i32
  }
  func.func @transform_2(%arg0: i32) -> (i32, i32) {
    %add3A = arith.constant 128 : i32
    %add3A_0 = arith.addi %arg0, %add3A : i32
    %c0_i32 = arith.constant 0 : i32
    %c0_i32_1 = arith.constant 0 : i32
    return %add3A_0, %c0_i32 : i32, i32
  }
  func.func @transform_3(%arg0: i32) -> (i32, i32) {
    %c0_i32 = arith.constant 0 : i32
    %c0_i32_0 = arith.constant 0 : i32
    return %arg0, %c0_i32 : i32, i32
  }
  func.func @transform_4(%arg0: i32) -> (i32, i32) {
    %add3A = arith.constant 128 : i32
    %add3A_0 = arith.addi %arg0, %add3A : i32
    %c0_i32 = arith.constant 0 : i32
    %c0_i32_1 = arith.constant 0 : i32
    return %add3A_0, %c0_i32 : i32, i32
  }
  func.func @transform_5(%arg0: i32) -> (i32, i32) {
    %c0_i32 = arith.constant 0 : i32
    %c0_i32_0 = arith.constant 0 : i32
    %c0_i32_1 = arith.constant 0 : i32
    return %c0_i32, %c0_i32_0 : i32, i32
  }
  func.func @transform_6(%arg0: i32) -> (i32, i32) {
    %c0_i32 = arith.constant 0 : i32
    %c0_i32_0 = arith.constant 0 : i32
    %c0_i32_1 = arith.constant 0 : i32
    return %c0_i32, %c0_i32_0 : i32, i32
  }
  func.func @transform_7(%arg0: i32) -> (i32, i32) {
    %c0_i32 = arith.constant 0 : i32
    %c0_i32_0 = arith.constant 0 : i32
    %c0_i32_1 = arith.constant 0 : i32
    return %c0_i32, %c0_i32_0 : i32, i32
  }
  func.func @transform_8(%arg0: i32) -> (i32, i32) {
    %c0_i32 = arith.constant 0 : i32
    %c0_i32_0 = arith.constant 0 : i32
    return %arg0, %c0_i32 : i32, i32
  }
  func.func @transform_9(%arg0: i32) -> (i32, i32) {
    %c0_i32 = arith.constant 0 : i32
    %c0_i32_0 = arith.constant 0 : i32
    return %arg0, %c0_i32 : i32, i32
  }
  func.func @transform_10(%arg0: i32) -> (i32, i32) {
    %c0_i32 = arith.constant 0 : i32
    %c0_i32_0 = arith.constant 0 : i32
    return %arg0, %c0_i32 : i32, i32
  }
}

module attributes {stable_mosaic.version = 14 : i64} {
  func.func @_layer2_body(%arg0: i32, %arg1: memref<80x64xf32, #tpu.memory_space<vmem>>, %arg2: memref<80x64xf32, #tpu.memory_space<vmem>>, %arg3: memref<80x64xf32, #tpu.memory_space<vmem>>, %arg4: memref<80x64xf32, #tpu.memory_space<vmem>>, %arg5: memref<80x1xf32, #tpu.memory_space<vmem>>, %arg6: memref<128x47xf32, #tpu.memory_space<vmem>>, %arg7: memref<128x47xf32, #tpu.memory_space<vmem>>, %arg8: memref<1x47xf32, #tpu.memory_space<vmem>>, %arg9: memref<80x47xf32, #tpu.memory_space<vmem>>) attributes {dimension_semantics = [#tpu.dimension_semantics<arbitrary>], iteration_bounds = array<i64: 125>, scalar_prefetch = 0 : i64, scratch_operands = 0 : i64, tpu.core_type = #tpu.core_type<tc>, window_params = [{transform_indices = @transform_0, window_bounds = array<i64: 80, 64>}, {transform_indices = @transform_1, window_bounds = array<i64: 80, 64>}, {transform_indices = @transform_2, window_bounds = array<i64: 80, 64>}, {transform_indices = @transform_3, window_bounds = array<i64: 80, 64>}, {transform_indices = @transform_4, window_bounds = array<i64: 80, 1>}, {pipeline_mode = #tpu.pipeline_mode<synchronous>, transform_indices = @transform_5, window_bounds = array<i64: 128, 47>}, {pipeline_mode = #tpu.pipeline_mode<synchronous>, transform_indices = @transform_6, window_bounds = array<i64: 128, 47>}, {pipeline_mode = #tpu.pipeline_mode<synchronous>, transform_indices = @transform_7, window_bounds = array<i64: 1, 47>}, {transform_indices = @transform_8, window_bounds = array<i64: 80, 47>}]} {
    %get3A = arith.constant 0 : index
    %get3A_0 = arith.constant 0 : index
    %get3A_1 = vector.load %arg1[%get3A, %get3A_0] : memref<80x64xf32, #tpu.memory_space<vmem>>, vector<80x64xf32>
    %get3A_2 = arith.constant 0 : index
    %get3A_3 = arith.constant 0 : index
    %get3A_4 = vector.load %arg2[%get3A_2, %get3A_3] : memref<80x64xf32, #tpu.memory_space<vmem>>, vector<80x64xf32>
    %concatenate3A = tpu.concatenate %get3A_1, %get3A_4 in 1 : vector<80x64xf32>, vector<80x64xf32> -> vector<80x128xf32>
    %get3A_5 = arith.constant 0 : index
    %get3A_6 = arith.constant 0 : index
    %get3A_7 = vector.load %arg3[%get3A_5, %get3A_6] : memref<80x64xf32, #tpu.memory_space<vmem>>, vector<80x64xf32>
    %get3A_8 = arith.constant 0 : index
    %get3A_9 = arith.constant 0 : index
    %get3A_10 = vector.load %arg4[%get3A_8, %get3A_9] : memref<80x64xf32, #tpu.memory_space<vmem>>, vector<80x64xf32>
    %concatenate3A_11 = tpu.concatenate %get3A_7, %get3A_10 in 1 : vector<80x64xf32>, vector<80x64xf32> -> vector<80x128xf32>
    %get3A_12 = arith.constant 0 : index
    %get3A_13 = arith.constant 0 : index
    %get3A_14 = vector.load %arg5[%get3A_12, %get3A_13] : memref<80x1xf32, #tpu.memory_space<vmem>>, vector<80x1xf32>
    %mul3A = vector.broadcast %get3A_14 : vector<80x1xf32> to vector<80x128xf32>
    %mul3A_15 = arith.mulf %concatenate3A_11, %mul3A : vector<80x128xf32>
    %get3A_16 = arith.constant 0 : index
    %get3A_17 = arith.constant 0 : index
    %get3A_18 = vector.load %arg6[%get3A_16, %get3A_17] : memref<128x47xf32, #tpu.memory_space<vmem>>, vector<128x47xf32>
    %dot_general3A = arith.constant dense<0.000000e+00> : vector<80x47xf32>
    %dot_general3A_19 = tpu.matmul %concatenate3A, %get3A_18, %dot_general3A {dimension_numbers = #tpu.dot_dimension_numbers<[1], [0], [0], [1], [0, 0, 1, 1], [], []>, transpose_lhs_hint = false} : vector<80x128xf32>, vector<128x47xf32>, vector<80x47xf32> -> vector<80x47xf32>
    %get3A_20 = arith.constant 0 : index
    %get3A_21 = arith.constant 0 : index
    %get3A_22 = vector.load %arg7[%get3A_20, %get3A_21] : memref<128x47xf32, #tpu.memory_space<vmem>>, vector<128x47xf32>
    %dot_general3A_23 = arith.constant dense<0.000000e+00> : vector<80x47xf32>
    %dot_general3A_24 = tpu.matmul %mul3A_15, %get3A_22, %dot_general3A_23 {dimension_numbers = #tpu.dot_dimension_numbers<[1], [0], [0], [1], [0, 0, 1, 1], [], []>, transpose_lhs_hint = false} : vector<80x128xf32>, vector<128x47xf32>, vector<80x47xf32> -> vector<80x47xf32>
    %add3A = arith.addf %dot_general3A_19, %dot_general3A_24 : vector<80x47xf32>
    %get3A_25 = arith.constant 0 : index
    %get3A_26 = arith.constant 0 : index
    %get3A_27 = vector.load %arg8[%get3A_25, %get3A_26] : memref<1x47xf32, #tpu.memory_space<vmem>>, vector<1x47xf32>
    %add3A_28 = vector.broadcast %get3A_27 : vector<1x47xf32> to vector<80x47xf32>
    %add3A_29 = arith.addf %add3A, %add3A_28 : vector<80x47xf32>
    %swap3A = arith.constant 0 : index
    %swap3A_30 = arith.constant 0 : index
    %swap3A_31 = vector.load %arg9[%swap3A, %swap3A_30] : memref<80x47xf32, #tpu.memory_space<vmem>>, vector<80x47xf32>
    tpu.vector_store %arg9[%swap3A, %swap3A_30], %add3A_29 {strides = array<i32>} : memref<80x47xf32, #tpu.memory_space<vmem>>, vector<80x47xf32>,
    return
  }
  func.func @transform_0(%arg0: i32) -> (i32, i32) {
    %c0_i32 = arith.constant 0 : i32
    %c0_i32_0 = arith.constant 0 : i32
    return %arg0, %c0_i32 : i32, i32
  }
  func.func @transform_1(%arg0: i32) -> (i32, i32) {
    %c0_i32 = arith.constant 0 : i32
    %c0_i32_0 = arith.constant 0 : i32
    return %arg0, %c0_i32 : i32, i32
  }
  func.func @transform_2(%arg0: i32) -> (i32, i32) {
    %c0_i32 = arith.constant 0 : i32
    %c0_i32_0 = arith.constant 0 : i32
    return %arg0, %c0_i32 : i32, i32
  }
  func.func @transform_3(%arg0: i32) -> (i32, i32) {
    %add3A = arith.constant 128 : i32
    %add3A_0 = arith.addi %arg0, %add3A : i32
    %c0_i32 = arith.constant 0 : i32
    %c0_i32_1 = arith.constant 0 : i32
    return %add3A_0, %c0_i32 : i32, i32
  }
  func.func @transform_4(%arg0: i32) -> (i32, i32) {
    %c0_i32 = arith.constant 0 : i32
    %c0_i32_0 = arith.constant 0 : i32
    return %arg0, %c0_i32 : i32, i32
  }
  func.func @transform_5(%arg0: i32) -> (i32, i32) {
    %c0_i32 = arith.constant 0 : i32
    %c0_i32_0 = arith.constant 0 : i32
    %c0_i32_1 = arith.constant 0 : i32
    return %c0_i32, %c0_i32_0 : i32, i32
  }
  func.func @transform_6(%arg0: i32) -> (i32, i32) {
    %c0_i32 = arith.constant 0 : i32
    %c0_i32_0 = arith.constant 0 : i32
    %c0_i32_1 = arith.constant 0 : i32
    return %c0_i32, %c0_i32_0 : i32, i32
  }
  func.func @transform_7(%arg0: i32) -> (i32, i32) {
    %c0_i32 = arith.constant 0 : i32
    %c0_i32_0 = arith.constant 0 : i32
    %c0_i32_1 = arith.constant 0 : i32
    return %c0_i32, %c0_i32_0 : i32, i32
  }
  func.func @transform_8(%arg0: i32) -> (i32, i32) {
    %c0_i32 = arith.constant 0 : i32
    %c0_i32_0 = arith.constant 0 : i32
    return %arg0, %c0_i32 : i32, i32
  }
}

</mosaic_0001>

<sc_bundles>
// kernel: kernel.6.cloned.1.call-start
scs
__scs_entry_jumppad:
0x0: {  	(pc) =	sbr.rel $0x88, $3  }
0x1: {  	(tag) =	ssettag $0x0;
	lr =	simm.s32 $0x1  }
0x2: {  	[smem:$0x3F99] =	sst lr;
	_ =	strace $0xD0000000  }
0x3: {  	_ = 	snop  }
0x4: {  	_ = 	snop  }
0x5: {  	_ = 	snop  }
0x6: {  	_ = 	snop  }
0x7: {  	_ = 	snop  }
__scs_overlays_trampoline_lowered:
0x8: {  	[smem:$0x3FA8] =	sst s0  }
0x9: {  	[smem:$0x3FA9] =	sst s1  }
0xa: {  	[smem:$0x3FAA] =	sst s2  }
0xb: {  	[smem:$0x3FAB] =	sst s3  }
0xc: {  	[smem:$0x3FAC] =	sst s4  }
0xd: {  	[smem:$0x3FAD] =	sst s5  }
0xe: {  	[smem:$0x3FAE] =	sst s6  }
0xf: {  	[smem:$0x3FAF] =	sst s7  }
0x10: {  	[smem:$0x3FB0] =	sst s8  }
0x11: {  	[smem:$0x3FB1] =	sst s9;
	s0 =	simm.s32 @!p0 $0x0  }
0x12: {  	s1 =	sld [smem:$0x3F97];
	s0 =	simm.s32 @p0 $0x1  }
0x13: {  	[smem:$0x3FB2] =	sst s0;
	s0 =	simm.s32 @!p1 $0x0  }
0x14: {  	s2 =	sld [smem:$0x3F96];
	s0 =	simm.s32 @p1 $0x1  }
0x15: {  	[smem:$0x3FB3] =	sst s0;
	s0 =	simm.s32 @!p2 $0x0  }
0x16: {  	s3 =	sld [smem:$0x3FDB];
	s0 =	simm.s32 @p2 $0x1  }
0x17: {  	s4 =	simm.s32 $0x1BF5;
	[smem:$0x3FB5] =	sst s0  }
0x18: {  	s0 =	sld [smem:$0x3F98];
	_ =	swait.ge [sflag:s4], $0x0  }
0x19: {  	s7 =	sld [smem:$0x3F99]  }
0x1a: {  	s8 =	sadd.s32 $0xFFFFE003, lr  }
0x1b: {  	s9 =	sadd.s32 $0xFFFFFEF7, lr;
	s5 =	simm.s32 $0xFFFFFFFF;
	p2 =	slt.u32 s8, $0xFFFFF086  }
0x1c: {  	p1 =	slt.u32 s9, $0xF7A;
	s5 =	simm.s32 @!p2 $0x0  }
0x1d: {  	s5 =	simm.s32 @p1 $0x1;
	p0 =	seq.s32 s7, s2  }
0x1e: {  	s7 =	smul.u32 @!p0 $0xF7A, s2;
	p2 =	seq.s32 @!p0 s5, $0x0  }
0x1f: {  	s9 =	smul.u32 $0xF7A, s1;
	s8 =	simm.s32 @!p0 $0x1BF5;
	p2 =	por !p2, p0  }
0x20: {  	[sflag:s8] =	ssyncset.s32 @!p0 $0xFFFFF086;
	s6 =	sadd.s32 @!p0 s3, s7;
	s7 =	simm.s32 @!p0 $0x108  }
0x21: {  	s3 =	sadd.s32 s3, s9;
	s6 =	sadd.s32 @!p0 $0x88, s6;
	s7 =	simm.s32 @p2 $0x1082  }
0x22: {  	[simem:s7], [sflag:s8] =	dma.local @!p0 [hbm:s6], $0xF7A  }
0x23: {  	s9 =	sor.u32 $0xD0000000, s2;
	s6 =	simm.s32 $0x108;
	_ =	swait.ge @!p0 [sflag:s8], $0x0  }
0x24: {  	s3 =	sadd.s32 $0x88, s3;
	s6 =	simm.s32 @!p1 $0x1082;
	[sflag:s4] =	ssyncset.s32 $0xFFFFF086  }
0x25: {  	[simem:s6], [sflag:s4] =	dma.local [hbm:s3], $0xF7A  }
0x26: {  	[smem:$0x3F99] =	sst s1;
	(tag) =	ssettag s2;
	_ =	strace s9  }
0x27: {  	s1 =	sld [smem:$0x3FA9]  }
0x28: {  	s2 =	sld [smem:$0x3FAA]  }
0x29: {  	s4 =	sld [smem:$0x3FAC]  }
0x2a: {  	p0 =	seq.s32 s5, $0x0;
	s5 =	sld [smem:$0x3FAD]  }
0x2b: {  	s6 =	sld [smem:$0x3FAE]  }
0x2c: {  	s7 =	sld [smem:$0x3FAF]  }
0x2d: {  	s3 =	simm.s32 $0x108;
	s8 =	sld [smem:$0x3FB0]  }
0x2e: {  	s3 =	simm.s32 @!p0 $0x1082;
	s9 =	sld [smem:$0x3FB1]  }
0x2f: {  	lr =	sadd.s32 s0, s3;
	s0 =	sld [smem:$0x3FA8]  }
0x30: {  	s3 =	sld [smem:$0x3FAB]  }
0x31: {  	[smem:$0x3FB4] =	sst s10  }
0x32: {  	s10 =	sld [smem:$0x3FB2];
	_ =	sdelay $0x3  }
0x33: {  	p0 =	seq.s32 s10, $0x1;
	s10 =	sld [smem:$0x3FB4];
	_ =	sdelay $0x3  }
0x34: {  	[smem:$0x3FB4] =	sst s10  }
0x35: {  	s10 =	sld [smem:$0x3FB3];
	_ =	sdelay $0x3  }
0x36: {  	p1 =	seq.s32 s10, $0x1;
	s10 =	sld [smem:$0x3FB4];
	_ =	sdelay $0x3  }
0x37: {  	[smem:$0x3FB4] =	sst s10  }
0x38: {  	s10 =	sld [smem:$0x3FB5]  }
0x39: {  	_ = 	snop;
	(pc) =	sbr.ind lr, $3  }
0x3a: {  	_ = 	snop  }
0x3b: {  	_ = 	snop  }
0x3c: {  	p2 =	seq.s32 s10, $0x1;
	s10 =	sld [smem:$0x3FB4]  }
0x3d: {  	_ =	shalt  }
0x3e: {  	_ =	shalt  }
0x3f: {  	_ =	shalt  }
0x40: {  	_ =	shalt  }
0x41: {  	_ =	shalt  }
0x42: {  	_ =	shalt  }
0x43: {  	_ =	shalt  }
0x44: {  	_ =	shalt  }
0x45: {  	_ =	shalt  }
0x46: {  	_ =	shalt  }
0x47: {  	_ =	shalt  }
0x48: {  	_ =	shalt  }
0x49: {  	_ =	shalt  }
0x4a: {  	_ =	shalt  }
0x4b: {  	_ =	shalt  }
0x4c: {  	_ =	shalt  }
0x4d: {  	_ =	shalt  }
0x4e: {  	_ =	shalt  }
0x4f: {  	_ =	shalt  }
0x50: {  	_ =	shalt  }
0x51: {  	_ =	shalt  }
0x52: {  	_ =	shalt  }
0x53: {  	_ =	shalt  }
0x54: {  	_ =	shalt  }
0x55: {  	_ =	shalt  }
0x56: {  	_ =	shalt  }
0x57: {  	_ =	shalt  }
0x58: {  	_ =	shalt  }
0x59: {  	_ =	shalt  }
0x5a: {  	_ =	shalt  }
0x5b: {  	_ =	shalt  }
0x5c: {  	_ =	shalt  }
0x5d: {  	_ =	shalt  }
0x5e: {  	_ =	shalt  }
0x5f: {  	_ =	shalt  }
0x60: {  	_ =	shalt  }
0x61: {  	_ =	shalt  }
0x62: {  	_ =	shalt  }
0x63: {  	_ =	shalt  }
0x64: {  	_ =	shalt  }
0x65: {  	_ =	shalt  }
0x66: {  	_ =	shalt  }
0x67: {  	_ =	shalt  }
0x68: {  	_ =	shalt  }
0x69: {  	_ =	shalt  }
0x6a: {  	_ =	shalt  }
0x6b: {  	_ =	shalt  }
0x6c: {  	_ =	shalt  }
0x6d: {  	_ =	shalt  }
0x6e: {  	_ =	shalt  }
0x6f: {  	_ =	shalt  }
0x70: {  	_ =	shalt  }
0x71: {  	_ =	shalt  }
0x72: {  	_ =	shalt  }
0x73: {  	_ =	shalt  }
0x74: {  	_ =	shalt  }
0x75: {  	_ =	shalt  }
0x76: {  	_ =	shalt  }
0x77: {  	_ =	shalt  }
0x78: {  	_ =	shalt  }
0x79: {  	_ =	shalt  }
0x7a: {  	_ =	shalt  }
0x7b: {  	_ =	shalt  }
0x7c: {  	_ =	shalt  }
0x7d: {  	_ =	shalt  }
0x7e: {  	_ =	shalt  }
0x7f: {  	_ =	shalt  }
0x80: {  	_ =	shalt  }
0x81: {  	_ =	shalt  }
0x82: {  	_ =	shalt  }
0x83: {  	_ =	shalt  }
0x84: {  	_ =	shalt  }
0x85: {  	_ =	shalt  }
0x86: {  	_ =	shalt  }
0x87: {  	_ =	shalt  }
.Lfunc_end0:
.L_simem_size_0:
called_computation_lowered:
.L_overlay_start_0:
0x88: {  	s2 =	sld [smem:$0x3FD9]  }
0x89: {  	s3 =	sld [smem:$0x3FFE];
	_ =	sdelay $0x1  }
0x8a: {  	s1 =	srdreg.scid  }
0x8b: {  	s0 =	sand.u32 $0x1, s1  }
0x8c: {  	s17 =	sshll.u32 s0, $0xA;
	s2 =	sadd.s32 s3, s2  }
0x8d: {  	s2 =	sadd.s32 s2, s17  }
0x8e: {  	[smem:$0x3FC0] =	sst s2  }
0x8f: {  	_ = 	snop  }
0x90: {  	s2 =	sld [smem:$0x3FD0];
	(tm) =	ssettm $0x1  }
0x91: {  	s18 =	sld [smem:$0x3FFB];
	_ =	sdelay $0x3  }
0x92: {  	_ =	strace s18  }
0x93: {  	s3 =	sld [smem:$0x3FFC];
	_ =	sdelay $0x3  }
0x94: {  	_ =	strace s3  }
0x95: {  	s3 =	sld [smem:$0x3FFD];
	_ =	sdelay $0x3  }
0x96: {  	_ =	strace s3  }
0x97: {  	_ =	strace $0x8FFFFFFF  }
0x98: {  	s19 =	sld [smem:$0x3FDB];
	_ =	sdelay $0x1  }
0x99: {  	s4 =	simm.s32 $_scs_section_size  }
0x9a: {  	s5 =	simm.s32 $_size__tile_overlayer_lowered;
	s6 =	simm.s32 $_tile_overlayer_lowered  }
0x9b: {  	s22 =	simm.s32 $0x1BFF;
	s21 =	sshll.u32 s6, $0x1;
	s3 =	sadd.s32 s4, s19  }
0x9c: {  	s7 =	simm.s32 $0x0;
	s20 =	sshll.u32 s5, $0x1;
	s5 =	sadd.s32 s21, s3  }
0x9d: {  	[timem:s7], [sflag:s22] =	dma.local [hbm:s5], s20  }
0x9e: {  	_ =	swait.ge [sflag:s22], s20  }
0x9f: {  	s4 =	ssub.s32 $0x0, s20;
	[sflag:s22] =	ssyncset.done $0x0  }
0xa0: {  	[sflag:s22] =	ssyncadd.s32 s4;
	_ =	sdelay $0x1  }
0xa1: {  	s23 =	simm.s32 $0x1B8B  }
0xa2: {  	_ =	swait.ge [sflag:s23], $0x1  }
0xa3: {  	[sflag:s23] =	ssyncset.done $0x0  }
0xa4: {  	s25 =	simm.s32 $0x1B8E;
	s24 =	sld [smem:$0x3FFE];
	[sflag:s23] =	ssyncadd.s32 $0xFFFFFFFF  }
0xa5: {  	s26 =	simm.s32 $execute0_lowered;
	[smem:$0x3FD2] =	sst s25  }
0xa6: {  	s5 =	sshll.u32 s26, $0x1;
	_ =	strace $0x80000046;
	[dreg:$0x1] =	wrdreg $0xFFFFFFFF  }
0xa7: {  	s28 =	simm.s32 $_size_execute0_lowered;
	s3 =	sadd.s32 s3, s5;
	[dreg:$0x0] =	wrdreg $0x0  }
0xa8: {  	s5 =	sshll.u32 s28, $0x1;
	[dreg:$0x2] =	wrdreg s3  }
0xa9: {  	[dreg:$0x3] =	wrdreg s5  }
0xaa: {  	[dreg:$0x4] =	wrdreg $0xC0  }
0xab: {  	_ =	task [dreg:s7], $0x5FFFF  }
0xac: {  	[dreg:$0x1] =	wrdreg $0xFFFFFFFF  }
0xad: {  	[dreg:$0x0] =	wrdreg $0x60  }
0xae: {  	[dreg:$0x2] =	wrdreg s24  }
0xaf: {  	[dreg:$0x3] =	wrdreg s2  }
0xb0: {  	[dreg:$0x4] =	wrdreg $0x124000  }
0xb1: {  	[dreg:$0x5] =	wrdreg $0x1C4000  }
0xb2: {  	[dreg:$0x6] =	wrdreg $0x9  }
0xb3: {  	_ =	task.clear_ibuf [dreg:s7], $0x7FFFF;
	_ =	strace $0x90000046  }
0xb4: {  	s29 =	simm.s32 $0x9;
	_ =	strace $0x80000048  }
0xb5: {  	_ =	swait.ge [sflag:s29], $0x1  }
0xb6: {  	[sflag:s29] =	ssyncadd.s32 $0xFFFFFFFF  }
0xb7: {  	_ =	strace $0x90000048  }
0xb8: {  	_ =	sfence  }
0xb9: {  	s30 =	sld [smem:$0x0];
	_ =	sdelay $0x2  }
0xba: {  	s31 =	sshll.u32 s1, $0xD;
	s1 =	sshrl.u32 s1, $0x2  }
0xbb: {  	s3 =	sand.u32 $0x4000, s31;
	s1 =	sadd.s32 s1, s30  }
0xbc: {  	s0 =	sor.u32 s3, s0;
	s1 =	sshll.u32 s1, $0x11  }
0xbd: {  	s0 =	sor.u32 s1, s0  }
0xbe: {  	s0 =	sadd.s32 $0x8F2B, s0  }
0xbf: {  	[sflag:s0] =	ssyncadd.remote.s32 $0x1  }
0xc0: {  	_ =	sfence.sel $0xFFFF  }
0xc1: {  	[dreg:$0x0] =	wrdreg $0xFFFFFFFF;
	(pc) =	sbr.abs _section_cstart, $3  }
0xc2: {  	[dreg:$0x1] =	wrdreg $0xFFFFFFFF  }
0xc3: {  	_ =	task.clear_ibuf [dreg:s7], $0x2FFFF;
	_ =	strace $0x9FFFFFFF  }
0xc4: {  	(tm) =	ssettm $0x7FFFFFFF  }
0xc5: {  	_ =	shalt  }
tec
execute0_lowered:
.L_overlay_start_1:
0x0: {  	(tag) =	ssettag $0x1  }
0x1: {  	s0 =	rddreg [dreg:$0x0]  }
0x2: {  	s1 =	rddreg [dreg:$0x1]  }
0x3: {  	s2 =	rddreg [dreg:$0x2]  }
0x4: {  	s3 =	rddreg [dreg:$0x3];
	s14 =	stileid.u32;
	s4 =	simm.s32 $0x0  }
0x5: {  	s6 =	srdreg.scid;
	s16 =	simm.s32 $0xD;
	s28 =	simm.s32 $0x1  }
0x6: {  	s29 =	simm.s32 $0x2;
	s31 =	simm.s32 $0x3;
	s5 =	smul.u32 $0xA00, s14  }
0x7: {  	[smem:$0x7FF] =	sst s4;
	s6 =	sand.u32 $0x1, s6;
	s7 =	smul.u32 $0x280, s14  }
0x8: {  	s10 =	sadd.s32 $0x32C00, s0;
	s17 =	sadd.s32 $0x34000, s0;
	s18 =	sadd.s32 $0x34400, s0  }
0x9: {  	s20 =	smul.u32 $0x28000, s14;
	_ =	strace $0x80000047;
	[dreg:$0x5] =	wrdreg s10  }
0xa: {  	s13 =	smul.u32 $0x5000, s14;
	s22 =	sshll.u32 s14, $0x6;
	[dreg:$0x6] =	wrdreg s17  }
0xb: {  	s8 =	smul.u32 $0x2800, s6;
	[dreg:$0x7] =	wrdreg s18;
	s19 =	ssub.s32 $0x2, s6  }
0xc: {  	p0 =	seq.s32 s6, $0x0;
	s18 =	simm.s32 $0xA000;
	s6 =	simm.s32 $0x7  }
0xd: {  	s10 =	simm.s32 $0xA;
	s9 =	sadd.s32 s5, s0;
	s12 =	sshrl.u32 s19, $0x1  }
0xe: {  	s21 =	sshrl.u32 s20, $0x2;
	s13 =	sshrl.u32 s13, $0x2;
	s1 =	sadd.s32 s1, s5  }
0xf: {  	s20 =	simm.s32 $0x80;
	s5 =	simm.s32 $0x6;
	s7 =	sadd.s32 s7, s8  }
0x10: {  	s12 =	ssub.s32 s19, s12;
	s15 =	sadd.s32 s21, s2;
	s8 =	sor.u32 $0x1C0D, s22  }
0x11: {  	s23 =	sadd.s32 s13, s3;
	[dreg:$0x8] =	wrdreg s1;
	s1 =	simm.s32 $0x15200  }
0x12: {  	s24 =	sadd.s32 $0x28C00, s9;
	s19 =	simm.s32 $0x5000;
	s21 =	simm.s32 $0xA400  }
0x13: {  	s22 =	simm.s32 $0xC400;
	s9 =	simm.s32 $0x9;
	s13 =	simm.s32 $0x0  }
0x14: {  	s11 =	sshll.u32 s7, $0x3;
	s7 =	sadd.s32 s7, s0;
	[dreg:$0x9] =	wrdreg s24  }
0x15: {  	s1 =	simm.s32 @!p0 $0x1800;
	s30 =	smax.u32 s12, $0x1;
	s15 =	sshrl.u32 s15, $0x3  }
0x16: {  	s17 =	sshrl.u32 s23, $0x3;
	s24 =	simm.s32 $0xE400;
	s12 =	simm.s32 $0xC  }
0x17: {  	s11 =	sadd.s32 s11, s0;
	s26 =	sadd.s32 $0x34600, s7;
	[dreg:$0xc] =	wrdreg s30  }
0x18: {  	s14 =	sadd.s32 s1, s0;
	s1 =	simm.s32 $0x4;
	s7 =	simm.s32 $0x8  }
0x19: {  	s25 =	sadd.s32 $0x39600, s11;
	[dreg:$0xb] =	wrdreg s26;
	s26 =	simm.s32 $0x10400  }
0x1a: {  	s11 =	simm.s32 $0xB;
	[dreg:$0xa] =	wrdreg s25;
	s25 =	simm.s32 $0x5  }
.LBB2_1:
0x1b: {  	s0 =	rddreg [dreg:$0x5]  }
0x1c: {  	[spmem:s15], [sflag:s8] =	dma.local [hbm:s0], $0x1400  }
0x1d: {  	_ =	swait.ge [sflag:s16], $0x1400  }
0x1e: {  	[sflag:s16] =	ssyncset.done $0x0  }
0x1f: {  	s23 =	rddreg [dreg:$0x6];
	[sflag:s16] =	ssyncadd.s32 $0xFFFFEC00  }
0x20: {  	[spmem:s17], [sflag:s8] =	dma.local [hbm:s23], $0x280  }
0x21: {  	_ =	swait.ge [sflag:s16], $0x280  }
0x22: {  	[sflag:s16] =	ssyncset.done $0x0  }
0x23: {  	s23 =	rddreg [dreg:$0x7];
	[sflag:s16] =	ssyncadd.s32 $0xFFFFFD80  }
0x24: {  	[tilespmem:s18], [sflag:$0xD] =	stream.linear.gather [hbm4b:s23+s4], $0x400, $0x38;
	[tilespmem:$0x1D800] =	vst v63  }
0x25: {  	_ =	swait.ge [sflag:s16], $0x400  }
0x26: {  	[sflag:s16] =	ssyncset.done $0x0  }
0x27: {  	s23 =	rddreg [dreg:$0x8];
	[sflag:s16] =	ssyncadd.s32 $0xFFFFFC00  }
0x28: {  	[tilespmem:s4], [sflag:$0xD] =	stream.linear.gather [hbm4b:s23+s4], $0x5000, $0x38;
	[tilespmem:$0x1D800] =	vst v63  }
0x29: {  	_ =	swait.ge [sflag:s16], $0x5000  }
0x2a: {  	[sflag:s16] =	ssyncset.done $0x0  }
0x2b: {  	s23 =	rddreg [dreg:$0x9];
	[sflag:s16] =	ssyncadd.s32 $0xFFFFB000  }
0x2c: {  	[tilespmem:s19], [sflag:$0xD] =	stream.linear.gather [hbm4b:s23+s4], $0x5000, $0x38;
	[tilespmem:$0x1D800] =	vst v63  }
0x2d: {  	_ =	swait.ge [sflag:s16], $0x5000  }
0x2e: {  	[sflag:s16] =	ssyncset.done $0x0  }
0x2f: {  	[sflag:s16] =	ssyncadd.s32 $0xFFFFB000  }
0x30: {  	[bflag:$0x0] =	sbarrier.arrive $0xFFFF  }
0x31: {  	[tilespmem:s21], [sflag:$0x1] =	stream.indirect.gather [hbm4b:s14+s20], $0x40, s4, s20, $0xb8;
	[tilespmem:$0x1D800] =	vst v63  }
0x32: {  	_ = 	snop  }
0x33: {  	[tilespmem:s22], [sflag:$0x2] =	stream.indirect.gather [hbm4b:s14+s20], $0x40, s20, s20, $0xb8;
	[tilespmem:$0x1D800] =	vst v63  }
0x34: {  	s23 =	simm.s32 $0x100  }
0x35: {  	[tilespmem:s24], [sflag:$0x3] =	stream.indirect.gather [hbm4b:s14+s20], $0x40, s23, s20, $0xb8;
	[tilespmem:$0x1D800] =	vst v63  }
0x36: {  	s23 =	simm.s32 $0x180  }
0x37: {  	[tilespmem:s26], [sflag:$0x4] =	stream.indirect.gather [hbm4b:s14+s20], $0x40, s23, s20, $0xb8;
	[tilespmem:$0x1D800] =	vst v63  }
0x38: {  	_ =	swait.ge [sflag:s28], $0x2000  }
0x39: {  	[sflag:s28] =	ssyncset.done $0x0  }
0x3a: {  	[sflag:s28] =	ssyncadd.s32 $0xFFFFE000  }
0x3b: {  	[spmem:s2] =	stream.indirect.scatter.add.f32 [tilespmem:s21], [sflag:$0x5], $0x40, s19, s20, $0xb8;
	[tilespmem:$0x1D800] =	vst v63  }
0x3c: {  	_ = 	snop  }
0x3d: {  	[spmem:s3] =	stream.indirect.scatter.add.f32 [tilespmem:s18], [sflag:$0x9], $0x8, s19, s20, $0xb8;
	[tilespmem:$0x1D800] =	vst v63  }
0x3e: {  	_ =	swait.ge [sflag:s29], $0x2000  }
0x3f: {  	[sflag:s29] =	ssyncset.done $0x0  }
0x40: {  	s23 =	simm.s32 $0x5080;
	[sflag:s29] =	ssyncadd.s32 $0xFFFFE000  }
0x41: {  	[spmem:s2] =	stream.indirect.scatter.add.f32 [tilespmem:s22], [sflag:$0x6], $0x40, s23, s20, $0xb8;
	[tilespmem:$0x1D800] =	vst v63  }
0x42: {  	_ = 	snop  }
0x43: {  	[spmem:s3] =	stream.indirect.scatter.add.f32 [tilespmem:s18], [sflag:$0xA], $0x8, s23, s20, $0xb8;
	[tilespmem:$0x1D800] =	vst v63  }
0x44: {  	_ =	swait.ge [sflag:s31], $0x2000  }
0x45: {  	[sflag:s31] =	ssyncset.done $0x0  }
0x46: {  	s23 =	simm.s32 $0x5100;
	[sflag:s31] =	ssyncadd.s32 $0xFFFFE000  }
0x47: {  	[spmem:s2] =	stream.indirect.scatter.add.f32 [tilespmem:s24], [sflag:$0x7], $0x40, s23, s20, $0xb8;
	[tilespmem:$0x1D800] =	vst v63  }
0x48: {  	_ = 	snop  }
0x49: {  	[spmem:s3] =	stream.indirect.scatter.add.f32 [tilespmem:s18], [sflag:$0xB], $0x8, s23, s20, $0xb8;
	[tilespmem:$0x1D800] =	vst v63  }
0x4a: {  	_ =	swait.ge [sflag:s1], $0x2000  }
0x4b: {  	[sflag:s1] =	ssyncset.done $0x0  }
0x4c: {  	s23 =	simm.s32 $0x5180;
	[sflag:s1] =	ssyncadd.s32 $0xFFFFE000  }
0x4d: {  	[spmem:s2] =	stream.indirect.scatter.add.f32 [tilespmem:s26], [sflag:$0x8], $0x40, s23, s20, $0xb8;
	[tilespmem:$0x1D800] =	vst v63  }
0x4e: {  	_ = 	snop  }
0x4f: {  	[spmem:s3] =	stream.indirect.scatter.add.f32 [tilespmem:s18], [sflag:$0xC], $0x8, s23, s20, $0xb8;
	[tilespmem:$0x1D800] =	vst v63  }
0x50: {  	_ =	swait.ge [sflag:s25], $0x2000  }
0x51: {  	[sflag:s25] =	ssyncset.done $0x0  }
0x52: {  	s23 =	simm.s32 $0x200;
	[sflag:s25] =	ssyncadd.s32 $0xFFFFE000  }
0x53: {  	[tilespmem:s21], [sflag:$0x1] =	stream.indirect.gather [hbm4b:s14+s20], $0x40, s23, s20, $0xb8;
	[tilespmem:$0x1D800] =	vst v63  }
0x54: {  	_ =	swait.ge [sflag:s5], $0x2000  }
0x55: {  	[sflag:s5] =	ssyncset.done $0x0  }
0x56: {  	s23 =	simm.s32 $0x280;
	[sflag:s5] =	ssyncadd.s32 $0xFFFFE000  }
0x57: {  	[tilespmem:s22], [sflag:$0x2] =	stream.indirect.gather [hbm4b:s14+s20], $0x40, s23, s20, $0xb8;
	[tilespmem:$0x1D800] =	vst v63  }
0x58: {  	_ =	swait.ge [sflag:s6], $0x2000  }
0x59: {  	[sflag:s6] =	ssyncset.done $0x0  }
0x5a: {  	s23 =	simm.s32 $0x300;
	[sflag:s6] =	ssyncadd.s32 $0xFFFFE000  }
0x5b: {  	[tilespmem:s24], [sflag:$0x3] =	stream.indirect.gather [hbm4b:s14+s20], $0x40, s23, s20, $0xb8;
	[tilespmem:$0x1D800] =	vst v63  }
0x5c: {  	_ =	swait.ge [sflag:s7], $0x2000  }
0x5d: {  	[sflag:s7] =	ssyncset.done $0x0  }
0x5e: {  	s23 =	simm.s32 $0x380;
	[sflag:s7] =	ssyncadd.s32 $0xFFFFE000  }
0x5f: {  	[tilespmem:s26], [sflag:$0x4] =	stream.indirect.gather [hbm4b:s14+s20], $0x40, s23, s20, $0xb8;
	[tilespmem:$0x1D800] =	vst v63  }
0x60: {  	_ =	swait.ge [sflag:s28], $0x2000  }
0x61: {  	[sflag:s28] =	ssyncset.done $0x0  }
0x62: {  	s23 =	simm.s32 $0x5200;
	[sflag:s28] =	ssyncadd.s32 $0xFFFFE000  }
0x63: {  	[spmem:s2] =	stream.indirect.scatter.add.f32 [tilespmem:s21], [sflag:$0x5], $0x40, s23, s20, $0xb8;
	[tilespmem:$0x1D800] =	vst v63  }
0x64: {  	_ =	swait.ge [sflag:s9], $0x400  }
0x65: {  	[sflag:s9] =	ssyncset.done $0x0  }
0x66: {  	[sflag:s9] =	ssyncadd.s32 $0xFFFFFC00  }
0x67: {  	[spmem:s3] =	stream.indirect.scatter.add.f32 [tilespmem:s18], [sflag:$0x9], $0x8, s23, s20, $0xb8;
	[tilespmem:$0x1D800] =	vst v63  }
0x68: {  	_ =	swait.ge [sflag:s29], $0x2000  }
0x69: {  	[sflag:s29] =	ssyncset.done $0x0  }
0x6a: {  	s23 =	simm.s32 $0x5280;
	[sflag:s29] =	ssyncadd.s32 $0xFFFFE000  }
0x6b: {  	[spmem:s2] =	stream.indirect.scatter.add.f32 [tilespmem:s22], [sflag:$0x6], $0x40, s23, s20, $0xb8;
	[tilespmem:$0x1D800] =	vst v63  }
0x6c: {  	_ =	swait.ge [sflag:s10], $0x400  }
0x6d: {  	[sflag:s10] =	ssyncset.done $0x0  }
0x6e: {  	[sflag:s10] =	ssyncadd.s32 $0xFFFFFC00  }
0x6f: {  	[spmem:s3] =	stream.indirect.scatter.add.f32 [tilespmem:s18], [sflag:$0xA], $0x8, s23, s20, $0xb8;
	[tilespmem:$0x1D800] =	vst v63  }
0x70: {  	_ =	swait.ge [sflag:s31], $0x2000  }
0x71: {  	[sflag:s31] =	ssyncset.done $0x0  }
0x72: {  	s23 =	simm.s32 $0x5300;
	[sflag:s31] =	ssyncadd.s32 $0xFFFFE000  }
0x73: {  	[spmem:s2] =	stream.indirect.scatter.add.f32 [tilespmem:s24], [sflag:$0x7], $0x40, s23, s20, $0xb8;
	[tilespmem:$0x1D800] =	vst v63  }
0x74: {  	_ =	swait.ge [sflag:s11], $0x400  }
0x75: {  	[sflag:s11] =	ssyncset.done $0x0  }
0x76: {  	[sflag:s11] =	ssyncadd.s32 $0xFFFFFC00  }
0x77: {  	[spmem:s3] =	stream.indirect.scatter.add.f32 [tilespmem:s18], [sflag:$0xB], $0x8, s23, s20, $0xb8;
	[tilespmem:$0x1D800] =	vst v63  }
0x78: {  	_ =	swait.ge [sflag:s1], $0x2000  }
0x79: {  	[sflag:s1] =	ssyncset.done $0x0  }
0x7a: {  	s23 =	simm.s32 $0x5380;
	[sflag:s1] =	ssyncadd.s32 $0xFFFFE000  }
0x7b: {  	[spmem:s2] =	stream.indirect.scatter.add.f32 [tilespmem:s26], [sflag:$0x8], $0x40, s23, s20, $0xb8;
	[tilespmem:$0x1D800] =	vst v63  }
0x7c: {  	_ =	swait.ge [sflag:s12], $0x400  }
0x7d: {  	[sflag:s12] =	ssyncset.done $0x0  }
0x7e: {  	[sflag:s12] =	ssyncadd.s32 $0xFFFFFC00  }
0x7f: {  	[spmem:s3] =	stream.indirect.scatter.add.f32 [tilespmem:s18], [sflag:$0xC], $0x8, s23, s20, $0xb8;
	[tilespmem:$0x1D800] =	vst v63  }
0x80: {  	_ =	swait.ge [sflag:s25], $0x2000  }
0x81: {  	[sflag:s25] =	ssyncset.done $0x0  }
0x82: {  	s23 =	simm.s32 $0x400;
	[sflag:s25] =	ssyncadd.s32 $0xFFFFE000  }
0x83: {  	[tilespmem:s21], [sflag:$0x1] =	stream.indirect.gather [hbm4b:s14+s20], $0x40, s23, s20, $0xb8;
	[tilespmem:$0x1D800] =	vst v63  }
0x84: {  	_ =	swait.ge [sflag:s5], $0x2000  }
0x85: {  	[sflag:s5] =	ssyncset.done $0x0  }
0x86: {  	s23 =	simm.s32 $0x480;
	[sflag:s5] =	ssyncadd.s32 $0xFFFFE000  }
0x87: {  	[tilespmem:s22], [sflag:$0x2] =	stream.indirect.gather [hbm4b:s14+s20], $0x40, s23, s20, $0xb8;
	[tilespmem:$0x1D800] =	vst v63  }
0x88: {  	_ =	swait.ge [sflag:s6], $0x2000  }
0x89: {  	[sflag:s6] =	ssyncset.done $0x0  }
0x8a: {  	s23 =	simm.s32 $0x500;
	[sflag:s6] =	ssyncadd.s32 $0xFFFFE000  }
0x8b: {  	[tilespmem:s24], [sflag:$0x3] =	stream.indirect.gather [hbm4b:s14+s20], $0x40, s23, s20, $0xb8;
	[tilespmem:$0x1D800] =	vst v63  }
0x8c: {  	_ =	swait.ge [sflag:s7], $0x2000  }
0x8d: {  	[sflag:s7] =	ssyncset.done $0x0  }
0x8e: {  	s30 =	simm.s32 $0x800;
	s0 =	simm.s32 $0x580;
	[sflag:s7] =	ssyncadd.s32 $0xFFFFE000  }
.LBB2_2:
0x8f: {  	[tilespmem:s26], [sflag:$0x4] =	stream.indirect.gather [hbm4b:s14+s20], $0x40, s0, s20, $0xb8;
	[tilespmem:$0x1D800] =	vst v63  }
0x90: {  	s0 =	smov.u32 s30  }
0x91: {  	p0 =	sne.s32 s30, $0x12800;
	s30 =	sadd.s32 $0x800, s30;
	_ =	swait.ge [sflag:s28], $0x2000  }
0x92: {  	s0 =	sshra.s32 s0, $0x2;
	[sflag:s28] =	ssyncset.done $0x0  }
0x93: {  	s23 =	sadd.s32 $0x5200, s0;
	[sflag:s28] =	ssyncadd.s32 $0xFFFFE000  }
0x94: {  	[spmem:s2] =	stream.indirect.scatter.add.f32 [tilespmem:s21], [sflag:$0x5], $0x40, s23, s20, $0xb8;
	[tilespmem:$0x1D800] =	vst v63  }
0x95: {  	_ =	swait.ge [sflag:s9], $0x400  }
0x96: {  	[sflag:s9] =	ssyncset.done $0x0  }
0x97: {  	[sflag:s9] =	ssyncadd.s32 $0xFFFFFC00  }
0x98: {  	[spmem:s3] =	stream.indirect.scatter.add.f32 [tilespmem:s18], [sflag:$0x9], $0x8, s23, s20, $0xb8;
	[tilespmem:$0x1D800] =	vst v63  }
0x99: {  	_ =	swait.ge [sflag:s29], $0x2000  }
0x9a: {  	[sflag:s29] =	ssyncset.done $0x0  }
0x9b: {  	s23 =	sadd.s32 $0x5280, s0;
	[sflag:s29] =	ssyncadd.s32 $0xFFFFE000  }
0x9c: {  	[spmem:s2] =	stream.indirect.scatter.add.f32 [tilespmem:s22], [sflag:$0x6], $0x40, s23, s20, $0xb8;
	[tilespmem:$0x1D800] =	vst v63  }
0x9d: {  	_ =	swait.ge [sflag:s10], $0x400  }
0x9e: {  	[sflag:s10] =	ssyncset.done $0x0  }
0x9f: {  	[sflag:s10] =	ssyncadd.s32 $0xFFFFFC00  }
0xa0: {  	[spmem:s3] =	stream.indirect.scatter.add.f32 [tilespmem:s18], [sflag:$0xA], $0x8, s23, s20, $0xb8;
	[tilespmem:$0x1D800] =	vst v63  }
0xa1: {  	_ =	swait.ge [sflag:s31], $0x2000  }
0xa2: {  	[sflag:s31] =	ssyncset.done $0x0  }
0xa3: {  	s23 =	sadd.s32 $0x5300, s0;
	[sflag:s31] =	ssyncadd.s32 $0xFFFFE000  }
0xa4: {  	[spmem:s2] =	stream.indirect.scatter.add.f32 [tilespmem:s24], [sflag:$0x7], $0x40, s23, s20, $0xb8;
	[tilespmem:$0x1D800] =	vst v63  }
0xa5: {  	_ =	swait.ge [sflag:s11], $0x400  }
0xa6: {  	[sflag:s11] =	ssyncset.done $0x0  }
0xa7: {  	[sflag:s11] =	ssyncadd.s32 $0xFFFFFC00  }
0xa8: {  	[spmem:s3] =	stream.indirect.scatter.add.f32 [tilespmem:s18], [sflag:$0xB], $0x8, s23, s20, $0xb8;
	[tilespmem:$0x1D800] =	vst v63  }
0xa9: {  	_ =	swait.ge [sflag:s1], $0x2000  }
0xaa: {  	[sflag:s1] =	ssyncset.done $0x0  }
0xab: {  	s23 =	sadd.s32 $0x5380, s0;
	[sflag:s1] =	ssyncadd.s32 $0xFFFFE000  }
0xac: {  	[spmem:s2] =	stream.indirect.scatter.add.f32 [tilespmem:s26], [sflag:$0x8], $0x40, s23, s20, $0xb8;
	[tilespmem:$0x1D800] =	vst v63  }
0xad: {  	_ =	swait.ge [sflag:s12], $0x400  }
0xae: {  	[sflag:s12] =	ssyncset.done $0x0  }
0xaf: {  	[sflag:s12] =	ssyncadd.s32 $0xFFFFFC00  }
0xb0: {  	[spmem:s3] =	stream.indirect.scatter.add.f32 [tilespmem:s18], [sflag:$0xC], $0x8, s23, s20, $0xb8;
	[tilespmem:$0x1D800] =	vst v63  }
0xb1: {  	_ =	swait.ge [sflag:s25], $0x2000  }
0xb2: {  	[sflag:s25] =	ssyncset.done $0x0  }
0xb3: {  	s23 =	sadd.s32 $0x400, s0;
	[sflag:s25] =	ssyncadd.s32 $0xFFFFE000  }
0xb4: {  	[tilespmem:s21], [sflag:$0x1] =	stream.indirect.gather [hbm4b:s14+s20], $0x40, s23, s20, $0xb8;
	[tilespmem:$0x1D800] =	vst v63  }
0xb5: {  	_ =	swait.ge [sflag:s5], $0x2000  }
0xb6: {  	[sflag:s5] =	ssyncset.done $0x0  }
0xb7: {  	s23 =	sadd.s32 $0x480, s0;
	[sflag:s5] =	ssyncadd.s32 $0xFFFFE000  }
0xb8: {  	[tilespmem:s22], [sflag:$0x2] =	stream.indirect.gather [hbm4b:s14+s20], $0x40, s23, s20, $0xb8;
	[tilespmem:$0x1D800] =	vst v63  }
0xb9: {  	_ =	swait.ge [sflag:s6], $0x2000  }
0xba: {  	[sflag:s6] =	ssyncset.done $0x0  }
.Ltmp0:
0xbb: {  	s23 =	sadd.s32 $0x500, s0;
	[sflag:s6] =	ssyncadd.s32 $0xFFFFE000;
	(pc) =	sbr.rel @p0 .LBB2_2-.Ltmp0, $4  }
0xbc: {  	[tilespmem:s24], [sflag:$0x3] =	stream.indirect.gather [hbm4b:s14+s20], $0x40, s23, s20, $0xb8;
	[tilespmem:$0x1D800] =	vst v63  }
0xbd: {  	_ =	swait.ge [sflag:s7], $0x2000  }
0xbe: {  	[sflag:s7] =	ssyncset.done $0x0  }
0xbf: {  	s0 =	sadd.s32 $0x580, s0;
	[sflag:s7] =	ssyncadd.s32 $0xFFFFE000  }
0xc0: {  	[tilespmem:s26], [sflag:$0x4] =	stream.indirect.gather [hbm4b:s14+s20], $0x40, s0, s20, $0xb8;
	[tilespmem:$0x1D800] =	vst v63  }
0xc1: {  	_ =	swait.ge [sflag:s28], $0x2000  }
0xc2: {  	[sflag:s28] =	ssyncset.done $0x0  }
0xc3: {  	s30 =	simm.s32 $0x9E00;
	[sflag:s28] =	ssyncadd.s32 $0xFFFFE000  }
0xc4: {  	[spmem:s2] =	stream.indirect.scatter.add.f32 [tilespmem:s21], [sflag:$0x5], $0x40, s30, s20, $0xb8;
	[tilespmem:$0x1D800] =	vst v63  }
0xc5: {  	_ =	swait.ge [sflag:s9], $0x400  }
0xc6: {  	[sflag:s9] =	ssyncset.done $0x0  }
0xc7: {  	[sflag:s9] =	ssyncadd.s32 $0xFFFFFC00  }
0xc8: {  	[spmem:s3] =	stream.indirect.scatter.add.f32 [tilespmem:s18], [sflag:$0x9], $0x8, s30, s20, $0xb8;
	[tilespmem:$0x1D800] =	vst v63  }
0xc9: {  	_ =	swait.ge [sflag:s29], $0x2000  }
0xca: {  	[sflag:s29] =	ssyncset.done $0x0  }
0xcb: {  	s23 =	simm.s32 $0x9E80;
	[sflag:s29] =	ssyncadd.s32 $0xFFFFE000  }
0xcc: {  	[spmem:s2] =	stream.indirect.scatter.add.f32 [tilespmem:s22], [sflag:$0x6], $0x40, s23, s20, $0xb8;
	[tilespmem:$0x1D800] =	vst v63  }
0xcd: {  	_ =	swait.ge [sflag:s10], $0x400  }
0xce: {  	[sflag:s10] =	ssyncset.done $0x0  }
0xcf: {  	[sflag:s10] =	ssyncadd.s32 $0xFFFFFC00  }
0xd0: {  	[spmem:s3] =	stream.indirect.scatter.add.f32 [tilespmem:s18], [sflag:$0xA], $0x8, s23, s20, $0xb8;
	[tilespmem:$0x1D800] =	vst v63  }
0xd1: {  	_ =	swait.ge [sflag:s31], $0x2000  }
0xd2: {  	[sflag:s31] =	ssyncset.done $0x0  }
0xd3: {  	s30 =	simm.s32 $0x9F00;
	[sflag:s31] =	ssyncadd.s32 $0xFFFFE000  }
0xd4: {  	[spmem:s2] =	stream.indirect.scatter.add.f32 [tilespmem:s24], [sflag:$0x7], $0x40, s30, s20, $0xb8;
	[tilespmem:$0x1D800] =	vst v63  }
0xd5: {  	_ =	swait.ge [sflag:s11], $0x400  }
0xd6: {  	[sflag:s11] =	ssyncset.done $0x0  }
0xd7: {  	[sflag:s11] =	ssyncadd.s32 $0xFFFFFC00  }
0xd8: {  	[spmem:s3] =	stream.indirect.scatter.add.f32 [tilespmem:s18], [sflag:$0xB], $0x8, s30, s20, $0xb8;
	[tilespmem:$0x1D800] =	vst v63  }
0xd9: {  	_ =	swait.ge [sflag:s1], $0x2000  }
0xda: {  	[sflag:s1] =	ssyncset.done $0x0  }
0xdb: {  	s23 =	simm.s32 $0x9F80;
	[sflag:s1] =	ssyncadd.s32 $0xFFFFE000  }
0xdc: {  	[spmem:s2] =	stream.indirect.scatter.add.f32 [tilespmem:s26], [sflag:$0x8], $0x40, s23, s20, $0xb8;
	[tilespmem:$0x1D800] =	vst v63  }
0xdd: {  	_ =	swait.ge [sflag:s12], $0x400  }
0xde: {  	[sflag:s12] =	ssyncset.done $0x0  }
0xdf: {  	[sflag:s12] =	ssyncadd.s32 $0xFFFFFC00  }
0xe0: {  	[spmem:s3] =	stream.indirect.scatter.add.f32 [tilespmem:s18], [sflag:$0xC], $0x8, s23, s20, $0xb8;
	[tilespmem:$0x1D800] =	vst v63  }
0xe1: {  	_ =	swait.ge [sflag:s25], $0x2000  }
0xe2: {  	[sflag:s25] =	ssyncset.done $0x0  }
0xe3: {  	[sflag:s25] =	ssyncadd.s32 $0xFFFFE000  }
0xe4: {  	_ =	swait.ge [sflag:s9], $0x400  }
0xe5: {  	[sflag:s9] =	ssyncset.done $0x0  }
0xe6: {  	[sflag:s9] =	ssyncadd.s32 $0xFFFFFC00  }
0xe7: {  	_ =	swait.ge [sflag:s5], $0x2000  }
0xe8: {  	[sflag:s5] =	ssyncset.done $0x0  }
0xe9: {  	[sflag:s5] =	ssyncadd.s32 $0xFFFFE000  }
0xea: {  	_ =	swait.ge [sflag:s10], $0x400  }
0xeb: {  	[sflag:s10] =	ssyncset.done $0x0  }
0xec: {  	[sflag:s10] =	ssyncadd.s32 $0xFFFFFC00  }
0xed: {  	_ =	swait.ge [sflag:s6], $0x2000  }
0xee: {  	[sflag:s6] =	ssyncset.done $0x0  }
0xef: {  	[sflag:s6] =	ssyncadd.s32 $0xFFFFE000  }
0xf0: {  	_ =	swait.ge [sflag:s11], $0x400  }
0xf1: {  	[sflag:s11] =	ssyncset.done $0x0  }
0xf2: {  	[sflag:s11] =	ssyncadd.s32 $0xFFFFFC00  }
0xf3: {  	_ =	swait.ge [sflag:s7], $0x2000  }
0xf4: {  	[sflag:s7] =	ssyncset.done $0x0  }
0xf5: {  	[sflag:s7] =	ssyncadd.s32 $0xFFFFE000  }
0xf6: {  	_ =	swait.ge [sflag:s12], $0x400  }
0xf7: {  	[sflag:s12] =	ssyncset.done $0x0  }
0xf8: {  	[sflag:s12] =	ssyncadd.s32 $0xFFFFFC00  }
0xf9: {  	[bflag:$0x0] =	sbarrier.arrive $0xFFFF  }
0xfa: {  	s30 =	rddreg [dreg:$0xa]  }
0xfb: {  	[hbm:s30], [sflag:s8] =	dma.local [spmem:s15], $0x1400  }
0xfc: {  	_ =	swait.ge [sflag:s16], $0x1400  }
0xfd: {  	[sflag:s16] =	ssyncset.done $0x0  }
0xfe: {  	s23 =	rddreg [dreg:$0xb];
	[sflag:s16] =	ssyncadd.s32 $0xFFFFEC00  }
0xff: {  	[hbm:s23], [sflag:s8] =	dma.local [spmem:s17], $0x280  }
0x100: {  	_ =	swait.ge [sflag:s16], $0x280  }
0x101: {  	s13 =	sadd.s32 $0x1, s13;
	s30 =	rddreg [dreg:$0xc]  }
0x102: {  	p0 =	sne.s32 s13, s30  }
.Ltmp1:
0x103: {  	_ = 	snop;
	(pc) =	sbr.rel @p0 .LBB2_1-.Ltmp1, $3  }
0x104: {  	_ =	sdelay $0x1  }
0x105: {  	[sflag:s16] =	ssyncset.done $0x0  }
0x106: {  	[sflag:s16] =	ssyncadd.s32 $0xFFFFFD80  }
0x107: {  	_ =	sfence.sel $0x180000  }
0x108: {  	[bflag:$0x0] =	sbarrier.arrive $0xFFFF  }
0x109: {  	_ =	strace $0x90000047  }
0x10a: {  	s0 =	stileid.u32;
	[bflag:$0x2] =	sbarrier.arrive $0xFFFF  }
0x10b: {  	p0 =	sne.s32 s0, $0x0;
	s0 =	rddreg [dreg:$0x4]  }
0x10c: {  	s0 =	sadd.s32 @!p0 $0x100000, s0  }
0x10d: {  	[sflag:s0] =	ssyncadd.tile.s32 @!p0 $0x1;
	_ =	shalt  }
.Lfunc_end2:
_tile_overlayer_lowered:
.L_overlay_start_2:
0x10e: {  	(tag) =	ssettag $0x2  }
0x10f: {  	s0 =	rddreg [dreg:$0x0];
	s2 =	stileid.u32  }
0x110: {  	s1 =	rddreg [dreg:$0x1];
	p0 =	sne.s32 s2, $0x0  }
0x111: {  	s3 =	rddreg [dreg:$0x2];
	[bflag:$0x3] =	sbarrier.arrive $0xFFFF;
	s2 =	simm.s32 @!p0 $0x1C0D  }
0x112: {  	[timem:s3], [sflag:s2] =	dma.local @!p0 [hbm:s0], s1  }
0x113: {  	s0 =	simm.s32 @!p0 $0xD  }
0x114: {  	_ =	swait.ge @!p0 [sflag:s0], s1  }
0x115: {  	s1 =	ssub.s32 @!p0 $0x0, s1;
	[sflag:s0] =	ssyncset.done @!p0 $0x0  }
0x116: {  	[sflag:s0] =	ssyncadd.s32 @!p0 s1  }
0x117: {  	[bflag:$0x3] =	sbarrier.arrive $0xFFFF  }
0x118: {  	_ =	shalt  }

// kernel: kernel.9.cloned.1.call-start
scs
__scs_entry_jumppad:
0x0: {  	(pc) =	sbr.rel $0x88, $3  }
0x1: {  	(tag) =	ssettag $0x0;
	lr =	simm.s32 $0x1  }
0x2: {  	[smem:$0x3F99] =	sst lr;
	_ =	strace $0xD0000000  }
0x3: {  	_ = 	snop  }
0x4: {  	_ = 	snop  }
0x5: {  	_ = 	snop  }
0x6: {  	_ = 	snop  }
0x7: {  	_ = 	snop  }
__scs_overlays_trampoline_lowered:
0x8: {  	[smem:$0x3FA8] =	sst s0  }
0x9: {  	[smem:$0x3FA9] =	sst s1  }
0xa: {  	[smem:$0x3FAA] =	sst s2  }
0xb: {  	[smem:$0x3FAB] =	sst s3  }
0xc: {  	[smem:$0x3FAC] =	sst s4  }
0xd: {  	[smem:$0x3FAD] =	sst s5  }
0xe: {  	[smem:$0x3FAE] =	sst s6  }
0xf: {  	[smem:$0x3FAF] =	sst s7  }
0x10: {  	[smem:$0x3FB0] =	sst s8  }
0x11: {  	[smem:$0x3FB1] =	sst s9;
	s0 =	simm.s32 @!p0 $0x0  }
0x12: {  	s1 =	sld [smem:$0x3F97];
	s0 =	simm.s32 @p0 $0x1  }
0x13: {  	[smem:$0x3FB2] =	sst s0;
	s0 =	simm.s32 @!p1 $0x0  }
0x14: {  	s2 =	sld [smem:$0x3F96];
	s0 =	simm.s32 @p1 $0x1  }
0x15: {  	[smem:$0x3FB3] =	sst s0;
	s0 =	simm.s32 @!p2 $0x0  }
0x16: {  	s3 =	sld [smem:$0x3FDB];
	s0 =	simm.s32 @p2 $0x1  }
0x17: {  	s4 =	simm.s32 $0x1BF5;
	[smem:$0x3FB5] =	sst s0  }
0x18: {  	s0 =	sld [smem:$0x3F98];
	_ =	swait.ge [sflag:s4], $0x0  }
0x19: {  	s7 =	sld [smem:$0x3F99]  }
0x1a: {  	s8 =	sadd.s32 $0xFFFFE003, lr  }
0x1b: {  	s9 =	sadd.s32 $0xFFFFFEF7, lr;
	s5 =	simm.s32 $0xFFFFFFFF;
	p2 =	slt.u32 s8, $0xFFFFF086  }
0x1c: {  	p1 =	slt.u32 s9, $0xF7A;
	s5 =	simm.s32 @!p2 $0x0  }
0x1d: {  	s5 =	simm.s32 @p1 $0x1;
	p0 =	seq.s32 s7, s2  }
0x1e: {  	s7 =	smul.u32 @!p0 $0xF7A, s2;
	p2 =	seq.s32 @!p0 s5, $0x0  }
0x1f: {  	s9 =	smul.u32 $0xF7A, s1;
	s8 =	simm.s32 @!p0 $0x1BF5;
	p2 =	por !p2, p0  }
0x20: {  	[sflag:s8] =	ssyncset.s32 @!p0 $0xFFFFF086;
	s6 =	sadd.s32 @!p0 s3, s7;
	s7 =	simm.s32 @!p0 $0x108  }
0x21: {  	s3 =	sadd.s32 s3, s9;
	s6 =	sadd.s32 @!p0 $0x88, s6;
	s7 =	simm.s32 @p2 $0x1082  }
0x22: {  	[simem:s7], [sflag:s8] =	dma.local @!p0 [hbm:s6], $0xF7A  }
0x23: {  	s9 =	sor.u32 $0xD0000000, s2;
	s6 =	simm.s32 $0x108;
	_ =	swait.ge @!p0 [sflag:s8], $0x0  }
0x24: {  	s3 =	sadd.s32 $0x88, s3;
	s6 =	simm.s32 @!p1 $0x1082;
	[sflag:s4] =	ssyncset.s32 $0xFFFFF086  }
0x25: {  	[simem:s6], [sflag:s4] =	dma.local [hbm:s3], $0xF7A  }
0x26: {  	[smem:$0x3F99] =	sst s1;
	(tag) =	ssettag s2;
	_ =	strace s9  }
0x27: {  	s1 =	sld [smem:$0x3FA9]  }
0x28: {  	s2 =	sld [smem:$0x3FAA]  }
0x29: {  	s4 =	sld [smem:$0x3FAC]  }
0x2a: {  	p0 =	seq.s32 s5, $0x0;
	s5 =	sld [smem:$0x3FAD]  }
0x2b: {  	s6 =	sld [smem:$0x3FAE]  }
0x2c: {  	s7 =	sld [smem:$0x3FAF]  }
0x2d: {  	s3 =	simm.s32 $0x108;
	s8 =	sld [smem:$0x3FB0]  }
0x2e: {  	s3 =	simm.s32 @!p0 $0x1082;
	s9 =	sld [smem:$0x3FB1]  }
0x2f: {  	lr =	sadd.s32 s0, s3;
	s0 =	sld [smem:$0x3FA8]  }
0x30: {  	s3 =	sld [smem:$0x3FAB]  }
0x31: {  	[smem:$0x3FB4] =	sst s10  }
0x32: {  	s10 =	sld [smem:$0x3FB2];
	_ =	sdelay $0x3  }
0x33: {  	p0 =	seq.s32 s10, $0x1;
	s10 =	sld [smem:$0x3FB4];
	_ =	sdelay $0x3  }
0x34: {  	[smem:$0x3FB4] =	sst s10  }
0x35: {  	s10 =	sld [smem:$0x3FB3];
	_ =	sdelay $0x3  }
0x36: {  	p1 =	seq.s32 s10, $0x1;
	s10 =	sld [smem:$0x3FB4];
	_ =	sdelay $0x3  }
0x37: {  	[smem:$0x3FB4] =	sst s10  }
0x38: {  	s10 =	sld [smem:$0x3FB5]  }
0x39: {  	_ = 	snop;
	(pc) =	sbr.ind lr, $3  }
0x3a: {  	_ = 	snop  }
0x3b: {  	_ = 	snop  }
0x3c: {  	p2 =	seq.s32 s10, $0x1;
	s10 =	sld [smem:$0x3FB4]  }
0x3d: {  	_ =	shalt  }
0x3e: {  	_ =	shalt  }
0x3f: {  	_ =	shalt  }
0x40: {  	_ =	shalt  }
0x41: {  	_ =	shalt  }
0x42: {  	_ =	shalt  }
0x43: {  	_ =	shalt  }
0x44: {  	_ =	shalt  }
0x45: {  	_ =	shalt  }
0x46: {  	_ =	shalt  }
0x47: {  	_ =	shalt  }
0x48: {  	_ =	shalt  }
0x49: {  	_ =	shalt  }
0x4a: {  	_ =	shalt  }
0x4b: {  	_ =	shalt  }
0x4c: {  	_ =	shalt  }
0x4d: {  	_ =	shalt  }
0x4e: {  	_ =	shalt  }
0x4f: {  	_ =	shalt  }
0x50: {  	_ =	shalt  }
0x51: {  	_ =	shalt  }
0x52: {  	_ =	shalt  }
0x53: {  	_ =	shalt  }
0x54: {  	_ =	shalt  }
0x55: {  	_ =	shalt  }
0x56: {  	_ =	shalt  }
0x57: {  	_ =	shalt  }
0x58: {  	_ =	shalt  }
0x59: {  	_ =	shalt  }
0x5a: {  	_ =	shalt  }
0x5b: {  	_ =	shalt  }
0x5c: {  	_ =	shalt  }
0x5d: {  	_ =	shalt  }
0x5e: {  	_ =	shalt  }
0x5f: {  	_ =	shalt  }
0x60: {  	_ =	shalt  }
0x61: {  	_ =	shalt  }
0x62: {  	_ =	shalt  }
0x63: {  	_ =	shalt  }
0x64: {  	_ =	shalt  }
0x65: {  	_ =	shalt  }
0x66: {  	_ =	shalt  }
0x67: {  	_ =	shalt  }
0x68: {  	_ =	shalt  }
0x69: {  	_ =	shalt  }
0x6a: {  	_ =	shalt  }
0x6b: {  	_ =	shalt  }
0x6c: {  	_ =	shalt  }
0x6d: {  	_ =	shalt  }
0x6e: {  	_ =	shalt  }
0x6f: {  	_ =	shalt  }
0x70: {  	_ =	shalt  }
0x71: {  	_ =	shalt  }
0x72: {  	_ =	shalt  }
0x73: {  	_ =	shalt  }
0x74: {  	_ =	shalt  }
0x75: {  	_ =	shalt  }
0x76: {  	_ =	shalt  }
0x77: {  	_ =	shalt  }
0x78: {  	_ =	shalt  }
0x79: {  	_ =	shalt  }
0x7a: {  	_ =	shalt  }
0x7b: {  	_ =	shalt  }
0x7c: {  	_ =	shalt  }
0x7d: {  	_ =	shalt  }
0x7e: {  	_ =	shalt  }
0x7f: {  	_ =	shalt  }
0x80: {  	_ =	shalt  }
0x81: {  	_ =	shalt  }
0x82: {  	_ =	shalt  }
0x83: {  	_ =	shalt  }
0x84: {  	_ =	shalt  }
0x85: {  	_ =	shalt  }
0x86: {  	_ =	shalt  }
0x87: {  	_ =	shalt  }
.Lfunc_end0:
.L_simem_size_0:
called_computation.1_lowered:
.L_overlay_start_0:
0x88: {  	s2 =	sld [smem:$0x3FD9]  }
0x89: {  	s3 =	sld [smem:$0x3FFE];
	_ =	sdelay $0x1  }
0x8a: {  	s1 =	srdreg.scid  }
0x8b: {  	s0 =	sand.u32 $0x1, s1  }
0x8c: {  	s17 =	sshll.u32 s0, $0xA;
	s2 =	sadd.s32 s3, s2  }
0x8d: {  	s2 =	sadd.s32 s2, s17  }
0x8e: {  	[smem:$0x3FC0] =	sst s2  }
0x8f: {  	_ = 	snop  }
0x90: {  	s2 =	sld [smem:$0x3FD0];
	(tm) =	ssettm $0x1  }
0x91: {  	s18 =	sld [smem:$0x3FFB];
	_ =	sdelay $0x3  }
0x92: {  	_ =	strace s18  }
0x93: {  	s3 =	sld [smem:$0x3FFC];
	_ =	sdelay $0x3  }
0x94: {  	_ =	strace s3  }
0x95: {  	s3 =	sld [smem:$0x3FFD];
	_ =	sdelay $0x3  }
0x96: {  	_ =	strace s3  }
0x97: {  	_ =	strace $0x8FFFFFFF  }
0x98: {  	s19 =	sld [smem:$0x3FDB];
	_ =	sdelay $0x1  }
0x99: {  	s4 =	simm.s32 $_scs_section_size  }
0x9a: {  	s5 =	simm.s32 $_size__tile_overlayer_lowered;
	s6 =	simm.s32 $_tile_overlayer_lowered  }
0x9b: {  	s22 =	simm.s32 $0x1BFF;
	s21 =	sshll.u32 s6, $0x1;
	s3 =	sadd.s32 s4, s19  }
0x9c: {  	s7 =	simm.s32 $0x0;
	s20 =	sshll.u32 s5, $0x1;
	s5 =	sadd.s32 s21, s3  }
0x9d: {  	[timem:s7], [sflag:s22] =	dma.local [hbm:s5], s20  }
0x9e: {  	_ =	swait.ge [sflag:s22], s20  }
0x9f: {  	s4 =	ssub.s32 $0x0, s20;
	[sflag:s22] =	ssyncset.done $0x0  }
0xa0: {  	[sflag:s22] =	ssyncadd.s32 s4;
	_ =	sdelay $0x1  }
0xa1: {  	s23 =	simm.s32 $0x1B8B  }
0xa2: {  	_ =	swait.ge [sflag:s23], $0x1  }
0xa3: {  	[sflag:s23] =	ssyncset.done $0x0  }
0xa4: {  	s25 =	simm.s32 $0x1B8E;
	s24 =	sld [smem:$0x3FFE];
	[sflag:s23] =	ssyncadd.s32 $0xFFFFFFFF  }
0xa5: {  	s26 =	simm.s32 $execute0_lowered;
	[smem:$0x3FD2] =	sst s25  }
0xa6: {  	s5 =	sshll.u32 s26, $0x1;
	_ =	strace $0x80000049;
	[dreg:$0x1] =	wrdreg $0xFFFFFFFF  }
0xa7: {  	s28 =	simm.s32 $_size_execute0_lowered;
	s3 =	sadd.s32 s3, s5;
	[dreg:$0x0] =	wrdreg $0x0  }
0xa8: {  	s5 =	sshll.u32 s28, $0x1;
	[dreg:$0x2] =	wrdreg s3  }
0xa9: {  	[dreg:$0x3] =	wrdreg s5  }
0xaa: {  	[dreg:$0x4] =	wrdreg $0xC0  }
0xab: {  	_ =	task [dreg:s7], $0x5FFFF  }
0xac: {  	[dreg:$0x1] =	wrdreg $0xFFFFFFFF  }
0xad: {  	[dreg:$0x0] =	wrdreg $0x60  }
0xae: {  	[dreg:$0x2] =	wrdreg s24  }
0xaf: {  	[dreg:$0x3] =	wrdreg s2  }
0xb0: {  	[dreg:$0x4] =	wrdreg $0x120000  }
0xb1: {  	[dreg:$0x5] =	wrdreg $0x9  }
0xb2: {  	_ =	task.clear_ibuf [dreg:s7], $0x6FFFF;
	_ =	strace $0x90000049  }
0xb3: {  	s29 =	simm.s32 $0x9;
	_ =	strace $0x8000004B  }
0xb4: {  	_ =	swait.ge [sflag:s29], $0x1  }
0xb5: {  	[sflag:s29] =	ssyncadd.s32 $0xFFFFFFFF  }
0xb6: {  	_ =	strace $0x9000004B  }
0xb7: {  	_ =	sfence  }
0xb8: {  	s30 =	sld [smem:$0x0];
	_ =	sdelay $0x2  }
0xb9: {  	s31 =	sshll.u32 s1, $0xD;
	s1 =	sshrl.u32 s1, $0x2  }
0xba: {  	s3 =	sand.u32 $0x4000, s31;
	s1 =	sadd.s32 s1, s30  }
0xbb: {  	s0 =	sor.u32 s3, s0;
	s1 =	sshll.u32 s1, $0x11  }
0xbc: {  	s0 =	sor.u32 s1, s0  }
0xbd: {  	s0 =	sadd.s32 $0x8F2B, s0  }
0xbe: {  	[sflag:s0] =	ssyncadd.remote.s32 $0x1  }
0xbf: {  	_ =	sfence.sel $0xFFFF  }
0xc0: {  	[dreg:$0x0] =	wrdreg $0xFFFFFFFF;
	(pc) =	sbr.abs _section_cstart, $3  }
0xc1: {  	[dreg:$0x1] =	wrdreg $0xFFFFFFFF  }
0xc2: {  	_ =	task.clear_ibuf [dreg:s7], $0x2FFFF;
	_ =	strace $0x9FFFFFFF  }
0xc3: {  	(tm) =	ssettm $0x7FFFFFFF  }
tec
execute0_lowered:
.L_overlay_start_1:
0x0: {  	(tag) =	ssettag $0x1  }
0x1: {  	s0 =	rddreg [dreg:$0x0]  }
0x2: {  	s1 =	rddreg [dreg:$0x1]  }
0x3: {  	s2 =	rddreg [dreg:$0x2]  }
0x4: {  	s14 =	stileid.u32;
	s4 =	srdreg.scid;
	s3 =	simm.s32 $0x0  }
0x5: {  	s15 =	simm.s32 $0xA000;
	s16 =	simm.s32 $0xC000;
	s18 =	simm.s32 $0xE000  }
0x6: {  	s20 =	simm.s32 $0x10000;
	s21 =	simm.s32 $0x1;
	s22 =	simm.s32 $0x2  }
0x7: {  	s24 =	simm.s32 $0x3;
	s29 =	simm.s32 $0x5;
	s31 =	simm.s32 $0x6  }
0x8: {  	s19 =	simm.s32 $0x8;
	s30 =	simm.s32 $0x9F00;
	s6 =	smul.u32 $0xA00, s14  }
0x9: {  	s17 =	simm.s32 $0x0;
	s7 =	sand.u32 $0x1, s4;
	s5 =	smul.u32 $0x1400, s14  }
0xa: {  	[smem:$0x7FF] =	sst s3;
	s10 =	smul.u32 $0x28000, s14;
	s4 =	sadd.s32 $0x32C00, s0  }
0xb: {  	s28 =	sshll.u32 s14, $0x6;
	s14 =	simm.s32 $0x80;
	s8 =	smul.u32 $0x14000, s7  }
0xc: {  	_ =	strace $0x8000004A;
	s25 =	ssub.s32 $0x2, s7;
	p0 =	seq.s32 s7, $0x0  }
0xd: {  	s9 =	sadd.s32 s6, s0;
	s26 =	sshrl.u32 s25, $0x1;
	s10 =	sshrl.u32 s10, $0x2  }
0xe: {  	s6 =	sadd.s32 s1, s6;
	s1 =	simm.s32 $0x7;
	s5 =	sadd.s32 s5, s8  }
0xf: {  	s12 =	ssub.s32 s25, s26;
	s13 =	sadd.s32 s10, s2;
	s10 =	simm.s32 $0x15200  }
0x10: {  	s7 =	sadd.s32 $0x28C00, s9;
	s26 =	simm.s32 $0x4;
	s11 =	sadd.s32 s5, s0  }
0x11: {  	s5 =	sor.u32 $0x1C09, s28;
	s10 =	simm.s32 @!p0 $0x1800;
	s9 =	smax.u32 s12, $0x1  }
0x12: {  	s12 =	simm.s32 $0x9;
	s8 =	sadd.s32 $0x34000, s11;
	s10 =	sadd.s32 s10, s0  }
0x13: {  	s11 =	sshrl.u32 s13, $0x3;
	s13 =	simm.s32 $0x5000;
	s0 =	simm.s32 $0x9F80  }
.LBB2_1:
0x14: {  	[spmem:s11], [sflag:s5] =	dma.local [hbm:s4], $0x1400  }
0x15: {  	_ =	swait.ge [sflag:s12], $0x1400  }
0x16: {  	[sflag:s12] =	ssyncset.done $0x0  }
0x17: {  	[sflag:s12] =	ssyncadd.s32 $0xFFFFEC00  }
0x18: {  	[tilespmem:s3], [sflag:$0x9] =	stream.linear.gather [hbm4b:s6+s3], $0x5000, $0x38;
	[tilespmem:$0x1C000] =	vst v63  }
0x19: {  	_ =	swait.ge [sflag:s12], $0x5000  }
0x1a: {  	[sflag:s12] =	ssyncset.done $0x0  }
0x1b: {  	[sflag:s12] =	ssyncadd.s32 $0xFFFFB000  }
0x1c: {  	[tilespmem:s13], [sflag:$0x9] =	stream.linear.gather [hbm4b:s7+s3], $0x5000, $0x38;
	[tilespmem:$0x1C000] =	vst v63  }
0x1d: {  	_ =	swait.ge [sflag:s12], $0x5000  }
0x1e: {  	[sflag:s12] =	ssyncset.done $0x0  }
0x1f: {  	[sflag:s12] =	ssyncadd.s32 $0xFFFFB000  }
0x20: {  	[bflag:$0x0] =	sbarrier.arrive $0xFFFF  }
0x21: {  	[tilespmem:s15], [sflag:$0x1] =	stream.indirect.gather [hbm4b:s10+s14], $0x40, s3, s14, $0xb8;
	[tilespmem:$0x1C000] =	vst v63  }
0x22: {  	_ = 	snop  }
0x23: {  	[tilespmem:s16], [sflag:$0x2] =	stream.indirect.gather [hbm4b:s10+s14], $0x40, s14, s14, $0xb8;
	[tilespmem:$0x1C000] =	vst v63  }
0x24: {  	s23 =	simm.s32 $0x100  }
0x25: {  	[tilespmem:s18], [sflag:$0x3] =	stream.indirect.gather [hbm4b:s10+s14], $0x40, s23, s14, $0xb8;
	[tilespmem:$0x1C000] =	vst v63  }
0x26: {  	s28 =	simm.s32 $0x180  }
0x27: {  	[tilespmem:s20], [sflag:$0x4] =	stream.indirect.gather [hbm4b:s10+s14], $0x40, s28, s14, $0xb8;
	[tilespmem:$0x1C000] =	vst v63  }
0x28: {  	_ =	swait.ge [sflag:s21], $0x2000  }
0x29: {  	[sflag:s21] =	ssyncset.done $0x0  }
0x2a: {  	[sflag:s21] =	ssyncadd.s32 $0xFFFFE000  }
0x2b: {  	[spmem:s2] =	stream.indirect.scatter.add.f32 [tilespmem:s15], [sflag:$0x5], $0x40, s13, s14, $0xb8;
	[tilespmem:$0x1C000] =	vst v63  }
0x2c: {  	_ =	swait.ge [sflag:s22], $0x2000  }
0x2d: {  	[sflag:s22] =	ssyncset.done $0x0  }
0x2e: {  	s25 =	simm.s32 $0x5080;
	[sflag:s22] =	ssyncadd.s32 $0xFFFFE000  }
0x2f: {  	[spmem:s2] =	stream.indirect.scatter.add.f32 [tilespmem:s16], [sflag:$0x6], $0x40, s25, s14, $0xb8;
	[tilespmem:$0x1C000] =	vst v63  }
0x30: {  	_ =	swait.ge [sflag:s24], $0x2000  }
0x31: {  	[sflag:s24] =	ssyncset.done $0x0  }
0x32: {  	s28 =	simm.s32 $0x5100;
	[sflag:s24] =	ssyncadd.s32 $0xFFFFE000  }
0x33: {  	[spmem:s2] =	stream.indirect.scatter.add.f32 [tilespmem:s18], [sflag:$0x7], $0x40, s28, s14, $0xb8;
	[tilespmem:$0x1C000] =	vst v63  }
0x34: {  	_ =	swait.ge [sflag:s26], $0x2000  }
0x35: {  	[sflag:s26] =	ssyncset.done $0x0  }
0x36: {  	s25 =	simm.s32 $0x5180;
	[sflag:s26] =	ssyncadd.s32 $0xFFFFE000  }
0x37: {  	[spmem:s2] =	stream.indirect.scatter.add.f32 [tilespmem:s20], [sflag:$0x8], $0x40, s25, s14, $0xb8;
	[tilespmem:$0x1C000] =	vst v63  }
0x38: {  	_ =	swait.ge [sflag:s29], $0x2000  }
0x39: {  	[sflag:s29] =	ssyncset.done $0x0  }
0x3a: {  	s28 =	simm.s32 $0x200;
	[sflag:s29] =	ssyncadd.s32 $0xFFFFE000  }
0x3b: {  	[tilespmem:s15], [sflag:$0x1] =	stream.indirect.gather [hbm4b:s10+s14], $0x40, s28, s14, $0xb8;
	[tilespmem:$0x1C000] =	vst v63  }
0x3c: {  	_ =	swait.ge [sflag:s31], $0x2000  }
0x3d: {  	[sflag:s31] =	ssyncset.done $0x0  }
0x3e: {  	s25 =	simm.s32 $0x280;
	[sflag:s31] =	ssyncadd.s32 $0xFFFFE000  }
0x3f: {  	[tilespmem:s16], [sflag:$0x2] =	stream.indirect.gather [hbm4b:s10+s14], $0x40, s25, s14, $0xb8;
	[tilespmem:$0x1C000] =	vst v63  }
0x40: {  	_ =	swait.ge [sflag:s1], $0x2000  }
0x41: {  	[sflag:s1] =	ssyncset.done $0x0  }
0x42: {  	s28 =	simm.s32 $0x300;
	[sflag:s1] =	ssyncadd.s32 $0xFFFFE000  }
0x43: {  	[tilespmem:s18], [sflag:$0x3] =	stream.indirect.gather [hbm4b:s10+s14], $0x40, s28, s14, $0xb8;
	[tilespmem:$0x1C000] =	vst v63  }
0x44: {  	_ =	swait.ge [sflag:s19], $0x2000  }
0x45: {  	[sflag:s19] =	ssyncset.done $0x0  }
0x46: {  	s25 =	simm.s32 $0x380;
	[sflag:s19] =	ssyncadd.s32 $0xFFFFE000  }
0x47: {  	[tilespmem:s20], [sflag:$0x4] =	stream.indirect.gather [hbm4b:s10+s14], $0x40, s25, s14, $0xb8;
	[tilespmem:$0x1C000] =	vst v63  }
0x48: {  	_ =	swait.ge [sflag:s21], $0x2000  }
0x49: {  	[sflag:s21] =	ssyncset.done $0x0  }
0x4a: {  	s28 =	simm.s32 $0x5200;
	[sflag:s21] =	ssyncadd.s32 $0xFFFFE000  }
0x4b: {  	[spmem:s2] =	stream.indirect.scatter.add.f32 [tilespmem:s15], [sflag:$0x5], $0x40, s28, s14, $0xb8;
	[tilespmem:$0x1C000] =	vst v63  }
0x4c: {  	_ =	swait.ge [sflag:s22], $0x2000  }
0x4d: {  	[sflag:s22] =	ssyncset.done $0x0  }
0x4e: {  	s25 =	simm.s32 $0x5280;
	[sflag:s22] =	ssyncadd.s32 $0xFFFFE000  }
0x4f: {  	[spmem:s2] =	stream.indirect.scatter.add.f32 [tilespmem:s16], [sflag:$0x6], $0x40, s25, s14, $0xb8;
	[tilespmem:$0x1C000] =	vst v63  }
0x50: {  	_ =	swait.ge [sflag:s24], $0x2000  }
0x51: {  	[sflag:s24] =	ssyncset.done $0x0  }
0x52: {  	s28 =	simm.s32 $0x5300;
	[sflag:s24] =	ssyncadd.s32 $0xFFFFE000  }
0x53: {  	[spmem:s2] =	stream.indirect.scatter.add.f32 [tilespmem:s18], [sflag:$0x7], $0x40, s28, s14, $0xb8;
	[tilespmem:$0x1C000] =	vst v63  }
0x54: {  	_ =	swait.ge [sflag:s26], $0x2000  }
0x55: {  	[sflag:s26] =	ssyncset.done $0x0  }
0x56: {  	s25 =	simm.s32 $0x5380;
	[sflag:s26] =	ssyncadd.s32 $0xFFFFE000  }
0x57: {  	[spmem:s2] =	stream.indirect.scatter.add.f32 [tilespmem:s20], [sflag:$0x8], $0x40, s25, s14, $0xb8;
	[tilespmem:$0x1C000] =	vst v63  }
0x58: {  	_ =	swait.ge [sflag:s29], $0x2000  }
0x59: {  	[sflag:s29] =	ssyncset.done $0x0  }
0x5a: {  	s28 =	simm.s32 $0x400;
	[sflag:s29] =	ssyncadd.s32 $0xFFFFE000  }
0x5b: {  	[tilespmem:s15], [sflag:$0x1] =	stream.indirect.gather [hbm4b:s10+s14], $0x40, s28, s14, $0xb8;
	[tilespmem:$0x1C000] =	vst v63  }
0x5c: {  	_ =	swait.ge [sflag:s31], $0x2000  }
0x5d: {  	[sflag:s31] =	ssyncset.done $0x0  }
0x5e: {  	s25 =	simm.s32 $0x480;
	[sflag:s31] =	ssyncadd.s32 $0xFFFFE000  }
0x5f: {  	[tilespmem:s16], [sflag:$0x2] =	stream.indirect.gather [hbm4b:s10+s14], $0x40, s25, s14, $0xb8;
	[tilespmem:$0x1C000] =	vst v63  }
0x60: {  	_ =	swait.ge [sflag:s1], $0x2000  }
0x61: {  	[sflag:s1] =	ssyncset.done $0x0  }
0x62: {  	s28 =	simm.s32 $0x500;
	[sflag:s1] =	ssyncadd.s32 $0xFFFFE000  }
0x63: {  	[tilespmem:s18], [sflag:$0x3] =	stream.indirect.gather [hbm4b:s10+s14], $0x40, s28, s14, $0xb8;
	[tilespmem:$0x1C000] =	vst v63  }
0x64: {  	_ =	swait.ge [sflag:s19], $0x2000  }
0x65: {  	[sflag:s19] =	ssyncset.done $0x0  }
0x66: {  	s23 =	simm.s32 $0x800;
	s25 =	simm.s32 $0x580;
	[sflag:s19] =	ssyncadd.s32 $0xFFFFE000  }
.LBB2_2:
0x67: {  	[tilespmem:s20], [sflag:$0x4] =	stream.indirect.gather [hbm4b:s10+s14], $0x40, s25, s14, $0xb8;
	[tilespmem:$0x1C000] =	vst v63  }
0x68: {  	s25 =	smov.u32 s23  }
0x69: {  	p0 =	sne.s32 s23, $0x12800;
	s23 =	sadd.s32 $0x800, s23;
	_ =	swait.ge [sflag:s21], $0x2000  }
0x6a: {  	s25 =	sshra.s32 s25, $0x2;
	[sflag:s21] =	ssyncset.done $0x0  }
0x6b: {  	s28 =	sadd.s32 $0x5200, s25;
	[sflag:s21] =	ssyncadd.s32 $0xFFFFE000  }
0x6c: {  	[spmem:s2] =	stream.indirect.scatter.add.f32 [tilespmem:s15], [sflag:$0x5], $0x40, s28, s14, $0xb8;
	[tilespmem:$0x1C000] =	vst v63  }
0x6d: {  	_ =	swait.ge [sflag:s22], $0x2000  }
0x6e: {  	[sflag:s22] =	ssyncset.done $0x0  }
0x6f: {  	s28 =	sadd.s32 $0x5280, s25;
	[sflag:s22] =	ssyncadd.s32 $0xFFFFE000  }
0x70: {  	[spmem:s2] =	stream.indirect.scatter.add.f32 [tilespmem:s16], [sflag:$0x6], $0x40, s28, s14, $0xb8;
	[tilespmem:$0x1C000] =	vst v63  }
0x71: {  	_ =	swait.ge [sflag:s24], $0x2000  }
0x72: {  	[sflag:s24] =	ssyncset.done $0x0  }
0x73: {  	s28 =	sadd.s32 $0x5300, s25;
	[sflag:s24] =	ssyncadd.s32 $0xFFFFE000  }
0x74: {  	[spmem:s2] =	stream.indirect.scatter.add.f32 [tilespmem:s18], [sflag:$0x7], $0x40, s28, s14, $0xb8;
	[tilespmem:$0x1C000] =	vst v63  }
0x75: {  	_ =	swait.ge [sflag:s26], $0x2000  }
0x76: {  	[sflag:s26] =	ssyncset.done $0x0  }
0x77: {  	s28 =	sadd.s32 $0x5380, s25;
	[sflag:s26] =	ssyncadd.s32 $0xFFFFE000  }
0x78: {  	[spmem:s2] =	stream.indirect.scatter.add.f32 [tilespmem:s20], [sflag:$0x8], $0x40, s28, s14, $0xb8;
	[tilespmem:$0x1C000] =	vst v63  }
0x79: {  	_ =	swait.ge [sflag:s29], $0x2000  }
0x7a: {  	[sflag:s29] =	ssyncset.done $0x0  }
0x7b: {  	s28 =	sadd.s32 $0x400, s25;
	[sflag:s29] =	ssyncadd.s32 $0xFFFFE000  }
0x7c: {  	[tilespmem:s15], [sflag:$0x1] =	stream.indirect.gather [hbm4b:s10+s14], $0x40, s28, s14, $0xb8;
	[tilespmem:$0x1C000] =	vst v63  }
0x7d: {  	_ =	swait.ge [sflag:s31], $0x2000  }
0x7e: {  	[sflag:s31] =	ssyncset.done $0x0  }
0x7f: {  	s28 =	sadd.s32 $0x480, s25;
	[sflag:s31] =	ssyncadd.s32 $0xFFFFE000  }
0x80: {  	[tilespmem:s16], [sflag:$0x2] =	stream.indirect.gather [hbm4b:s10+s14], $0x40, s28, s14, $0xb8;
	[tilespmem:$0x1C000] =	vst v63  }
0x81: {  	_ =	swait.ge [sflag:s1], $0x2000  }
0x82: {  	[sflag:s1] =	ssyncset.done $0x0  }
.Ltmp0:
0x83: {  	s28 =	sadd.s32 $0x500, s25;
	[sflag:s1] =	ssyncadd.s32 $0xFFFFE000;
	(pc) =	sbr.rel @p0 .LBB2_2-.Ltmp0, $4  }
0x84: {  	[tilespmem:s18], [sflag:$0x3] =	stream.indirect.gather [hbm4b:s10+s14], $0x40, s28, s14, $0xb8;
	[tilespmem:$0x1C000] =	vst v63  }
0x85: {  	_ =	swait.ge [sflag:s19], $0x2000  }
0x86: {  	[sflag:s19] =	ssyncset.done $0x0  }
0x87: {  	s25 =	sadd.s32 $0x580, s25;
	[sflag:s19] =	ssyncadd.s32 $0xFFFFE000  }
0x88: {  	[tilespmem:s20], [sflag:$0x4] =	stream.indirect.gather [hbm4b:s10+s14], $0x40, s25, s14, $0xb8;
	[tilespmem:$0x1C000] =	vst v63  }
0x89: {  	_ =	swait.ge [sflag:s21], $0x2000  }
0x8a: {  	[sflag:s21] =	ssyncset.done $0x0  }
0x8b: {  	s23 =	simm.s32 $0x9E00;
	[sflag:s21] =	ssyncadd.s32 $0xFFFFE000  }
0x8c: {  	[spmem:s2] =	stream.indirect.scatter.add.f32 [tilespmem:s15], [sflag:$0x5], $0x40, s23, s14, $0xb8;
	[tilespmem:$0x1C000] =	vst v63  }
0x8d: {  	_ =	swait.ge [sflag:s22], $0x2000  }
0x8e: {  	[sflag:s22] =	ssyncset.done $0x0  }
0x8f: {  	s28 =	simm.s32 $0x9E80;
	[sflag:s22] =	ssyncadd.s32 $0xFFFFE000  }
0x90: {  	[spmem:s2] =	stream.indirect.scatter.add.f32 [tilespmem:s16], [sflag:$0x6], $0x40, s28, s14, $0xb8;
	[tilespmem:$0x1C000] =	vst v63  }
0x91: {  	_ =	swait.ge [sflag:s24], $0x2000  }
0x92: {  	[sflag:s24] =	ssyncset.done $0x0  }
0x93: {  	[sflag:s24] =	ssyncadd.s32 $0xFFFFE000  }
0x94: {  	[spmem:s2] =	stream.indirect.scatter.add.f32 [tilespmem:s18], [sflag:$0x7], $0x40, s30, s14, $0xb8;
	[tilespmem:$0x1C000] =	vst v63  }
0x95: {  	_ =	swait.ge [sflag:s26], $0x2000  }
0x96: {  	[sflag:s26] =	ssyncset.done $0x0  }
0x97: {  	[sflag:s26] =	ssyncadd.s32 $0xFFFFE000  }
0x98: {  	[spmem:s2] =	stream.indirect.scatter.add.f32 [tilespmem:s20], [sflag:$0x8], $0x40, s0, s14, $0xb8;
	[tilespmem:$0x1C000] =	vst v63  }
0x99: {  	_ =	swait.ge [sflag:s29], $0x2000  }
0x9a: {  	[sflag:s29] =	ssyncset.done $0x0  }
0x9b: {  	[sflag:s29] =	ssyncadd.s32 $0xFFFFE000  }
0x9c: {  	_ =	swait.ge [sflag:s31], $0x2000  }
0x9d: {  	[sflag:s31] =	ssyncset.done $0x0  }
0x9e: {  	[sflag:s31] =	ssyncadd.s32 $0xFFFFE000  }
0x9f: {  	_ =	swait.ge [sflag:s1], $0x2000  }
0xa0: {  	[sflag:s1] =	ssyncset.done $0x0  }
0xa1: {  	[sflag:s1] =	ssyncadd.s32 $0xFFFFE000  }
0xa2: {  	_ =	swait.ge [sflag:s19], $0x2000  }
0xa3: {  	s17 =	sadd.s32 $0x1, s17;
	[sflag:s19] =	ssyncset.done $0x0  }
0xa4: {  	p0 =	sne.s32 s17, s9;
	[sflag:s19] =	ssyncadd.s32 $0xFFFFE000  }
.Ltmp1:
0xa5: {  	[bflag:$0x0] =	sbarrier.arrive $0xFFFF;
	(pc) =	sbr.rel @p0 .LBB2_1-.Ltmp1, $4  }
0xa6: {  	[hbm:s8], [sflag:s5] =	dma.local [spmem:s11], $0x1400  }
0xa7: {  	_ =	swait.ge [sflag:s12], $0x1400  }
0xa8: {  	[sflag:s12] =	ssyncset.done $0x0  }
0xa9: {  	[sflag:s12] =	ssyncadd.s32 $0xFFFFEC00  }
0xaa: {  	_ =	sfence.sel $0x180000  }
0xab: {  	[bflag:$0x0] =	sbarrier.arrive $0xFFFF  }
0xac: {  	_ =	strace $0x9000004A  }
0xad: {  	s0 =	stileid.u32;
	[bflag:$0x2] =	sbarrier.arrive $0xFFFF  }
0xae: {  	p0 =	sne.s32 s0, $0x0;
	s0 =	rddreg [dreg:$0x3]  }
0xaf: {  	s0 =	sadd.s32 @!p0 $0x100000, s0  }
0xb0: {  	[sflag:s0] =	ssyncadd.tile.s32 @!p0 $0x1;
	_ =	shalt  }
.Lfunc_end2:
_tile_overlayer_lowered:
.L_overlay_start_2:
0xb1: {  	(tag) =	ssettag $0x2  }
0xb2: {  	s0 =	rddreg [dreg:$0x0];
	s2 =	stileid.u32  }
0xb3: {  	s1 =	rddreg [dreg:$0x1];
	p0 =	sne.s32 s2, $0x0  }
0xb4: {  	s3 =	rddreg [dreg:$0x2];
	[bflag:$0x3] =	sbarrier.arrive $0xFFFF;
	s2 =	simm.s32 @!p0 $0x1C09  }
0xb5: {  	[timem:s3], [sflag:s2] =	dma.local @!p0 [hbm:s0], s1  }
0xb6: {  	s0 =	simm.s32 @!p0 $0x9  }
0xb7: {  	_ =	swait.ge @!p0 [sflag:s0], s1  }
0xb8: {  	s1 =	ssub.s32 @!p0 $0x0, s1;
	[sflag:s0] =	ssyncset.done @!p0 $0x0  }
0xb9: {  	[sflag:s0] =	ssyncadd.s32 @!p0 s1  }
0xba: {  	[bflag:$0x3] =	sbarrier.arrive $0xFFFF  }
0xbb: {  	_ =	shalt  }

</sc_bundles>
